<compile_context>
chip_gen: v7x
topology: tpu7x:2x2x1
jax: 0.10.2.dev20260603
libtpu: 0.0.44.dev20260713+nightly
codegen_flags: <defaults>
</compile_context>

<pallas_src>
import dataclasses
import functools

import jax
import jax.numpy as jnp
from jax import lax
from jax.experimental import pallas as pl
from jax.experimental.pallas import tpu as pltpu
from jax.experimental.pallas import tpu_sc as plsc

GAMMA_ = 12.0
N_ = 10000
E_ = 320000
D_ = 128
NC_ = 2
NS_ = 16
L_ = 16
NW_ = NC_ * NS_
EPT_ = E_ // NW_
B_ = 40
NBLK_ = EPT_ // B_
RPT_ = 624
REM_ = N_ - NS_ * RPT_
NRING_ = 4


def _edge_block_compute(gv, relv, msgv):

    @pl.loop(0, B_, step=2)
    def _(e0):
        for e in (e0, e0 + 1):
            accs = [jnp.zeros((L_,), jnp.float32) for _ in range(4)]
            trs = []
            for j in range(D_ // L_):
                h = gv[e, pl.ds(L_ * j, L_)]
                r = relv[e, pl.ds(L_ * j, L_)]
                t = gv[B_ + e, pl.ds(L_ * j, L_)]
                tr = h + r
                d = tr - t
                accs[j % 4] = accs[j % 4] + d * d
                trs.append(tr)
            acc = (accs[0] + accs[1]) + (accs[2] + accs[3])
            d2 = jnp.broadcast_to(jnp.sum(acc), (L_,))
            bits = lax.bitcast_convert_type(d2, jnp.int32)
            seed = jnp.full((L_,), 0x5F3759DF, jnp.int32) - (bits >> 1)
            y = lax.bitcast_convert_type(seed, jnp.float32)
            half = d2 * 0.5
            y = y * (1.5 - half * y * y)
            y = y * (1.5 - half * y * y)
            dist = d2 * y
            score = 1.0 / (1.0 + jnp.exp(dist - GAMMA_))
            for j in range(D_ // L_):
                msgv[e, pl.ds(L_ * j, L_)] = trs[j] * score


def _sc_partials(x, idxg, idxs, rel, zrows):
    mesh = plsc.VectorSubcoreMesh(core_axis_name="c", subcore_axis_name="s")
    cp = pltpu.CompilerParams()
    if "needs_layout_passes" in pltpu.CompilerParams.__dataclass_fields__:
        cp = dataclasses.replace(cp, needs_layout_passes=False)

    @functools.partial(
        pl.kernel,
        compiler_params=cp,
        out_type=jax.ShapeDtypeStruct((NC_ * N_, D_), jnp.float32),
        mesh=mesh,
        scratch_types=[
            pltpu.VMEM((NRING_, 1, 2 * B_), jnp.int32),
            pltpu.VMEM((NRING_, 1, B_), jnp.int32),
            pltpu.VMEM((2 * B_, D_), jnp.float32),
            pltpu.VMEM((2 * B_, D_), jnp.float32),
            pltpu.VMEM((B_, D_), jnp.float32),
            pltpu.VMEM((B_, D_), jnp.float32),
            pltpu.VMEM((B_, D_), jnp.float32),
            pltpu.VMEM_SHARED((N_, D_), jnp.float32),
            pltpu.SemaphoreType.DMA,
            pltpu.SemaphoreType.DMA,
            pltpu.SemaphoreType.DMA,
            pltpu.SemaphoreType.DMA,
        ],
    )
    def k(x_hbm, idxg_hbm, idxs_hbm, rel_hbm, z_hbm, out_hbm,
          ringG, ringS, gv0, gv1, relv0, relv1, msgv, hsh,
          semd0, semd1, semi, sems):
        cid = lax.axis_index("c")
        sid = lax.axis_index("s")
        wid = sid * NC_ + cid
        gv = (gv0, gv1)
        relv = (relv0, relv1)
        semd = (semd0, semd1)

        pltpu.sync_copy(z_hbm, hsh.at[pl.ds(sid * RPT_, RPT_)])

        @pl.when(sid == 0)
        def _():
            pltpu.sync_copy(z_hbm.at[pl.ds(0, REM_)],
                            hsh.at[pl.ds(NS_ * RPT_, REM_)])

        plsc.subcore_barrier()

        def issue_idx(b):
            slot = lax.rem(b, NRING_)
            pltpu.async_copy(idxg_hbm.at[wid, b], ringG.at[slot], semi)
            pltpu.async_copy(idxs_hbm.at[wid, b], ringS.at[slot], semi)

        def wait_idx():
            pltpu.make_async_copy(idxg_hbm.at[wid, 0], ringG.at[0],
                                  semi).wait()
            pltpu.make_async_copy(idxs_hbm.at[wid, 0], ringS.at[0],
                                  semi).wait()

        def issue2(b, buf):
            slot = lax.rem(b, NRING_)
            pltpu.async_copy(x_hbm.at[ringG.at[slot, 0]], gv[buf], semd[buf])
            pltpu.async_copy(rel_hbm.at[pl.ds(wid * EPT_ + b * B_, B_)],
                             relv[buf], semd[buf])

        def wait2(buf):
            pltpu.make_async_copy(rel_hbm.at[pl.ds(0, 2 * B_)], gv[buf],
                                  semd[buf]).wait()
            pltpu.make_async_copy(rel_hbm.at[pl.ds(0, B_)], relv[buf],
                                  semd[buf]).wait()

        def wait_scatter():
            pltpu.make_async_copy(msgv, hsh.at[pl.ds(0, B_)], sems).wait()

        def step(b, buf):
            wait2(buf)

            @pl.when(b > 0)
            def _():
                wait_scatter()

            _edge_block_compute(gv[buf], relv[buf], msgv)
            slot = lax.rem(b, NRING_)
            pltpu.async_copy(msgv, hsh.at[ringS.at[slot, 0]], sems, add=True)

            @pl.when(b + 2 < NBLK_)
            def _():
                wait_idx()
                issue2(b + 2, buf)

            @pl.when(b + 3 < NBLK_)
            def _():
                issue_idx(b + 3)

        pltpu.sync_copy(idxg_hbm.at[wid, 0], ringG.at[0])
        pltpu.sync_copy(idxs_hbm.at[wid, 0], ringS.at[0])
        pltpu.sync_copy(idxg_hbm.at[wid, 1], ringG.at[1])
        pltpu.sync_copy(idxs_hbm.at[wid, 1], ringS.at[1])
        issue2(0, 0)
        issue2(1, 1)
        issue_idx(2)

        @pl.loop(0, NBLK_ // 2)
        def _(i):
            step(2 * i, 0)
            step(2 * i + 1, 1)

        wait_scatter()
        plsc.subcore_barrier()
        pltpu.sync_copy(
            hsh.at[pl.ds(sid * RPT_, RPT_)],
            out_hbm.at[pl.ds(cid * N_ + sid * RPT_, RPT_)],
        )

        @pl.when(sid == 0)
        def _():
            pltpu.sync_copy(
                hsh.at[pl.ds(NS_ * RPT_, REM_)],
                out_hbm.at[pl.ds(cid * N_ + NS_ * RPT_, REM_)],
            )

    return k(x, idxg, idxs, rel, zrows)


def _combine(partials):
    bn = 2000

    def add_k(p_ref, o_ref):
        o_ref[...] = p_ref[0] + p_ref[1]

    return pl.pallas_call(
        add_k,
        out_shape=jax.ShapeDtypeStruct((N_, D_), jnp.float32),
        grid=(N_ // bn,),
        in_specs=[pl.BlockSpec((2, bn, D_), lambda i: (0, i, 0))],
        out_specs=pl.BlockSpec((bn, D_), lambda i: (i, 0)),
    )(partials)


@jax.jit
def kernel(x, edge_index, edge_attr):
    ei = edge_index.astype(jnp.int32).reshape(2, NW_, NBLK_, 1, B_)
    idxg = ei.transpose(1, 2, 3, 0, 4).reshape(NW_, NBLK_, 1, 2 * B_)
    idxs = ei[1]
    zrows = jnp.zeros((RPT_, D_), jnp.float32)
    partials = _sc_partials(x, idxg, idxs, edge_attr, zrows)
    return _combine(partials.reshape(NC_, N_, D_))

# --- scband reference (transcript-rebuilt; emitter-appended) ---
"""Pipeline reference for scband-trans-escore-12240656794087 (READ-ONLY COPY).

The authoritative reference and input builder live on the scoring server;
editing this copy changes nothing except your own understanding.
"""

import jax, jax.numpy as jnp
import numpy as np

GAMMA = 12.0
N_NODES = 10000
N_EDGES = 320000
D = 128


def setup_inputs(seed: int = 0) -> dict:
    key = jax.random.key(seed)
    k1, k2, k3 = jax.random.split(key, 3)
    x = jax.random.normal(k1, (N_NODES, D), dtype=jnp.float32)
    edge_index = jax.random.randint(k2, (2, N_EDGES), 0, N_NODES, dtype=jnp.int64)
    edge_attr = jax.random.normal(k3, (N_EDGES, D), dtype=jnp.float32)
    return {"x": x, "edge_index": edge_index, "edge_attr": edge_attr}


def reference(x, edge_index, edge_attr):
    # DGL update_all with TransEScore.edge_func / reduce_func:
    #   per-edge: score = sigmoid(gamma - ||head + rel - tail||_2), trans = head + rel
    #   per-dst-node: h = sum_over_in_edges(score * trans)
    src = edge_index[0]
    dst = edge_index[1]
    head = jnp.take(x, src, axis=0)              # gather [E, D]
    tail = jnp.take(x, dst, axis=0)              # gather [E, D]
    rel = edge_attr                               # [E, D]
    diff = head + rel - tail                      # [E, D]
    dist = jnp.sqrt(jnp.sum(diff * diff, axis=-1))  # l2 norm, p=2 (dist_ord=2)
    score = jax.nn.sigmoid(GAMMA - dist)          # [E]
    trans = head + rel                            # [E, D]
    msg = score[:, None] * trans                  # [E, D]
    h = jax.ops.segment_sum(msg, dst, num_segments=N_NODES)  # scatter-add by dst
    return h

if __name__ == "__main__":
    import jax
    _d = setup_inputs()
    print(jax.jit(kernel)(*tuple(_d.values())))

</pallas_src>

<mosaic_0001>
#map = affine_map<(d0, d1) -> (0, 0)>
#map1 = affine_map<(d0, d1) -> (0, 0, 0, 0)>
module attributes {stable_mosaic.version = 14 : i64} {
  func.func @k(%arg0: i32, %arg1: i32, %arg2: memref<10000x128xf32, #tpu.memory_space<hbm>>, %arg3: memref<32x250x1x80xi32, #tpu.memory_space<hbm>>, %arg4: memref<32x250x1x40xi32, #tpu.memory_space<hbm>>, %arg5: memref<320000x128xf32, #tpu.memory_space<hbm>>, %arg6: memref<624x128xf32, #tpu.memory_space<hbm>>, %arg7: memref<20000x128xf32, #tpu.memory_space<hbm>>, %arg8: memref<4x1x80xi32, #tpu.memory_space<vmem>>, %arg9: memref<4x1x40xi32, #tpu.memory_space<vmem>>, %arg10: memref<80x128xf32, #tpu.memory_space<vmem>>, %arg11: memref<80x128xf32, #tpu.memory_space<vmem>>, %arg12: memref<40x128xf32, #tpu.memory_space<vmem>>, %arg13: memref<40x128xf32, #tpu.memory_space<vmem>>, %arg14: memref<40x128xf32, #tpu.memory_space<vmem>>, %arg15: memref<10000x128xf32, #tpu.memory_space<vmem_shared>>, %arg16: memref<!tpu.dma_semaphore, #tpu.memory_space<semaphore_mem>>, %arg17: memref<!tpu.dma_semaphore, #tpu.memory_space<semaphore_mem>>, %arg18: memref<!tpu.dma_semaphore, #tpu.memory_space<semaphore_mem>>, %arg19: memref<!tpu.dma_semaphore, #tpu.memory_space<semaphore_mem>>) attributes {dimension_semantics = [#tpu.dimension_semantics<core_parallel>, #tpu.dimension_semantics<subcore_parallel>], iteration_bounds = array<i64: 2, 16>, scalar_prefetch = 0 : i64, scratch_operands = 12 : i64, tpu.core_type = #tpu.core_type<sc_vector_subcore>, window_params = [{transform_indices = #map}, {transform_indices = #map1}, {transform_indices = #map1}, {transform_indices = #map}, {transform_indices = #map}, {transform_indices = #map}]} {
    %mul3A = arith.constant 2 : i32
    %mul3A_0 = arith.muli %arg1, %mul3A : i32
    %add3A = arith.addi %mul3A_0, %arg0 : i32
    %mul3A_1 = arith.constant 624 : i32
    %mul3A_2 = arith.muli %arg1, %mul3A_1 : i32
    "tpu.region"() ({
      %run_scoped3A_105 = tpu.sem_alloc : memref<!tpu.dma_semaphore, #tpu.memory_space<semaphore_mem>>
      %dma_start3A_106 = arith.constant 0 : i32
      %dma_start3A_107 = tpu.memref_slice %arg15[%mul3A_2, %dma_start3A_106] : memref<10000x128xf32, #tpu.memory_space<vmem_shared>> -> memref<624x128xf32, #tpu.memory_space<vmem_shared>>
      tpu.enqueue_dma source(%arg6 : memref<624x128xf32, #tpu.memory_space<hbm>>) target(%dma_start3A_107 : memref<624x128xf32, #tpu.memory_space<vmem_shared>>) target_semaphore(%run_scoped3A_105 : memref<!tpu.dma_semaphore, #tpu.memory_space<semaphore_mem>>)
      %dma_wait3A_108 = arith.constant 0 : i32
      %dma_wait3A_109 = tpu.memref_slice %arg15[%mul3A_2, %dma_wait3A_108] : memref<10000x128xf32, #tpu.memory_space<vmem_shared>> -> memref<624x128xf32, #tpu.memory_space<vmem_shared>>
      tpu.wait_dma2 semaphore(%run_scoped3A_105 : memref<!tpu.dma_semaphore, #tpu.memory_space<semaphore_mem>>) src(%arg6 : memref<624x128xf32, #tpu.memory_space<hbm>>) dst(%dma_wait3A_109 : memref<624x128xf32, #tpu.memory_space<vmem_shared>>)
      tpu.yield
    }) : () -> ()
    %eq3A = arith.constant 0 : i32
    %eq3A_3 = arith.cmpi eq, %arg1, %eq3A : i32
    %convert_element_type3A = arith.extui %eq3A_3 : i1 to i32
    %cond3A = arith.constant 0 : i32
    %cond3A_4 = arith.cmpi ne, %convert_element_type3A, %cond3A : i32
    scf.if %cond3A_4 {
      "tpu.region"() ({
        %run_scoped3A_105 = tpu.sem_alloc : memref<!tpu.dma_semaphore, #tpu.memory_space<semaphore_mem>>
        %dma_start3A_106 = arith.constant 9984 : i32
        %dma_start3A_107 = arith.constant 0 : i32
        %dma_start3A_108 = tpu.memref_slice %arg15[%dma_start3A_106, %dma_start3A_107] : memref<10000x128xf32, #tpu.memory_space<vmem_shared>> -> memref<16x128xf32, #tpu.memory_space<vmem_shared>>
        %dma_start3A_109 = arith.constant 0 : i32
        %dma_start3A_110 = arith.constant 0 : i32
        %dma_start3A_111 = tpu.memref_slice %arg6[%dma_start3A_109, %dma_start3A_110] : memref<624x128xf32, #tpu.memory_space<hbm>> -> memref<16x128xf32, #tpu.memory_space<hbm>>
        tpu.enqueue_dma source(%dma_start3A_111 : memref<16x128xf32, #tpu.memory_space<hbm>>) target(%dma_start3A_108 : memref<16x128xf32, #tpu.memory_space<vmem_shared>>) target_semaphore(%run_scoped3A_105 : memref<!tpu.dma_semaphore, #tpu.memory_space<semaphore_mem>>)
        %dma_wait3A_112 = arith.constant 9984 : i32
        %dma_wait3A_113 = arith.constant 0 : i32
        %dma_wait3A_114 = tpu.memref_slice %arg15[%dma_wait3A_112, %dma_wait3A_113] : memref<10000x128xf32, #tpu.memory_space<vmem_shared>> -> memref<16x128xf32, #tpu.memory_space<vmem_shared>>
        %dma_wait3A_115 = arith.constant 0 : i32
        %dma_wait3A_116 = arith.constant 0 : i32
        %dma_wait3A_117 = tpu.memref_slice %arg6[%dma_wait3A_115, %dma_wait3A_116] : memref<624x128xf32, #tpu.memory_space<hbm>> -> memref<16x128xf32, #tpu.memory_space<hbm>>
        tpu.wait_dma2 semaphore(%run_scoped3A_105 : memref<!tpu.dma_semaphore, #tpu.memory_space<semaphore_mem>>) src(%dma_wait3A_117 : memref<16x128xf32, #tpu.memory_space<hbm>>) dst(%dma_wait3A_114 : memref<16x128xf32, #tpu.memory_space<vmem_shared>>)
        tpu.yield
      }) : () -> ()
    } else {
    }
    %barrier3A = arith.constant 0 : index
    tpu.barrier barrier_id(%barrier3A)
    %run_scoped3A = arith.constant 0 : i32
    %run_scoped3A_5 = arith.constant 0 : i32
    "tpu.region"() ({
      %run_scoped3A_105 = tpu.sem_alloc : memref<!tpu.dma_semaphore, #tpu.memory_space<semaphore_mem>>
      %dma_start3A_106 = arith.constant 0 : i32
      %dma_start3A_107 = arith.constant 0 : i32
      %dma_start3A_108 = tpu.memref_slice %arg8[%run_scoped3A_5, %dma_start3A_106, %dma_start3A_107] : memref<4x1x80xi32, #tpu.memory_space<vmem>> -> memref<1x1x80xi32, #tpu.memory_space<vmem>>
      %dma_start3A_109 = tpu.memref_squeeze %dma_start3A_108 : memref<1x1x80xi32, #tpu.memory_space<vmem>> -> memref<1x80xi32, #tpu.memory_space<vmem>>
      %dma_start3A_110 = arith.constant 0 : i32
      %dma_start3A_111 = arith.constant 0 : i32
      %dma_start3A_112 = tpu.memref_slice %arg3[%add3A, %run_scoped3A, %dma_start3A_110, %dma_start3A_111] : memref<32x250x1x80xi32, #tpu.memory_space<hbm>> -> memref<1x1x1x80xi32, #tpu.memory_space<hbm>>
      %dma_start3A_113 = tpu.memref_squeeze %dma_start3A_112 : memref<1x1x1x80xi32, #tpu.memory_space<hbm>> -> memref<1x80xi32, #tpu.memory_space<hbm>>
      %dma_start3A_114 = arith.constant 0 : i32
      %dma_start3A_115 = arith.constant 0 : i32
      %dma_start3A_116 = tpu.memref_slice %arg8[%run_scoped3A_5, %dma_start3A_114, %dma_start3A_115] : memref<4x1x80xi32, #tpu.memory_space<vmem>> -> memref<1x1x80xi32, #tpu.memory_space<vmem>>
      %dma_start3A_117 = tpu.memref_squeeze %dma_start3A_116 : memref<1x1x80xi32, #tpu.memory_space<vmem>> -> memref<1x80xi32, #tpu.memory_space<vmem>>
      %dma_start3A_118 = arith.constant 0 : i32
      %dma_start3A_119 = arith.constant 0 : i32
      %dma_start3A_120 = tpu.memref_slice %arg3[%add3A, %run_scoped3A, %dma_start3A_118, %dma_start3A_119] : memref<32x250x1x80xi32, #tpu.memory_space<hbm>> -> memref<1x1x1x80xi32, #tpu.memory_space<hbm>>
      %dma_start3A_121 = tpu.memref_squeeze %dma_start3A_120 : memref<1x1x1x80xi32, #tpu.memory_space<hbm>> -> memref<1x80xi32, #tpu.memory_space<hbm>>
      tpu.enqueue_dma source(%dma_start3A_121 : memref<1x80xi32, #tpu.memory_space<hbm>>) target(%dma_start3A_117 : memref<1x80xi32, #tpu.memory_space<vmem>>) target_semaphore(%run_scoped3A_105 : memref<!tpu.dma_semaphore, #tpu.memory_space<semaphore_mem>>)
      %dma_wait3A_122 = arith.constant 0 : i32
      %dma_wait3A_123 = arith.constant 0 : i32
      %dma_wait3A_124 = tpu.memref_slice %arg8[%run_scoped3A_5, %dma_wait3A_122, %dma_wait3A_123] : memref<4x1x80xi32, #tpu.memory_space<vmem>> -> memref<1x1x80xi32, #tpu.memory_space<vmem>>
      %dma_wait3A_125 = tpu.memref_squeeze %dma_wait3A_124 : memref<1x1x80xi32, #tpu.memory_space<vmem>> -> memref<1x80xi32, #tpu.memory_space<vmem>>
      %dma_wait3A_126 = arith.constant 0 : i32
      %dma_wait3A_127 = arith.constant 0 : i32
      %dma_wait3A_128 = tpu.memref_slice %arg3[%add3A, %run_scoped3A, %dma_wait3A_126, %dma_wait3A_127] : memref<32x250x1x80xi32, #tpu.memory_space<hbm>> -> memref<1x1x1x80xi32, #tpu.memory_space<hbm>>
      %dma_wait3A_129 = tpu.memref_squeeze %dma_wait3A_128 : memref<1x1x1x80xi32, #tpu.memory_space<hbm>> -> memref<1x80xi32, #tpu.memory_space<hbm>>
      %dma_wait3A_130 = arith.constant 0 : i32
      %dma_wait3A_131 = arith.constant 0 : i32
      %dma_wait3A_132 = tpu.memref_slice %arg8[%run_scoped3A_5, %dma_wait3A_130, %dma_wait3A_131] : memref<4x1x80xi32, #tpu.memory_space<vmem>> -> memref<1x1x80xi32, #tpu.memory_space<vmem>>
      %dma_wait3A_133 = tpu.memref_squeeze %dma_wait3A_132 : memref<1x1x80xi32, #tpu.memory_space<vmem>> -> memref<1x80xi32, #tpu.memory_space<vmem>>
      %dma_wait3A_134 = arith.constant 0 : i32
      %dma_wait3A_135 = arith.constant 0 : i32
      %dma_wait3A_136 = tpu.memref_slice %arg3[%add3A, %run_scoped3A, %dma_wait3A_134, %dma_wait3A_135] : memref<32x250x1x80xi32, #tpu.memory_space<hbm>> -> memref<1x1x1x80xi32, #tpu.memory_space<hbm>>
      %dma_wait3A_137 = tpu.memref_squeeze %dma_wait3A_136 : memref<1x1x1x80xi32, #tpu.memory_space<hbm>> -> memref<1x80xi32, #tpu.memory_space<hbm>>
      tpu.wait_dma2 semaphore(%run_scoped3A_105 : memref<!tpu.dma_semaphore, #tpu.memory_space<semaphore_mem>>) src(%dma_wait3A_137 : memref<1x80xi32, #tpu.memory_space<hbm>>) dst(%dma_wait3A_133 : memref<1x80xi32, #tpu.memory_space<vmem>>)
      tpu.yield
    }) : () -> ()
    %run_scoped3A_6 = arith.constant 0 : i32
    %run_scoped3A_7 = arith.constant 0 : i32
    "tpu.region"() ({
      %run_scoped3A_105 = tpu.sem_alloc : memref<!tpu.dma_semaphore, #tpu.memory_space<semaphore_mem>>
      %dma_start3A_106 = arith.constant 0 : i32
      %dma_start3A_107 = arith.constant 0 : i32
      %dma_start3A_108 = tpu.memref_slice %arg9[%run_scoped3A_7, %dma_start3A_106, %dma_start3A_107] : memref<4x1x40xi32, #tpu.memory_space<vmem>> -> memref<1x1x40xi32, #tpu.memory_space<vmem>>
      %dma_start3A_109 = tpu.memref_squeeze %dma_start3A_108 : memref<1x1x40xi32, #tpu.memory_space<vmem>> -> memref<1x40xi32, #tpu.memory_space<vmem>>
      %dma_start3A_110 = arith.constant 0 : i32
      %dma_start3A_111 = arith.constant 0 : i32
      %dma_start3A_112 = tpu.memref_slice %arg4[%add3A, %run_scoped3A_6, %dma_start3A_110, %dma_start3A_111] : memref<32x250x1x40xi32, #tpu.memory_space<hbm>> -> memref<1x1x1x40xi32, #tpu.memory_space<hbm>>
      %dma_start3A_113 = tpu.memref_squeeze %dma_start3A_112 : memref<1x1x1x40xi32, #tpu.memory_space<hbm>> -> memref<1x40xi32, #tpu.memory_space<hbm>>
      %dma_start3A_114 = arith.constant 0 : i32
      %dma_start3A_115 = arith.constant 0 : i32
      %dma_start3A_116 = tpu.memref_slice %arg9[%run_scoped3A_7, %dma_start3A_114, %dma_start3A_115] : memref<4x1x40xi32, #tpu.memory_space<vmem>> -> memref<1x1x40xi32, #tpu.memory_space<vmem>>
      %dma_start3A_117 = tpu.memref_squeeze %dma_start3A_116 : memref<1x1x40xi32, #tpu.memory_space<vmem>> -> memref<1x40xi32, #tpu.memory_space<vmem>>
      %dma_start3A_118 = arith.constant 0 : i32
      %dma_start3A_119 = arith.constant 0 : i32
      %dma_start3A_120 = tpu.memref_slice %arg4[%add3A, %run_scoped3A_6, %dma_start3A_118, %dma_start3A_119] : memref<32x250x1x40xi32, #tpu.memory_space<hbm>> -> memref<1x1x1x40xi32, #tpu.memory_space<hbm>>
      %dma_start3A_121 = tpu.memref_squeeze %dma_start3A_120 : memref<1x1x1x40xi32, #tpu.memory_space<hbm>> -> memref<1x40xi32, #tpu.memory_space<hbm>>
      tpu.enqueue_dma source(%dma_start3A_121 : memref<1x40xi32, #tpu.memory_space<hbm>>) target(%dma_start3A_117 : memref<1x40xi32, #tpu.memory_space<vmem>>) target_semaphore(%run_scoped3A_105 : memref<!tpu.dma_semaphore, #tpu.memory_space<semaphore_mem>>)
      %dma_wait3A_122 = arith.constant 0 : i32
      %dma_wait3A_123 = arith.constant 0 : i32
      %dma_wait3A_124 = tpu.memref_slice %arg9[%run_scoped3A_7, %dma_wait3A_122, %dma_wait3A_123] : memref<4x1x40xi32, #tpu.memory_space<vmem>> -> memref<1x1x40xi32, #tpu.memory_space<vmem>>
      %dma_wait3A_125 = tpu.memref_squeeze %dma_wait3A_124 : memref<1x1x40xi32, #tpu.memory_space<vmem>> -> memref<1x40xi32, #tpu.memory_space<vmem>>
      %dma_wait3A_126 = arith.constant 0 : i32
      %dma_wait3A_127 = arith.constant 0 : i32
      %dma_wait3A_128 = tpu.memref_slice %arg4[%add3A, %run_scoped3A_6, %dma_wait3A_126, %dma_wait3A_127] : memref<32x250x1x40xi32, #tpu.memory_space<hbm>> -> memref<1x1x1x40xi32, #tpu.memory_space<hbm>>
      %dma_wait3A_129 = tpu.memref_squeeze %dma_wait3A_128 : memref<1x1x1x40xi32, #tpu.memory_space<hbm>> -> memref<1x40xi32, #tpu.memory_space<hbm>>
      %dma_wait3A_130 = arith.constant 0 : i32
      %dma_wait3A_131 = arith.constant 0 : i32
      %dma_wait3A_132 = tpu.memref_slice %arg9[%run_scoped3A_7, %dma_wait3A_130, %dma_wait3A_131] : memref<4x1x40xi32, #tpu.memory_space<vmem>> -> memref<1x1x40xi32, #tpu.memory_space<vmem>>
      %dma_wait3A_133 = tpu.memref_squeeze %dma_wait3A_132 : memref<1x1x40xi32, #tpu.memory_space<vmem>> -> memref<1x40xi32, #tpu.memory_space<vmem>>
      %dma_wait3A_134 = arith.constant 0 : i32
      %dma_wait3A_135 = arith.constant 0 : i32
      %dma_wait3A_136 = tpu.memref_slice %arg4[%add3A, %run_scoped3A_6, %dma_wait3A_134, %dma_wait3A_135] : memref<32x250x1x40xi32, #tpu.memory_space<hbm>> -> memref<1x1x1x40xi32, #tpu.memory_space<hbm>>
      %dma_wait3A_137 = tpu.memref_squeeze %dma_wait3A_136 : memref<1x1x1x40xi32, #tpu.memory_space<hbm>> -> memref<1x40xi32, #tpu.memory_space<hbm>>
      tpu.wait_dma2 semaphore(%run_scoped3A_105 : memref<!tpu.dma_semaphore, #tpu.memory_space<semaphore_mem>>) src(%dma_wait3A_137 : memref<1x40xi32, #tpu.memory_space<hbm>>) dst(%dma_wait3A_133 : memref<1x40xi32, #tpu.memory_space<vmem>>)
      tpu.yield
    }) : () -> ()
    %run_scoped3A_8 = arith.constant 1 : i32
    %run_scoped3A_9 = arith.constant 1 : i32
    "tpu.region"() ({
      %run_scoped3A_105 = tpu.sem_alloc : memref<!tpu.dma_semaphore, #tpu.memory_space<semaphore_mem>>
      %dma_start3A_106 = arith.constant 0 : i32
      %dma_start3A_107 = arith.constant 0 : i32
      %dma_start3A_108 = tpu.memref_slice %arg8[%run_scoped3A_9, %dma_start3A_106, %dma_start3A_107] : memref<4x1x80xi32, #tpu.memory_space<vmem>> -> memref<1x1x80xi32, #tpu.memory_space<vmem>>
      %dma_start3A_109 = tpu.memref_squeeze %dma_start3A_108 : memref<1x1x80xi32, #tpu.memory_space<vmem>> -> memref<1x80xi32, #tpu.memory_space<vmem>>
      %dma_start3A_110 = arith.constant 0 : i32
      %dma_start3A_111 = arith.constant 0 : i32
      %dma_start3A_112 = tpu.memref_slice %arg3[%add3A, %run_scoped3A_8, %dma_start3A_110, %dma_start3A_111] : memref<32x250x1x80xi32, #tpu.memory_space<hbm>> -> memref<1x1x1x80xi32, #tpu.memory_space<hbm>>
      %dma_start3A_113 = tpu.memref_squeeze %dma_start3A_112 : memref<1x1x1x80xi32, #tpu.memory_space<hbm>> -> memref<1x80xi32, #tpu.memory_space<hbm>>
      %dma_start3A_114 = arith.constant 0 : i32
      %dma_start3A_115 = arith.constant 0 : i32
      %dma_start3A_116 = tpu.memref_slice %arg8[%run_scoped3A_9, %dma_start3A_114, %dma_start3A_115] : memref<4x1x80xi32, #tpu.memory_space<vmem>> -> memref<1x1x80xi32, #tpu.memory_space<vmem>>
      %dma_start3A_117 = tpu.memref_squeeze %dma_start3A_116 : memref<1x1x80xi32, #tpu.memory_space<vmem>> -> memref<1x80xi32, #tpu.memory_space<vmem>>
      %dma_start3A_118 = arith.constant 0 : i32
      %dma_start3A_119 = arith.constant 0 : i32
      %dma_start3A_120 = tpu.memref_slice %arg3[%add3A, %run_scoped3A_8, %dma_start3A_118, %dma_start3A_119] : memref<32x250x1x80xi32, #tpu.memory_space<hbm>> -> memref<1x1x1x80xi32, #tpu.memory_space<hbm>>
      %dma_start3A_121 = tpu.memref_squeeze %dma_start3A_120 : memref<1x1x1x80xi32, #tpu.memory_space<hbm>> -> memref<1x80xi32, #tpu.memory_space<hbm>>
      tpu.enqueue_dma source(%dma_start3A_121 : memref<1x80xi32, #tpu.memory_space<hbm>>) target(%dma_start3A_117 : memref<1x80xi32, #tpu.memory_space<vmem>>) target_semaphore(%run_scoped3A_105 : memref<!tpu.dma_semaphore, #tpu.memory_space<semaphore_mem>>)
      %dma_wait3A_122 = arith.constant 0 : i32
      %dma_wait3A_123 = arith.constant 0 : i32
      %dma_wait3A_124 = tpu.memref_slice %arg8[%run_scoped3A_9, %dma_wait3A_122, %dma_wait3A_123] : memref<4x1x80xi32, #tpu.memory_space<vmem>> -> memref<1x1x80xi32, #tpu.memory_space<vmem>>
      %dma_wait3A_125 = tpu.memref_squeeze %dma_wait3A_124 : memref<1x1x80xi32, #tpu.memory_space<vmem>> -> memref<1x80xi32, #tpu.memory_space<vmem>>
      %dma_wait3A_126 = arith.constant 0 : i32
      %dma_wait3A_127 = arith.constant 0 : i32
      %dma_wait3A_128 = tpu.memref_slice %arg3[%add3A, %run_scoped3A_8, %dma_wait3A_126, %dma_wait3A_127] : memref<32x250x1x80xi32, #tpu.memory_space<hbm>> -> memref<1x1x1x80xi32, #tpu.memory_space<hbm>>
      %dma_wait3A_129 = tpu.memref_squeeze %dma_wait3A_128 : memref<1x1x1x80xi32, #tpu.memory_space<hbm>> -> memref<1x80xi32, #tpu.memory_space<hbm>>
      %dma_wait3A_130 = arith.constant 0 : i32
      %dma_wait3A_131 = arith.constant 0 : i32
      %dma_wait3A_132 = tpu.memref_slice %arg8[%run_scoped3A_9, %dma_wait3A_130, %dma_wait3A_131] : memref<4x1x80xi32, #tpu.memory_space<vmem>> -> memref<1x1x80xi32, #tpu.memory_space<vmem>>
      %dma_wait3A_133 = tpu.memref_squeeze %dma_wait3A_132 : memref<1x1x80xi32, #tpu.memory_space<vmem>> -> memref<1x80xi32, #tpu.memory_space<vmem>>
      %dma_wait3A_134 = arith.constant 0 : i32
      %dma_wait3A_135 = arith.constant 0 : i32
      %dma_wait3A_136 = tpu.memref_slice %arg3[%add3A, %run_scoped3A_8, %dma_wait3A_134, %dma_wait3A_135] : memref<32x250x1x80xi32, #tpu.memory_space<hbm>> -> memref<1x1x1x80xi32, #tpu.memory_space<hbm>>
      %dma_wait3A_137 = tpu.memref_squeeze %dma_wait3A_136 : memref<1x1x1x80xi32, #tpu.memory_space<hbm>> -> memref<1x80xi32, #tpu.memory_space<hbm>>
      tpu.wait_dma2 semaphore(%run_scoped3A_105 : memref<!tpu.dma_semaphore, #tpu.memory_space<semaphore_mem>>) src(%dma_wait3A_137 : memref<1x80xi32, #tpu.memory_space<hbm>>) dst(%dma_wait3A_133 : memref<1x80xi32, #tpu.memory_space<vmem>>)
      tpu.yield
    }) : () -> ()
    %run_scoped3A_10 = arith.constant 1 : i32
    %run_scoped3A_11 = arith.constant 1 : i32
    "tpu.region"() ({
      %run_scoped3A_105 = tpu.sem_alloc : memref<!tpu.dma_semaphore, #tpu.memory_space<semaphore_mem>>
      %dma_start3A_106 = arith.constant 0 : i32
      %dma_start3A_107 = arith.constant 0 : i32
      %dma_start3A_108 = tpu.memref_slice %arg9[%run_scoped3A_11, %dma_start3A_106, %dma_start3A_107] : memref<4x1x40xi32, #tpu.memory_space<vmem>> -> memref<1x1x40xi32, #tpu.memory_space<vmem>>
      %dma_start3A_109 = tpu.memref_squeeze %dma_start3A_108 : memref<1x1x40xi32, #tpu.memory_space<vmem>> -> memref<1x40xi32, #tpu.memory_space<vmem>>
      %dma_start3A_110 = arith.constant 0 : i32
      %dma_start3A_111 = arith.constant 0 : i32
      %dma_start3A_112 = tpu.memref_slice %arg4[%add3A, %run_scoped3A_10, %dma_start3A_110, %dma_start3A_111] : memref<32x250x1x40xi32, #tpu.memory_space<hbm>> -> memref<1x1x1x40xi32, #tpu.memory_space<hbm>>
      %dma_start3A_113 = tpu.memref_squeeze %dma_start3A_112 : memref<1x1x1x40xi32, #tpu.memory_space<hbm>> -> memref<1x40xi32, #tpu.memory_space<hbm>>
      %dma_start3A_114 = arith.constant 0 : i32
      %dma_start3A_115 = arith.constant 0 : i32
      %dma_start3A_116 = tpu.memref_slice %arg9[%run_scoped3A_11, %dma_start3A_114, %dma_start3A_115] : memref<4x1x40xi32, #tpu.memory_space<vmem>> -> memref<1x1x40xi32, #tpu.memory_space<vmem>>
      %dma_start3A_117 = tpu.memref_squeeze %dma_start3A_116 : memref<1x1x40xi32, #tpu.memory_space<vmem>> -> memref<1x40xi32, #tpu.memory_space<vmem>>
      %dma_start3A_118 = arith.constant 0 : i32
      %dma_start3A_119 = arith.constant 0 : i32
      %dma_start3A_120 = tpu.memref_slice %arg4[%add3A, %run_scoped3A_10, %dma_start3A_118, %dma_start3A_119] : memref<32x250x1x40xi32, #tpu.memory_space<hbm>> -> memref<1x1x1x40xi32, #tpu.memory_space<hbm>>
      %dma_start3A_121 = tpu.memref_squeeze %dma_start3A_120 : memref<1x1x1x40xi32, #tpu.memory_space<hbm>> -> memref<1x40xi32, #tpu.memory_space<hbm>>
      tpu.enqueue_dma source(%dma_start3A_121 : memref<1x40xi32, #tpu.memory_space<hbm>>) target(%dma_start3A_117 : memref<1x40xi32, #tpu.memory_space<vmem>>) target_semaphore(%run_scoped3A_105 : memref<!tpu.dma_semaphore, #tpu.memory_space<semaphore_mem>>)
      %dma_wait3A_122 = arith.constant 0 : i32
      %dma_wait3A_123 = arith.constant 0 : i32
      %dma_wait3A_124 = tpu.memref_slice %arg9[%run_scoped3A_11, %dma_wait3A_122, %dma_wait3A_123] : memref<4x1x40xi32, #tpu.memory_space<vmem>> -> memref<1x1x40xi32, #tpu.memory_space<vmem>>
      %dma_wait3A_125 = tpu.memref_squeeze %dma_wait3A_124 : memref<1x1x40xi32, #tpu.memory_space<vmem>> -> memref<1x40xi32, #tpu.memory_space<vmem>>
      %dma_wait3A_126 = arith.constant 0 : i32
      %dma_wait3A_127 = arith.constant 0 : i32
      %dma_wait3A_128 = tpu.memref_slice %arg4[%add3A, %run_scoped3A_10, %dma_wait3A_126, %dma_wait3A_127] : memref<32x250x1x40xi32, #tpu.memory_space<hbm>> -> memref<1x1x1x40xi32, #tpu.memory_space<hbm>>
      %dma_wait3A_129 = tpu.memref_squeeze %dma_wait3A_128 : memref<1x1x1x40xi32, #tpu.memory_space<hbm>> -> memref<1x40xi32, #tpu.memory_space<hbm>>
      %dma_wait3A_130 = arith.constant 0 : i32
      %dma_wait3A_131 = arith.constant 0 : i32
      %dma_wait3A_132 = tpu.memref_slice %arg9[%run_scoped3A_11, %dma_wait3A_130, %dma_wait3A_131] : memref<4x1x40xi32, #tpu.memory_space<vmem>> -> memref<1x1x40xi32, #tpu.memory_space<vmem>>
      %dma_wait3A_133 = tpu.memref_squeeze %dma_wait3A_132 : memref<1x1x40xi32, #tpu.memory_space<vmem>> -> memref<1x40xi32, #tpu.memory_space<vmem>>
      %dma_wait3A_134 = arith.constant 0 : i32
      %dma_wait3A_135 = arith.constant 0 : i32
      %dma_wait3A_136 = tpu.memref_slice %arg4[%add3A, %run_scoped3A_10, %dma_wait3A_134, %dma_wait3A_135] : memref<32x250x1x40xi32, #tpu.memory_space<hbm>> -> memref<1x1x1x40xi32, #tpu.memory_space<hbm>>
      %dma_wait3A_137 = tpu.memref_squeeze %dma_wait3A_136 : memref<1x1x1x40xi32, #tpu.memory_space<hbm>> -> memref<1x40xi32, #tpu.memory_space<hbm>>
      tpu.wait_dma2 semaphore(%run_scoped3A_105 : memref<!tpu.dma_semaphore, #tpu.memory_space<semaphore_mem>>) src(%dma_wait3A_137 : memref<1x40xi32, #tpu.memory_space<hbm>>) dst(%dma_wait3A_133 : memref<1x40xi32, #tpu.memory_space<vmem>>)
      tpu.yield
    }) : () -> ()
    %rem3A = arith.constant 0 : i32
    %rem3A_12 = arith.constant 4 : i32
    %rem3A_13 = arith.remsi %rem3A, %rem3A_12 : i32
    %dma_start3A = arith.constant 0 : i32
    %dma_start3A_14 = arith.constant 0 : i32
    %dma_start3A_15 = tpu.memref_slice %arg8[%rem3A_13, %dma_start3A, %dma_start3A_14] : memref<4x1x80xi32, #tpu.memory_space<vmem>> -> memref<1x1x80xi32, #tpu.memory_space<vmem>>
    %dma_start3A_16 = tpu.memref_squeeze %dma_start3A_15 : memref<1x1x80xi32, #tpu.memory_space<vmem>> -> memref<80xi32, #tpu.memory_space<vmem>>
    %dma_start3A_17 = arith.constant 0 : i32
    %dma_start3A_18 = arith.constant 0 : i32
    %dma_start3A_19 = tpu.memref_slice %arg2[%dma_start3A_17, %dma_start3A_18] : memref<10000x128xf32, #tpu.memory_space<hbm>> -> memref<10000x128xf32, #tpu.memory_space<hbm>>
    tpu.enqueue_indirect_dma source(%dma_start3A_19 : memref<10000x128xf32, #tpu.memory_space<hbm>>) target(%arg10 : memref<80x128xf32, #tpu.memory_space<vmem>>) offsets(%dma_start3A_16 : memref<80xi32, #tpu.memory_space<vmem>>) semaphore(%arg16 : memref<!tpu.dma_semaphore, #tpu.memory_space<semaphore_mem>>)
    %mul3A_20 = arith.constant 10000 : i32
    %mul3A_21 = arith.muli %add3A, %mul3A_20 : i32
    %add3A_22 = arith.constant 0 : i32
    %add3A_23 = arith.addi %mul3A_21, %add3A_22 : i32
    %dma_start3A_24 = arith.constant 0 : i32
    %dma_start3A_25 = tpu.memref_slice %arg5[%add3A_23, %dma_start3A_24] : memref<320000x128xf32, #tpu.memory_space<hbm>> -> memref<40x128xf32, #tpu.memory_space<hbm>>
    %dma_start3A_26 = arith.constant 0 : i32
    %dma_start3A_27 = tpu.memref_slice %arg5[%add3A_23, %dma_start3A_26] : memref<320000x128xf32, #tpu.memory_space<hbm>> -> memref<40x128xf32, #tpu.memory_space<hbm>>
    tpu.enqueue_dma source(%dma_start3A_27 : memref<40x128xf32, #tpu.memory_space<hbm>>) target(%arg12 : memref<40x128xf32, #tpu.memory_space<vmem>>) target_semaphore(%arg16 : memref<!tpu.dma_semaphore, #tpu.memory_space<semaphore_mem>>)
    %rem3A_28 = arith.constant 1 : i32
    %rem3A_29 = arith.constant 4 : i32
    %rem3A_30 = arith.remsi %rem3A_28, %rem3A_29 : i32
    %dma_start3A_31 = arith.constant 0 : i32
    %dma_start3A_32 = arith.constant 0 : i32
    %dma_start3A_33 = tpu.memref_slice %arg8[%rem3A_30, %dma_start3A_31, %dma_start3A_32] : memref<4x1x80xi32, #tpu.memory_space<vmem>> -> memref<1x1x80xi32, #tpu.memory_space<vmem>>
    %dma_start3A_34 = tpu.memref_squeeze %dma_start3A_33 : memref<1x1x80xi32, #tpu.memory_space<vmem>> -> memref<80xi32, #tpu.memory_space<vmem>>
    %dma_start3A_35 = arith.constant 0 : i32
    %dma_start3A_36 = arith.constant 0 : i32
    %dma_start3A_37 = tpu.memref_slice %arg2[%dma_start3A_35, %dma_start3A_36] : memref<10000x128xf32, #tpu.memory_space<hbm>> -> memref<10000x128xf32, #tpu.memory_space<hbm>>
    tpu.enqueue_indirect_dma source(%dma_start3A_37 : memref<10000x128xf32, #tpu.memory_space<hbm>>) target(%arg11 : memref<80x128xf32, #tpu.memory_space<vmem>>) offsets(%dma_start3A_34 : memref<80xi32, #tpu.memory_space<vmem>>) semaphore(%arg17 : memref<!tpu.dma_semaphore, #tpu.memory_space<semaphore_mem>>)
    %mul3A_38 = arith.constant 10000 : i32
    %mul3A_39 = arith.muli %add3A, %mul3A_38 : i32
    %add3A_40 = arith.constant 40 : i32
    %add3A_41 = arith.addi %mul3A_39, %add3A_40 : i32
    %dma_start3A_42 = arith.constant 0 : i32
    %dma_start3A_43 = tpu.memref_slice %arg5[%add3A_41, %dma_start3A_42] : memref<320000x128xf32, #tpu.memory_space<hbm>> -> memref<40x128xf32, #tpu.memory_space<hbm>>
    %dma_start3A_44 = arith.constant 0 : i32
    %dma_start3A_45 = tpu.memref_slice %arg5[%add3A_41, %dma_start3A_44] : memref<320000x128xf32, #tpu.memory_space<hbm>> -> memref<40x128xf32, #tpu.memory_space<hbm>>
    tpu.enqueue_dma source(%dma_start3A_45 : memref<40x128xf32, #tpu.memory_space<hbm>>) target(%arg13 : memref<40x128xf32, #tpu.memory_space<vmem>>) target_semaphore(%arg17 : memref<!tpu.dma_semaphore, #tpu.memory_space<semaphore_mem>>)
    %rem3A_46 = arith.constant 2 : i32
    %rem3A_47 = arith.constant 4 : i32
    %rem3A_48 = arith.remsi %rem3A_46, %rem3A_47 : i32
    %dma_start3A_49 = arith.constant 2 : i32
    %dma_start3A_50 = arith.constant 0 : i32
    %dma_start3A_51 = arith.constant 0 : i32
    %dma_start3A_52 = tpu.memref_slice %arg8[%rem3A_48, %dma_start3A_50, %dma_start3A_51] : memref<4x1x80xi32, #tpu.memory_space<vmem>> -> memref<1x1x80xi32, #tpu.memory_space<vmem>>
    %dma_start3A_53 = tpu.memref_squeeze %dma_start3A_52 : memref<1x1x80xi32, #tpu.memory_space<vmem>> -> memref<1x80xi32, #tpu.memory_space<vmem>>
    %dma_start3A_54 = arith.constant 0 : i32
    %dma_start3A_55 = arith.constant 0 : i32
    %dma_start3A_56 = tpu.memref_slice %arg3[%add3A, %dma_start3A_49, %dma_start3A_54, %dma_start3A_55] : memref<32x250x1x80xi32, #tpu.memory_space<hbm>> -> memref<1x1x1x80xi32, #tpu.memory_space<hbm>>
    %dma_start3A_57 = tpu.memref_squeeze %dma_start3A_56 : memref<1x1x1x80xi32, #tpu.memory_space<hbm>> -> memref<1x80xi32, #tpu.memory_space<hbm>>
    %dma_start3A_58 = arith.constant 0 : i32
    %dma_start3A_59 = arith.constant 0 : i32
    %dma_start3A_60 = tpu.memref_slice %arg8[%rem3A_48, %dma_start3A_58, %dma_start3A_59] : memref<4x1x80xi32, #tpu.memory_space<vmem>> -> memref<1x1x80xi32, #tpu.memory_space<vmem>>
    %dma_start3A_61 = tpu.memref_squeeze %dma_start3A_60 : memref<1x1x80xi32, #tpu.memory_space<vmem>> -> memref<1x80xi32, #tpu.memory_space<vmem>>
    %dma_start3A_62 = arith.constant 0 : i32
    %dma_start3A_63 = arith.constant 0 : i32
    %dma_start3A_64 = tpu.memref_slice %arg3[%add3A, %dma_start3A_49, %dma_start3A_62, %dma_start3A_63] : memref<32x250x1x80xi32, #tpu.memory_space<hbm>> -> memref<1x1x1x80xi32, #tpu.memory_space<hbm>>
    %dma_start3A_65 = tpu.memref_squeeze %dma_start3A_64 : memref<1x1x1x80xi32, #tpu.memory_space<hbm>> -> memref<1x80xi32, #tpu.memory_space<hbm>>
    tpu.enqueue_dma source(%dma_start3A_65 : memref<1x80xi32, #tpu.memory_space<hbm>>) target(%dma_start3A_61 : memref<1x80xi32, #tpu.memory_space<vmem>>) target_semaphore(%arg18 : memref<!tpu.dma_semaphore, #tpu.memory_space<semaphore_mem>>)
    %dma_start3A_66 = arith.constant 2 : i32
    %dma_start3A_67 = arith.constant 0 : i32
    %dma_start3A_68 = arith.constant 0 : i32
    %dma_start3A_69 = tpu.memref_slice %arg9[%rem3A_48, %dma_start3A_67, %dma_start3A_68] : memref<4x1x40xi32, #tpu.memory_space<vmem>> -> memref<1x1x40xi32, #tpu.memory_space<vmem>>
    %dma_start3A_70 = tpu.memref_squeeze %dma_start3A_69 : memref<1x1x40xi32, #tpu.memory_space<vmem>> -> memref<1x40xi32, #tpu.memory_space<vmem>>
    %dma_start3A_71 = arith.constant 0 : i32
    %dma_start3A_72 = arith.constant 0 : i32
    %dma_start3A_73 = tpu.memref_slice %arg4[%add3A, %dma_start3A_66, %dma_start3A_71, %dma_start3A_72] : memref<32x250x1x40xi32, #tpu.memory_space<hbm>> -> memref<1x1x1x40xi32, #tpu.memory_space<hbm>>
    %dma_start3A_74 = tpu.memref_squeeze %dma_start3A_73 : memref<1x1x1x40xi32, #tpu.memory_space<hbm>> -> memref<1x40xi32, #tpu.memory_space<hbm>>
    %dma_start3A_75 = arith.constant 0 : i32
    %dma_start3A_76 = arith.constant 0 : i32
    %dma_start3A_77 = tpu.memref_slice %arg9[%rem3A_48, %dma_start3A_75, %dma_start3A_76] : memref<4x1x40xi32, #tpu.memory_space<vmem>> -> memref<1x1x40xi32, #tpu.memory_space<vmem>>
    %dma_start3A_78 = tpu.memref_squeeze %dma_start3A_77 : memref<1x1x40xi32, #tpu.memory_space<vmem>> -> memref<1x40xi32, #tpu.memory_space<vmem>>
    %dma_start3A_79 = arith.constant 0 : i32
    %dma_start3A_80 = arith.constant 0 : i32
    %dma_start3A_81 = tpu.memref_slice %arg4[%add3A, %dma_start3A_66, %dma_start3A_79, %dma_start3A_80] : memref<32x250x1x40xi32, #tpu.memory_space<hbm>> -> memref<1x1x1x40xi32, #tpu.memory_space<hbm>>
    %dma_start3A_82 = tpu.memref_squeeze %dma_start3A_81 : memref<1x1x1x40xi32, #tpu.memory_space<hbm>> -> memref<1x40xi32, #tpu.memory_space<hbm>>
    tpu.enqueue_dma source(%dma_start3A_82 : memref<1x40xi32, #tpu.memory_space<hbm>>) target(%dma_start3A_78 : memref<1x40xi32, #tpu.memory_space<vmem>>) target_semaphore(%arg18 : memref<!tpu.dma_semaphore, #tpu.memory_space<semaphore_mem>>)
    %scan3A = arith.constant 0 : i32
    %scan3A_83 = arith.constant 125 : i32
    %scan3A_84 = arith.addi %scan3A, %scan3A_83 : i32
    %scan3A_85 = arith.constant 1 : i32
    scf.for %scan3A_105 = %scan3A to %scan3A_84 step %scan3A_85  : i32 {
      %mul3A_106 = arith.constant 1 : i32
      %mul3A_107 = arith.muli %scan3A_105, %mul3A_106 : i32
      %add3A_108 = arith.constant 0 : i32
      %add3A_109 = arith.addi %add3A_108, %mul3A_107 : i32
      %mul3A_110 = arith.constant 2 : i32
      %mul3A_111 = arith.muli %mul3A_110, %add3A_109 : i32
      %dma_wait3A_112 = arith.constant 0 : i32
      %dma_wait3A_113 = arith.constant 0 : i32
      %dma_wait3A_114 = tpu.memref_slice %arg5[%dma_wait3A_112, %dma_wait3A_113] : memref<320000x128xf32, #tpu.memory_space<hbm>> -> memref<80x128xf32, #tpu.memory_space<hbm>>
      %dma_wait3A_115 = arith.constant 0 : i32
      %dma_wait3A_116 = arith.constant 0 : i32
      %dma_wait3A_117 = tpu.memref_slice %arg5[%dma_wait3A_115, %dma_wait3A_116] : memref<320000x128xf32, #tpu.memory_space<hbm>> -> memref<80x128xf32, #tpu.memory_space<hbm>>
      tpu.wait_dma2 semaphore(%arg16 : memref<!tpu.dma_semaphore, #tpu.memory_space<semaphore_mem>>) src(%dma_wait3A_117 : memref<80x128xf32, #tpu.memory_space<hbm>>) dst(%arg10 : memref<80x128xf32, #tpu.memory_space<vmem>>)
      %dma_wait3A_118 = arith.constant 0 : i32
      %dma_wait3A_119 = arith.constant 0 : i32
      %dma_wait3A_120 = tpu.memref_slice %arg5[%dma_wait3A_118, %dma_wait3A_119] : memref<320000x128xf32, #tpu.memory_space<hbm>> -> memref<40x128xf32, #tpu.memory_space<hbm>>
      %dma_wait3A_121 = arith.constant 0 : i32
      %dma_wait3A_122 = arith.constant 0 : i32
      %dma_wait3A_123 = tpu.memref_slice %arg5[%dma_wait3A_121, %dma_wait3A_122] : memref<320000x128xf32, #tpu.memory_space<hbm>> -> memref<40x128xf32, #tpu.memory_space<hbm>>
      tpu.wait_dma2 semaphore(%arg16 : memref<!tpu.dma_semaphore, #tpu.memory_space<semaphore_mem>>) src(%dma_wait3A_123 : memref<40x128xf32, #tpu.memory_space<hbm>>) dst(%arg12 : memref<40x128xf32, #tpu.memory_space<vmem>>)
      %gt3A = arith.constant 0 : i32
      %gt3A_124 = arith.cmpi sgt, %mul3A_111, %gt3A : i32
      %convert_element_type3A_125 = arith.extui %gt3A_124 : i1 to i32
      %cond3A_126 = arith.constant 0 : i32
      %cond3A_127 = arith.cmpi ne, %convert_element_type3A_125, %cond3A_126 : i32
      scf.if %cond3A_127 {
        %dma_wait3A_204 = arith.constant 0 : i32
        %dma_wait3A_205 = arith.constant 0 : i32
        %dma_wait3A_206 = tpu.memref_slice %arg15[%dma_wait3A_204, %dma_wait3A_205] : memref<10000x128xf32, #tpu.memory_space<vmem_shared>> -> memref<40x128xf32, #tpu.memory_space<vmem_shared>>
        %dma_wait3A_207 = arith.constant 0 : i32
        %dma_wait3A_208 = arith.constant 0 : i32
        %dma_wait3A_209 = tpu.memref_slice %arg15[%dma_wait3A_207, %dma_wait3A_208] : memref<10000x128xf32, #tpu.memory_space<vmem_shared>> -> memref<40x128xf32, #tpu.memory_space<vmem_shared>>
        tpu.wait_dma2 semaphore(%arg19 : memref<!tpu.dma_semaphore, #tpu.memory_space<semaphore_mem>>) src(%arg14 : memref<40x128xf32, #tpu.memory_space<vmem>>) dst(%dma_wait3A_209 : memref<40x128xf32, #tpu.memory_space<vmem_shared>>)
      } else {
      }
      %scan3A_128 = arith.constant 0 : i32
      %scan3A_129 = arith.constant 20 : i32
      %scan3A_130 = arith.addi %scan3A_128, %scan3A_129 : i32
      %scan3A_131 = arith.constant 1 : i32
      scf.for %scan3A_204 = %scan3A_128 to %scan3A_130 step %scan3A_131  : i32 {
        %mul3A_205 = arith.constant 2 : i32
        %mul3A_206 = arith.muli %scan3A_204, %mul3A_205 : i32
        %add3A_207 = arith.constant 0 : i32
        %add3A_208 = arith.addi %add3A_207, %mul3A_206 : i32
        %add3A_209 = arith.constant 1 : i32
        %add3A_210 = arith.addi %add3A_208, %add3A_209 : i32
        %broadcast_in_dim3A = arith.constant 0.000000e+00 : f32
        %broadcast_in_dim3A_211 = vector.broadcast %broadcast_in_dim3A : f32 to vector<16xf32>
        %broadcast_in_dim3A_212 = arith.constant 0.000000e+00 : f32
        %broadcast_in_dim3A_213 = vector.broadcast %broadcast_in_dim3A_212 : f32 to vector<16xf32>
        %broadcast_in_dim3A_214 = arith.constant 0.000000e+00 : f32
        %broadcast_in_dim3A_215 = vector.broadcast %broadcast_in_dim3A_214 : f32 to vector<16xf32>
        %broadcast_in_dim3A_216 = arith.constant 0.000000e+00 : f32
        %broadcast_in_dim3A_217 = vector.broadcast %broadcast_in_dim3A_216 : f32 to vector<16xf32>
        %get3A = arith.index_cast %add3A_208 : i32 to index
        %get3A_218 = arith.constant 0 : index
        %get3A_219 = tpu.vector_load %arg10[%get3A, %get3A_218] {strides = array<i32>} : memref<80x128xf32, #tpu.memory_space<vmem>>, vector<16xf32>,
        %get3A_220 = arith.index_cast %add3A_208 : i32 to index
        %get3A_221 = arith.constant 0 : index
        %get3A_222 = tpu.vector_load %arg12[%get3A_220, %get3A_221] {strides = array<i32>} : memref<40x128xf32, #tpu.memory_space<vmem>>, vector<16xf32>,
        %add3A_223 = arith.constant 40 : i32
        %add3A_224 = arith.addi %add3A_223, %add3A_208 : i32
        %get3A_225 = arith.index_cast %add3A_224 : i32 to index
        %get3A_226 = arith.constant 0 : index
        %get3A_227 = tpu.vector_load %arg10[%get3A_225, %get3A_226] {strides = array<i32>} : memref<80x128xf32, #tpu.memory_space<vmem>>, vector<16xf32>,
        %add3A_228 = arith.addf %get3A_219, %get3A_222 : vector<16xf32>
        %sub3A = arith.subf %add3A_228, %get3A_227 : vector<16xf32>
        %mul3A_229 = arith.mulf %sub3A, %sub3A : vector<16xf32>
        %add3A_230 = arith.addf %broadcast_in_dim3A_211, %mul3A_229 : vector<16xf32>
        %get3A_231 = arith.index_cast %add3A_208 : i32 to index
        %get3A_232 = arith.constant 16 : index
        %get3A_233 = tpu.vector_load %arg10[%get3A_231, %get3A_232] {strides = array<i32>} : memref<80x128xf32, #tpu.memory_space<vmem>>, vector<16xf32>,
        %get3A_234 = arith.index_cast %add3A_208 : i32 to index
        %get3A_235 = arith.constant 16 : index
        %get3A_236 = tpu.vector_load %arg12[%get3A_234, %get3A_235] {strides = array<i32>} : memref<40x128xf32, #tpu.memory_space<vmem>>, vector<16xf32>,
        %add3A_237 = arith.constant 40 : i32
        %add3A_238 = arith.addi %add3A_237, %add3A_208 : i32
        %get3A_239 = arith.index_cast %add3A_238 : i32 to index
        %get3A_240 = arith.constant 16 : index
        %get3A_241 = tpu.vector_load %arg10[%get3A_239, %get3A_240] {strides = array<i32>} : memref<80x128xf32, #tpu.memory_space<vmem>>, vector<16xf32>,
        %add3A_242 = arith.addf %get3A_233, %get3A_236 : vector<16xf32>
        %sub3A_243 = arith.subf %add3A_242, %get3A_241 : vector<16xf32>
        %mul3A_244 = arith.mulf %sub3A_243, %sub3A_243 : vector<16xf32>
        %add3A_245 = arith.addf %broadcast_in_dim3A_213, %mul3A_244 : vector<16xf32>
        %get3A_246 = arith.index_cast %add3A_208 : i32 to index
        %get3A_247 = arith.constant 32 : index
        %get3A_248 = tpu.vector_load %arg10[%get3A_246, %get3A_247] {strides = array<i32>} : memref<80x128xf32, #tpu.memory_space<vmem>>, vector<16xf32>,
        %get3A_249 = arith.index_cast %add3A_208 : i32 to index
        %get3A_250 = arith.constant 32 : index
        %get3A_251 = tpu.vector_load %arg12[%get3A_249, %get3A_250] {strides = array<i32>} : memref<40x128xf32, #tpu.memory_space<vmem>>, vector<16xf32>,
        %add3A_252 = arith.constant 40 : i32
        %add3A_253 = arith.addi %add3A_252, %add3A_208 : i32
        %get3A_254 = arith.index_cast %add3A_253 : i32 to index
        %get3A_255 = arith.constant 32 : index
        %get3A_256 = tpu.vector_load %arg10[%get3A_254, %get3A_255] {strides = array<i32>} : memref<80x128xf32, #tpu.memory_space<vmem>>, vector<16xf32>,
        %add3A_257 = arith.addf %get3A_248, %get3A_251 : vector<16xf32>
        %sub3A_258 = arith.subf %add3A_257, %get3A_256 : vector<16xf32>
        %mul3A_259 = arith.mulf %sub3A_258, %sub3A_258 : vector<16xf32>
        %add3A_260 = arith.addf %broadcast_in_dim3A_215, %mul3A_259 : vector<16xf32>
        %get3A_261 = arith.index_cast %add3A_208 : i32 to index
        %get3A_262 = arith.constant 48 : index
        %get3A_263 = tpu.vector_load %arg10[%get3A_261, %get3A_262] {strides = array<i32>} : memref<80x128xf32, #tpu.memory_space<vmem>>, vector<16xf32>,
        %get3A_264 = arith.index_cast %add3A_208 : i32 to index
        %get3A_265 = arith.constant 48 : index
        %get3A_266 = tpu.vector_load %arg12[%get3A_264, %get3A_265] {strides = array<i32>} : memref<40x128xf32, #tpu.memory_space<vmem>>, vector<16xf32>,
        %add3A_267 = arith.constant 40 : i32
        %add3A_268 = arith.addi %add3A_267, %add3A_208 : i32
        %get3A_269 = arith.index_cast %add3A_268 : i32 to index
        %get3A_270 = arith.constant 48 : index
        %get3A_271 = tpu.vector_load %arg10[%get3A_269, %get3A_270] {strides = array<i32>} : memref<80x128xf32, #tpu.memory_space<vmem>>, vector<16xf32>,
        %add3A_272 = arith.addf %get3A_263, %get3A_266 : vector<16xf32>
        %sub3A_273 = arith.subf %add3A_272, %get3A_271 : vector<16xf32>
        %mul3A_274 = arith.mulf %sub3A_273, %sub3A_273 : vector<16xf32>
        %add3A_275 = arith.addf %broadcast_in_dim3A_217, %mul3A_274 : vector<16xf32>
        %get3A_276 = arith.index_cast %add3A_208 : i32 to index
        %get3A_277 = arith.constant 64 : index
        %get3A_278 = tpu.vector_load %arg10[%get3A_276, %get3A_277] {strides = array<i32>} : memref<80x128xf32, #tpu.memory_space<vmem>>, vector<16xf32>,
        %get3A_279 = arith.index_cast %add3A_208 : i32 to index
        %get3A_280 = arith.constant 64 : index
        %get3A_281 = tpu.vector_load %arg12[%get3A_279, %get3A_280] {strides = array<i32>} : memref<40x128xf32, #tpu.memory_space<vmem>>, vector<16xf32>,
        %add3A_282 = arith.constant 40 : i32
        %add3A_283 = arith.addi %add3A_282, %add3A_208 : i32
        %get3A_284 = arith.index_cast %add3A_283 : i32 to index
        %get3A_285 = arith.constant 64 : index
        %get3A_286 = tpu.vector_load %arg10[%get3A_284, %get3A_285] {strides = array<i32>} : memref<80x128xf32, #tpu.memory_space<vmem>>, vector<16xf32>,
        %add3A_287 = arith.addf %get3A_278, %get3A_281 : vector<16xf32>
        %sub3A_288 = arith.subf %add3A_287, %get3A_286 : vector<16xf32>
        %mul3A_289 = arith.mulf %sub3A_288, %sub3A_288 : vector<16xf32>
        %add3A_290 = arith.addf %add3A_230, %mul3A_289 : vector<16xf32>
        %get3A_291 = arith.index_cast %add3A_208 : i32 to index
        %get3A_292 = arith.constant 80 : index
        %get3A_293 = tpu.vector_load %arg10[%get3A_291, %get3A_292] {strides = array<i32>} : memref<80x128xf32, #tpu.memory_space<vmem>>, vector<16xf32>,
        %get3A_294 = arith.index_cast %add3A_208 : i32 to index
        %get3A_295 = arith.constant 80 : index
        %get3A_296 = tpu.vector_load %arg12[%get3A_294, %get3A_295] {strides = array<i32>} : memref<40x128xf32, #tpu.memory_space<vmem>>, vector<16xf32>,
        %add3A_297 = arith.constant 40 : i32
        %add3A_298 = arith.addi %add3A_297, %add3A_208 : i32
        %get3A_299 = arith.index_cast %add3A_298 : i32 to index
        %get3A_300 = arith.constant 80 : index
        %get3A_301 = tpu.vector_load %arg10[%get3A_299, %get3A_300] {strides = array<i32>} : memref<80x128xf32, #tpu.memory_space<vmem>>, vector<16xf32>,
        %add3A_302 = arith.addf %get3A_293, %get3A_296 : vector<16xf32>
        %sub3A_303 = arith.subf %add3A_302, %get3A_301 : vector<16xf32>
        %mul3A_304 = arith.mulf %sub3A_303, %sub3A_303 : vector<16xf32>
        %add3A_305 = arith.addf %add3A_245, %mul3A_304 : vector<16xf32>
        %get3A_306 = arith.index_cast %add3A_208 : i32 to index
        %get3A_307 = arith.constant 96 : index
        %get3A_308 = tpu.vector_load %arg10[%get3A_306, %get3A_307] {strides = array<i32>} : memref<80x128xf32, #tpu.memory_space<vmem>>, vector<16xf32>,
        %get3A_309 = arith.index_cast %add3A_208 : i32 to index
        %get3A_310 = arith.constant 96 : index
        %get3A_311 = tpu.vector_load %arg12[%get3A_309, %get3A_310] {strides = array<i32>} : memref<40x128xf32, #tpu.memory_space<vmem>>, vector<16xf32>,
        %add3A_312 = arith.constant 40 : i32
        %add3A_313 = arith.addi %add3A_312, %add3A_208 : i32
        %get3A_314 = arith.index_cast %add3A_313 : i32 to index
        %get3A_315 = arith.constant 96 : index
        %get3A_316 = tpu.vector_load %arg10[%get3A_314, %get3A_315] {strides = array<i32>} : memref<80x128xf32, #tpu.memory_space<vmem>>, vector<16xf32>,
        %add3A_317 = arith.addf %get3A_308, %get3A_311 : vector<16xf32>
        %sub3A_318 = arith.subf %add3A_317, %get3A_316 : vector<16xf32>
        %mul3A_319 = arith.mulf %sub3A_318, %sub3A_318 : vector<16xf32>
        %add3A_320 = arith.addf %add3A_260, %mul3A_319 : vector<16xf32>
        %get3A_321 = arith.index_cast %add3A_208 : i32 to index
        %get3A_322 = arith.constant 112 : index
        %get3A_323 = tpu.vector_load %arg10[%get3A_321, %get3A_322] {strides = array<i32>} : memref<80x128xf32, #tpu.memory_space<vmem>>, vector<16xf32>,
        %get3A_324 = arith.index_cast %add3A_208 : i32 to index
        %get3A_325 = arith.constant 112 : index
        %get3A_326 = tpu.vector_load %arg12[%get3A_324, %get3A_325] {strides = array<i32>} : memref<40x128xf32, #tpu.memory_space<vmem>>, vector<16xf32>,
        %add3A_327 = arith.constant 40 : i32
        %add3A_328 = arith.addi %add3A_327, %add3A_208 : i32
        %get3A_329 = arith.index_cast %add3A_328 : i32 to index
        %get3A_330 = arith.constant 112 : index
        %get3A_331 = tpu.vector_load %arg10[%get3A_329, %get3A_330] {strides = array<i32>} : memref<80x128xf32, #tpu.memory_space<vmem>>, vector<16xf32>,
        %add3A_332 = arith.addf %get3A_323, %get3A_326 : vector<16xf32>
        %sub3A_333 = arith.subf %add3A_332, %get3A_331 : vector<16xf32>
        %mul3A_334 = arith.mulf %sub3A_333, %sub3A_333 : vector<16xf32>
        %add3A_335 = arith.addf %add3A_275, %mul3A_334 : vector<16xf32>
        %add3A_336 = arith.addf %add3A_290, %add3A_305 : vector<16xf32>
        %add3A_337 = arith.addf %add3A_320, %add3A_335 : vector<16xf32>
        %add3A_338 = arith.addf %add3A_336, %add3A_337 : vector<16xf32>
        %reduce_sum3A = arith.constant true
        %reduce_sum3A_339 = vector.broadcast %reduce_sum3A : i1 to vector<16xi1>
        %reduce_sum3A_340 = tpu.scan <sum>, %add3A_338 masked %reduce_sum3A_339 : vector<16xf32>, vector<16xi1> -> vector<16xf32>
        %reduce_sum3A_341 = vector.extract %reduce_sum3A_340[15] : f32 from vector<16xf32>
        %broadcast_in_dim3A_342 = vector.broadcast %reduce_sum3A_341 : f32 to vector<16xf32>
        %bitcast_convert_type3A = tpu.bitcast %broadcast_in_dim3A_342 : vector<16xf32> -> vector<16xi32>
        %broadcast_in_dim3A_343 = arith.constant 1597463007 : i32
        %broadcast_in_dim3A_344 = vector.broadcast %broadcast_in_dim3A_343 : i32 to vector<16xi32>
        %shift_right_arithmetic3A = arith.constant 1 : i32
        %shift_right_arithmetic3A_345 = vector.broadcast %shift_right_arithmetic3A : i32 to vector<16xi32>
        %shift_right_arithmetic3A_346 = arith.shrsi %bitcast_convert_type3A, %shift_right_arithmetic3A_345 : vector<16xi32>
        %sub3A_347 = arith.subi %broadcast_in_dim3A_344, %shift_right_arithmetic3A_346 : vector<16xi32>
        %bitcast_convert_type3A_348 = tpu.bitcast %sub3A_347 : vector<16xi32> -> vector<16xf32>
        %mul3A_349 = arith.constant 5.000000e-01 : f32
        %mul3A_350 = vector.broadcast %mul3A_349 : f32 to vector<16xf32>
        %mul3A_351 = arith.mulf %broadcast_in_dim3A_342, %mul3A_350 : vector<16xf32>
        %mul3A_352 = arith.mulf %mul3A_351, %bitcast_convert_type3A_348 : vector<16xf32>
        %mul3A_353 = arith.mulf %mul3A_352, %bitcast_convert_type3A_348 : vector<16xf32>
        %sub3A_354 = arith.constant 1.500000e+00 : f32
        %sub3A_355 = vector.broadcast %sub3A_354 : f32 to vector<16xf32>
        %sub3A_356 = arith.subf %sub3A_355, %mul3A_353 : vector<16xf32>
        %mul3A_357 = arith.mulf %bitcast_convert_type3A_348, %sub3A_356 : vector<16xf32>
        %mul3A_358 = arith.mulf %mul3A_351, %mul3A_357 : vector<16xf32>
        %mul3A_359 = arith.mulf %mul3A_358, %mul3A_357 : vector<16xf32>
        %sub3A_360 = arith.constant 1.500000e+00 : f32
        %sub3A_361 = vector.broadcast %sub3A_360 : f32 to vector<16xf32>
        %sub3A_362 = arith.subf %sub3A_361, %mul3A_359 : vector<16xf32>
        %mul3A_363 = arith.mulf %mul3A_357, %sub3A_362 : vector<16xf32>
        %mul3A_364 = arith.mulf %broadcast_in_dim3A_342, %mul3A_363 : vector<16xf32>
        %sub3A_365 = arith.constant 1.200000e+01 : f32
        %sub3A_366 = vector.broadcast %sub3A_365 : f32 to vector<16xf32>
        %sub3A_367 = arith.subf %mul3A_364, %sub3A_366 : vector<16xf32>
        %exp3A = math.exp %sub3A_367 : vector<16xf32>
        %add3A_368 = arith.constant 1.000000e+00 : f32
        %add3A_369 = vector.broadcast %add3A_368 : f32 to vector<16xf32>
        %add3A_370 = arith.addf %add3A_369, %exp3A : vector<16xf32>
        %div3A = arith.constant 1.000000e+00 : f32
        %div3A_371 = vector.broadcast %div3A : f32 to vector<16xf32>
        %div3A_372 = arith.divf %div3A_371, %add3A_370 : vector<16xf32>
        %mul3A_373 = arith.mulf %add3A_228, %div3A_372 : vector<16xf32>
        %swap3A = arith.index_cast %add3A_208 : i32 to index
        %swap3A_374 = arith.constant 0 : index
        %swap3A_375 = tpu.vector_load %arg14[%swap3A, %swap3A_374] {strides = array<i32>} : memref<40x128xf32, #tpu.memory_space<vmem>>, vector<16xf32>,
        tpu.vector_store %arg14[%swap3A, %swap3A_374], %mul3A_373 {strides = array<i32>} : memref<40x128xf32, #tpu.memory_space<vmem>>, vector<16xf32>,
        %mul3A_376 = arith.mulf %add3A_242, %div3A_372 : vector<16xf32>
        %swap3A_377 = arith.index_cast %add3A_208 : i32 to index
        %swap3A_378 = arith.constant 16 : index
        %swap3A_379 = tpu.vector_load %arg14[%swap3A_377, %swap3A_378] {strides = array<i32>} : memref<40x128xf32, #tpu.memory_space<vmem>>, vector<16xf32>,
        tpu.vector_store %arg14[%swap3A_377, %swap3A_378], %mul3A_376 {strides = array<i32>} : memref<40x128xf32, #tpu.memory_space<vmem>>, vector<16xf32>,
        %mul3A_380 = arith.mulf %add3A_257, %div3A_372 : vector<16xf32>
        %swap3A_381 = arith.index_cast %add3A_208 : i32 to index
        %swap3A_382 = arith.constant 32 : index
        %swap3A_383 = tpu.vector_load %arg14[%swap3A_381, %swap3A_382] {strides = array<i32>} : memref<40x128xf32, #tpu.memory_space<vmem>>, vector<16xf32>,
        tpu.vector_store %arg14[%swap3A_381, %swap3A_382], %mul3A_380 {strides = array<i32>} : memref<40x128xf32, #tpu.memory_space<vmem>>, vector<16xf32>,
        %mul3A_384 = arith.mulf %add3A_272, %div3A_372 : vector<16xf32>
        %swap3A_385 = arith.index_cast %add3A_208 : i32 to index
        %swap3A_386 = arith.constant 48 : index
        %swap3A_387 = tpu.vector_load %arg14[%swap3A_385, %swap3A_386] {strides = array<i32>} : memref<40x128xf32, #tpu.memory_space<vmem>>, vector<16xf32>,
        tpu.vector_store %arg14[%swap3A_385, %swap3A_386], %mul3A_384 {strides = array<i32>} : memref<40x128xf32, #tpu.memory_space<vmem>>, vector<16xf32>,
        %mul3A_388 = arith.mulf %add3A_287, %div3A_372 : vector<16xf32>
        %swap3A_389 = arith.index_cast %add3A_208 : i32 to index
        %swap3A_390 = arith.constant 64 : index
        %swap3A_391 = tpu.vector_load %arg14[%swap3A_389, %swap3A_390] {strides = array<i32>} : memref<40x128xf32, #tpu.memory_space<vmem>>, vector<16xf32>,
        tpu.vector_store %arg14[%swap3A_389, %swap3A_390], %mul3A_388 {strides = array<i32>} : memref<40x128xf32, #tpu.memory_space<vmem>>, vector<16xf32>,
        %mul3A_392 = arith.mulf %add3A_302, %div3A_372 : vector<16xf32>
        %swap3A_393 = arith.index_cast %add3A_208 : i32 to index
        %swap3A_394 = arith.constant 80 : index
        %swap3A_395 = tpu.vector_load %arg14[%swap3A_393, %swap3A_394] {strides = array<i32>} : memref<40x128xf32, #tpu.memory_space<vmem>>, vector<16xf32>,
        tpu.vector_store %arg14[%swap3A_393, %swap3A_394], %mul3A_392 {strides = array<i32>} : memref<40x128xf32, #tpu.memory_space<vmem>>, vector<16xf32>,
        %mul3A_396 = arith.mulf %add3A_317, %div3A_372 : vector<16xf32>
        %swap3A_397 = arith.index_cast %add3A_208 : i32 to index
        %swap3A_398 = arith.constant 96 : index
        %swap3A_399 = tpu.vector_load %arg14[%swap3A_397, %swap3A_398] {strides = array<i32>} : memref<40x128xf32, #tpu.memory_space<vmem>>, vector<16xf32>,
        tpu.vector_store %arg14[%swap3A_397, %swap3A_398], %mul3A_396 {strides = array<i32>} : memref<40x128xf32, #tpu.memory_space<vmem>>, vector<16xf32>,
        %mul3A_400 = arith.mulf %add3A_332, %div3A_372 : vector<16xf32>
        %swap3A_401 = arith.index_cast %add3A_208 : i32 to index
        %swap3A_402 = arith.constant 112 : index
        %swap3A_403 = tpu.vector_load %arg14[%swap3A_401, %swap3A_402] {strides = array<i32>} : memref<40x128xf32, #tpu.memory_space<vmem>>, vector<16xf32>,
        tpu.vector_store %arg14[%swap3A_401, %swap3A_402], %mul3A_400 {strides = array<i32>} : memref<40x128xf32, #tpu.memory_space<vmem>>, vector<16xf32>,
        %broadcast_in_dim3A_404 = arith.constant 0.000000e+00 : f32
        %broadcast_in_dim3A_405 = vector.broadcast %broadcast_in_dim3A_404 : f32 to vector<16xf32>
        %broadcast_in_dim3A_406 = arith.constant 0.000000e+00 : f32
        %broadcast_in_dim3A_407 = vector.broadcast %broadcast_in_dim3A_406 : f32 to vector<16xf32>
        %broadcast_in_dim3A_408 = arith.constant 0.000000e+00 : f32
        %broadcast_in_dim3A_409 = vector.broadcast %broadcast_in_dim3A_408 : f32 to vector<16xf32>
        %broadcast_in_dim3A_410 = arith.constant 0.000000e+00 : f32
        %broadcast_in_dim3A_411 = vector.broadcast %broadcast_in_dim3A_410 : f32 to vector<16xf32>
        %get3A_412 = arith.index_cast %add3A_210 : i32 to index
        %get3A_413 = arith.constant 0 : index
        %get3A_414 = tpu.vector_load %arg10[%get3A_412, %get3A_413] {strides = array<i32>} : memref<80x128xf32, #tpu.memory_space<vmem>>, vector<16xf32>,
        %get3A_415 = arith.index_cast %add3A_210 : i32 to index
        %get3A_416 = arith.constant 0 : index
        %get3A_417 = tpu.vector_load %arg12[%get3A_415, %get3A_416] {strides = array<i32>} : memref<40x128xf32, #tpu.memory_space<vmem>>, vector<16xf32>,
        %add3A_418 = arith.constant 40 : i32
        %add3A_419 = arith.addi %add3A_418, %add3A_210 : i32
        %get3A_420 = arith.index_cast %add3A_419 : i32 to index
        %get3A_421 = arith.constant 0 : index
        %get3A_422 = tpu.vector_load %arg10[%get3A_420, %get3A_421] {strides = array<i32>} : memref<80x128xf32, #tpu.memory_space<vmem>>, vector<16xf32>,
        %add3A_423 = arith.addf %get3A_414, %get3A_417 : vector<16xf32>
        %sub3A_424 = arith.subf %add3A_423, %get3A_422 : vector<16xf32>
        %mul3A_425 = arith.mulf %sub3A_424, %sub3A_424 : vector<16xf32>
        %add3A_426 = arith.addf %broadcast_in_dim3A_405, %mul3A_425 : vector<16xf32>
        %get3A_427 = arith.index_cast %add3A_210 : i32 to index
        %get3A_428 = arith.constant 16 : index
        %get3A_429 = tpu.vector_load %arg10[%get3A_427, %get3A_428] {strides = array<i32>} : memref<80x128xf32, #tpu.memory_space<vmem>>, vector<16xf32>,
        %get3A_430 = arith.index_cast %add3A_210 : i32 to index
        %get3A_431 = arith.constant 16 : index
        %get3A_432 = tpu.vector_load %arg12[%get3A_430, %get3A_431] {strides = array<i32>} : memref<40x128xf32, #tpu.memory_space<vmem>>, vector<16xf32>,
        %add3A_433 = arith.constant 40 : i32
        %add3A_434 = arith.addi %add3A_433, %add3A_210 : i32
        %get3A_435 = arith.index_cast %add3A_434 : i32 to index
        %get3A_436 = arith.constant 16 : index
        %get3A_437 = tpu.vector_load %arg10[%get3A_435, %get3A_436] {strides = array<i32>} : memref<80x128xf32, #tpu.memory_space<vmem>>, vector<16xf32>,
        %add3A_438 = arith.addf %get3A_429, %get3A_432 : vector<16xf32>
        %sub3A_439 = arith.subf %add3A_438, %get3A_437 : vector<16xf32>
        %mul3A_440 = arith.mulf %sub3A_439, %sub3A_439 : vector<16xf32>
        %add3A_441 = arith.addf %broadcast_in_dim3A_407, %mul3A_440 : vector<16xf32>
        %get3A_442 = arith.index_cast %add3A_210 : i32 to index
        %get3A_443 = arith.constant 32 : index
        %get3A_444 = tpu.vector_load %arg10[%get3A_442, %get3A_443] {strides = array<i32>} : memref<80x128xf32, #tpu.memory_space<vmem>>, vector<16xf32>,
        %get3A_445 = arith.index_cast %add3A_210 : i32 to index
        %get3A_446 = arith.constant 32 : index
        %get3A_447 = tpu.vector_load %arg12[%get3A_445, %get3A_446] {strides = array<i32>} : memref<40x128xf32, #tpu.memory_space<vmem>>, vector<16xf32>,
        %add3A_448 = arith.constant 40 : i32
        %add3A_449 = arith.addi %add3A_448, %add3A_210 : i32
        %get3A_450 = arith.index_cast %add3A_449 : i32 to index
        %get3A_451 = arith.constant 32 : index
        %get3A_452 = tpu.vector_load %arg10[%get3A_450, %get3A_451] {strides = array<i32>} : memref<80x128xf32, #tpu.memory_space<vmem>>, vector<16xf32>,
        %add3A_453 = arith.addf %get3A_444, %get3A_447 : vector<16xf32>
        %sub3A_454 = arith.subf %add3A_453, %get3A_452 : vector<16xf32>
        %mul3A_455 = arith.mulf %sub3A_454, %sub3A_454 : vector<16xf32>
        %add3A_456 = arith.addf %broadcast_in_dim3A_409, %mul3A_455 : vector<16xf32>
        %get3A_457 = arith.index_cast %add3A_210 : i32 to index
        %get3A_458 = arith.constant 48 : index
        %get3A_459 = tpu.vector_load %arg10[%get3A_457, %get3A_458] {strides = array<i32>} : memref<80x128xf32, #tpu.memory_space<vmem>>, vector<16xf32>,
        %get3A_460 = arith.index_cast %add3A_210 : i32 to index
        %get3A_461 = arith.constant 48 : index
        %get3A_462 = tpu.vector_load %arg12[%get3A_460, %get3A_461] {strides = array<i32>} : memref<40x128xf32, #tpu.memory_space<vmem>>, vector<16xf32>,
        %add3A_463 = arith.constant 40 : i32
        %add3A_464 = arith.addi %add3A_463, %add3A_210 : i32
        %get3A_465 = arith.index_cast %add3A_464 : i32 to index
        %get3A_466 = arith.constant 48 : index
        %get3A_467 = tpu.vector_load %arg10[%get3A_465, %get3A_466] {strides = array<i32>} : memref<80x128xf32, #tpu.memory_space<vmem>>, vector<16xf32>,
        %add3A_468 = arith.addf %get3A_459, %get3A_462 : vector<16xf32>
        %sub3A_469 = arith.subf %add3A_468, %get3A_467 : vector<16xf32>
        %mul3A_470 = arith.mulf %sub3A_469, %sub3A_469 : vector<16xf32>
        %add3A_471 = arith.addf %broadcast_in_dim3A_411, %mul3A_470 : vector<16xf32>
        %get3A_472 = arith.index_cast %add3A_210 : i32 to index
        %get3A_473 = arith.constant 64 : index
        %get3A_474 = tpu.vector_load %arg10[%get3A_472, %get3A_473] {strides = array<i32>} : memref<80x128xf32, #tpu.memory_space<vmem>>, vector<16xf32>,
        %get3A_475 = arith.index_cast %add3A_210 : i32 to index
        %get3A_476 = arith.constant 64 : index
        %get3A_477 = tpu.vector_load %arg12[%get3A_475, %get3A_476] {strides = array<i32>} : memref<40x128xf32, #tpu.memory_space<vmem>>, vector<16xf32>,
        %add3A_478 = arith.constant 40 : i32
        %add3A_479 = arith.addi %add3A_478, %add3A_210 : i32
        %get3A_480 = arith.index_cast %add3A_479 : i32 to index
        %get3A_481 = arith.constant 64 : index
        %get3A_482 = tpu.vector_load %arg10[%get3A_480, %get3A_481] {strides = array<i32>} : memref<80x128xf32, #tpu.memory_space<vmem>>, vector<16xf32>,
        %add3A_483 = arith.addf %get3A_474, %get3A_477 : vector<16xf32>
        %sub3A_484 = arith.subf %add3A_483, %get3A_482 : vector<16xf32>
        %mul3A_485 = arith.mulf %sub3A_484, %sub3A_484 : vector<16xf32>
        %add3A_486 = arith.addf %add3A_426, %mul3A_485 : vector<16xf32>
        %get3A_487 = arith.index_cast %add3A_210 : i32 to index
        %get3A_488 = arith.constant 80 : index
        %get3A_489 = tpu.vector_load %arg10[%get3A_487, %get3A_488] {strides = array<i32>} : memref<80x128xf32, #tpu.memory_space<vmem>>, vector<16xf32>,
        %get3A_490 = arith.index_cast %add3A_210 : i32 to index
        %get3A_491 = arith.constant 80 : index
        %get3A_492 = tpu.vector_load %arg12[%get3A_490, %get3A_491] {strides = array<i32>} : memref<40x128xf32, #tpu.memory_space<vmem>>, vector<16xf32>,
        %add3A_493 = arith.constant 40 : i32
        %add3A_494 = arith.addi %add3A_493, %add3A_210 : i32
        %get3A_495 = arith.index_cast %add3A_494 : i32 to index
        %get3A_496 = arith.constant 80 : index
        %get3A_497 = tpu.vector_load %arg10[%get3A_495, %get3A_496] {strides = array<i32>} : memref<80x128xf32, #tpu.memory_space<vmem>>, vector<16xf32>,
        %add3A_498 = arith.addf %get3A_489, %get3A_492 : vector<16xf32>
        %sub3A_499 = arith.subf %add3A_498, %get3A_497 : vector<16xf32>
        %mul3A_500 = arith.mulf %sub3A_499, %sub3A_499 : vector<16xf32>
        %add3A_501 = arith.addf %add3A_441, %mul3A_500 : vector<16xf32>
        %get3A_502 = arith.index_cast %add3A_210 : i32 to index
        %get3A_503 = arith.constant 96 : index
        %get3A_504 = tpu.vector_load %arg10[%get3A_502, %get3A_503] {strides = array<i32>} : memref<80x128xf32, #tpu.memory_space<vmem>>, vector<16xf32>,
        %get3A_505 = arith.index_cast %add3A_210 : i32 to index
        %get3A_506 = arith.constant 96 : index
        %get3A_507 = tpu.vector_load %arg12[%get3A_505, %get3A_506] {strides = array<i32>} : memref<40x128xf32, #tpu.memory_space<vmem>>, vector<16xf32>,
        %add3A_508 = arith.constant 40 : i32
        %add3A_509 = arith.addi %add3A_508, %add3A_210 : i32
        %get3A_510 = arith.index_cast %add3A_509 : i32 to index
        %get3A_511 = arith.constant 96 : index
        %get3A_512 = tpu.vector_load %arg10[%get3A_510, %get3A_511] {strides = array<i32>} : memref<80x128xf32, #tpu.memory_space<vmem>>, vector<16xf32>,
        %add3A_513 = arith.addf %get3A_504, %get3A_507 : vector<16xf32>
        %sub3A_514 = arith.subf %add3A_513, %get3A_512 : vector<16xf32>
        %mul3A_515 = arith.mulf %sub3A_514, %sub3A_514 : vector<16xf32>
        %add3A_516 = arith.addf %add3A_456, %mul3A_515 : vector<16xf32>
        %get3A_517 = arith.index_cast %add3A_210 : i32 to index
        %get3A_518 = arith.constant 112 : index
        %get3A_519 = tpu.vector_load %arg10[%get3A_517, %get3A_518] {strides = array<i32>} : memref<80x128xf32, #tpu.memory_space<vmem>>, vector<16xf32>,
        %get3A_520 = arith.index_cast %add3A_210 : i32 to index
        %get3A_521 = arith.constant 112 : index
        %get3A_522 = tpu.vector_load %arg12[%get3A_520, %get3A_521] {strides = array<i32>} : memref<40x128xf32, #tpu.memory_space<vmem>>, vector<16xf32>,
        %add3A_523 = arith.constant 40 : i32
        %add3A_524 = arith.addi %add3A_523, %add3A_210 : i32
        %get3A_525 = arith.index_cast %add3A_524 : i32 to index
        %get3A_526 = arith.constant 112 : index
        %get3A_527 = tpu.vector_load %arg10[%get3A_525, %get3A_526] {strides = array<i32>} : memref<80x128xf32, #tpu.memory_space<vmem>>, vector<16xf32>,
        %add3A_528 = arith.addf %get3A_519, %get3A_522 : vector<16xf32>
        %sub3A_529 = arith.subf %add3A_528, %get3A_527 : vector<16xf32>
        %mul3A_530 = arith.mulf %sub3A_529, %sub3A_529 : vector<16xf32>
        %add3A_531 = arith.addf %add3A_471, %mul3A_530 : vector<16xf32>
        %add3A_532 = arith.addf %add3A_486, %add3A_501 : vector<16xf32>
        %add3A_533 = arith.addf %add3A_516, %add3A_531 : vector<16xf32>
        %add3A_534 = arith.addf %add3A_532, %add3A_533 : vector<16xf32>
        %reduce_sum3A_535 = arith.constant true
        %reduce_sum3A_536 = vector.broadcast %reduce_sum3A_535 : i1 to vector<16xi1>
        %reduce_sum3A_537 = tpu.scan <sum>, %add3A_534 masked %reduce_sum3A_536 : vector<16xf32>, vector<16xi1> -> vector<16xf32>
        %reduce_sum3A_538 = vector.extract %reduce_sum3A_537[15] : f32 from vector<16xf32>
        %broadcast_in_dim3A_539 = vector.broadcast %reduce_sum3A_538 : f32 to vector<16xf32>
        %bitcast_convert_type3A_540 = tpu.bitcast %broadcast_in_dim3A_539 : vector<16xf32> -> vector<16xi32>
        %broadcast_in_dim3A_541 = arith.constant 1597463007 : i32
        %broadcast_in_dim3A_542 = vector.broadcast %broadcast_in_dim3A_541 : i32 to vector<16xi32>
        %shift_right_arithmetic3A_543 = arith.constant 1 : i32
        %shift_right_arithmetic3A_544 = vector.broadcast %shift_right_arithmetic3A_543 : i32 to vector<16xi32>
        %shift_right_arithmetic3A_545 = arith.shrsi %bitcast_convert_type3A_540, %shift_right_arithmetic3A_544 : vector<16xi32>
        %sub3A_546 = arith.subi %broadcast_in_dim3A_542, %shift_right_arithmetic3A_545 : vector<16xi32>
        %bitcast_convert_type3A_547 = tpu.bitcast %sub3A_546 : vector<16xi32> -> vector<16xf32>
        %mul3A_548 = arith.constant 5.000000e-01 : f32
        %mul3A_549 = vector.broadcast %mul3A_548 : f32 to vector<16xf32>
        %mul3A_550 = arith.mulf %broadcast_in_dim3A_539, %mul3A_549 : vector<16xf32>
        %mul3A_551 = arith.mulf %mul3A_550, %bitcast_convert_type3A_547 : vector<16xf32>
        %mul3A_552 = arith.mulf %mul3A_551, %bitcast_convert_type3A_547 : vector<16xf32>
        %sub3A_553 = arith.constant 1.500000e+00 : f32
        %sub3A_554 = vector.broadcast %sub3A_553 : f32 to vector<16xf32>
        %sub3A_555 = arith.subf %sub3A_554, %mul3A_552 : vector<16xf32>
        %mul3A_556 = arith.mulf %bitcast_convert_type3A_547, %sub3A_555 : vector<16xf32>
        %mul3A_557 = arith.mulf %mul3A_550, %mul3A_556 : vector<16xf32>
        %mul3A_558 = arith.mulf %mul3A_557, %mul3A_556 : vector<16xf32>
        %sub3A_559 = arith.constant 1.500000e+00 : f32
        %sub3A_560 = vector.broadcast %sub3A_559 : f32 to vector<16xf32>
        %sub3A_561 = arith.subf %sub3A_560, %mul3A_558 : vector<16xf32>
        %mul3A_562 = arith.mulf %mul3A_556, %sub3A_561 : vector<16xf32>
        %mul3A_563 = arith.mulf %broadcast_in_dim3A_539, %mul3A_562 : vector<16xf32>
        %sub3A_564 = arith.constant 1.200000e+01 : f32
        %sub3A_565 = vector.broadcast %sub3A_564 : f32 to vector<16xf32>
        %sub3A_566 = arith.subf %mul3A_563, %sub3A_565 : vector<16xf32>
        %exp3A_567 = math.exp %sub3A_566 : vector<16xf32>
        %add3A_568 = arith.constant 1.000000e+00 : f32
        %add3A_569 = vector.broadcast %add3A_568 : f32 to vector<16xf32>
        %add3A_570 = arith.addf %add3A_569, %exp3A_567 : vector<16xf32>
        %div3A_571 = arith.constant 1.000000e+00 : f32
        %div3A_572 = vector.broadcast %div3A_571 : f32 to vector<16xf32>
        %div3A_573 = arith.divf %div3A_572, %add3A_570 : vector<16xf32>
        %mul3A_574 = arith.mulf %add3A_423, %div3A_573 : vector<16xf32>
        %swap3A_575 = arith.index_cast %add3A_210 : i32 to index
        %swap3A_576 = arith.constant 0 : index
        %swap3A_577 = tpu.vector_load %arg14[%swap3A_575, %swap3A_576] {strides = array<i32>} : memref<40x128xf32, #tpu.memory_space<vmem>>, vector<16xf32>,
        tpu.vector_store %arg14[%swap3A_575, %swap3A_576], %mul3A_574 {strides = array<i32>} : memref<40x128xf32, #tpu.memory_space<vmem>>, vector<16xf32>,
        %mul3A_578 = arith.mulf %add3A_438, %div3A_573 : vector<16xf32>
        %swap3A_579 = arith.index_cast %add3A_210 : i32 to index
        %swap3A_580 = arith.constant 16 : index
        %swap3A_581 = tpu.vector_load %arg14[%swap3A_579, %swap3A_580] {strides = array<i32>} : memref<40x128xf32, #tpu.memory_space<vmem>>, vector<16xf32>,
        tpu.vector_store %arg14[%swap3A_579, %swap3A_580], %mul3A_578 {strides = array<i32>} : memref<40x128xf32, #tpu.memory_space<vmem>>, vector<16xf32>,
        %mul3A_582 = arith.mulf %add3A_453, %div3A_573 : vector<16xf32>
        %swap3A_583 = arith.index_cast %add3A_210 : i32 to index
        %swap3A_584 = arith.constant 32 : index
        %swap3A_585 = tpu.vector_load %arg14[%swap3A_583, %swap3A_584] {strides = array<i32>} : memref<40x128xf32, #tpu.memory_space<vmem>>, vector<16xf32>,
        tpu.vector_store %arg14[%swap3A_583, %swap3A_584], %mul3A_582 {strides = array<i32>} : memref<40x128xf32, #tpu.memory_space<vmem>>, vector<16xf32>,
        %mul3A_586 = arith.mulf %add3A_468, %div3A_573 : vector<16xf32>
        %swap3A_587 = arith.index_cast %add3A_210 : i32 to index
        %swap3A_588 = arith.constant 48 : index
        %swap3A_589 = tpu.vector_load %arg14[%swap3A_587, %swap3A_588] {strides = array<i32>} : memref<40x128xf32, #tpu.memory_space<vmem>>, vector<16xf32>,
        tpu.vector_store %arg14[%swap3A_587, %swap3A_588], %mul3A_586 {strides = array<i32>} : memref<40x128xf32, #tpu.memory_space<vmem>>, vector<16xf32>,
        %mul3A_590 = arith.mulf %add3A_483, %div3A_573 : vector<16xf32>
        %swap3A_591 = arith.index_cast %add3A_210 : i32 to index
        %swap3A_592 = arith.constant 64 : index
        %swap3A_593 = tpu.vector_load %arg14[%swap3A_591, %swap3A_592] {strides = array<i32>} : memref<40x128xf32, #tpu.memory_space<vmem>>, vector<16xf32>,
        tpu.vector_store %arg14[%swap3A_591, %swap3A_592], %mul3A_590 {strides = array<i32>} : memref<40x128xf32, #tpu.memory_space<vmem>>, vector<16xf32>,
        %mul3A_594 = arith.mulf %add3A_498, %div3A_573 : vector<16xf32>
        %swap3A_595 = arith.index_cast %add3A_210 : i32 to index
        %swap3A_596 = arith.constant 80 : index
        %swap3A_597 = tpu.vector_load %arg14[%swap3A_595, %swap3A_596] {strides = array<i32>} : memref<40x128xf32, #tpu.memory_space<vmem>>, vector<16xf32>,
        tpu.vector_store %arg14[%swap3A_595, %swap3A_596], %mul3A_594 {strides = array<i32>} : memref<40x128xf32, #tpu.memory_space<vmem>>, vector<16xf32>,
        %mul3A_598 = arith.mulf %add3A_513, %div3A_573 : vector<16xf32>
        %swap3A_599 = arith.index_cast %add3A_210 : i32 to index
        %swap3A_600 = arith.constant 96 : index
        %swap3A_601 = tpu.vector_load %arg14[%swap3A_599, %swap3A_600] {strides = array<i32>} : memref<40x128xf32, #tpu.memory_space<vmem>>, vector<16xf32>,
        tpu.vector_store %arg14[%swap3A_599, %swap3A_600], %mul3A_598 {strides = array<i32>} : memref<40x128xf32, #tpu.memory_space<vmem>>, vector<16xf32>,
        %mul3A_602 = arith.mulf %add3A_528, %div3A_573 : vector<16xf32>
        %swap3A_603 = arith.index_cast %add3A_210 : i32 to index
        %swap3A_604 = arith.constant 112 : index
        %swap3A_605 = tpu.vector_load %arg14[%swap3A_603, %swap3A_604] {strides = array<i32>} : memref<40x128xf32, #tpu.memory_space<vmem>>, vector<16xf32>,
        tpu.vector_store %arg14[%swap3A_603, %swap3A_604], %mul3A_602 {strides = array<i32>} : memref<40x128xf32, #tpu.memory_space<vmem>>, vector<16xf32>,
      }
      %scan3A_132 = arith.constant 20 : i32
      %rem3A_133 = arith.constant 4 : i32
      %rem3A_134 = arith.remsi %mul3A_111, %rem3A_133 : i32
      %dma_start3A_135 = arith.constant 0 : i32
      %dma_start3A_136 = arith.constant 0 : i32
      %dma_start3A_137 = tpu.memref_slice %arg9[%rem3A_134, %dma_start3A_135, %dma_start3A_136] : memref<4x1x40xi32, #tpu.memory_space<vmem>> -> memref<1x1x40xi32, #tpu.memory_space<vmem>>
      %dma_start3A_138 = tpu.memref_squeeze %dma_start3A_137 : memref<1x1x40xi32, #tpu.memory_space<vmem>> -> memref<40xi32, #tpu.memory_space<vmem>>
      %dma_start3A_139 = arith.constant 0 : i32
      %dma_start3A_140 = arith.constant 0 : i32
      %dma_start3A_141 = tpu.memref_slice %arg15[%dma_start3A_139, %dma_start3A_140] : memref<10000x128xf32, #tpu.memory_space<vmem_shared>> -> memref<10000x128xf32, #tpu.memory_space<vmem_shared>>
      tpu.enqueue_indirect_dma source(%arg14 : memref<40x128xf32, #tpu.memory_space<vmem>>) target(%dma_start3A_141 : memref<10000x128xf32, #tpu.memory_space<vmem_shared>>) offsets(%dma_start3A_138 : memref<40xi32, #tpu.memory_space<vmem>>) semaphore(%arg19 : memref<!tpu.dma_semaphore, #tpu.memory_space<semaphore_mem>>) {add = true}
      %add3A_142 = arith.constant 2 : i32
      %add3A_143 = arith.addi %mul3A_111, %add3A_142 : i32
      %lt3A = arith.constant 250 : i32
      %lt3A_144 = arith.cmpi slt, %add3A_143, %lt3A : i32
      %convert_element_type3A_145 = arith.extui %lt3A_144 : i1 to i32
      %cond3A_146 = arith.constant 0 : i32
      %cond3A_147 = arith.cmpi ne, %convert_element_type3A_145, %cond3A_146 : i32
      scf.if %cond3A_147 {
        %dma_wait3A_204 = arith.constant 0 : i32
        %dma_wait3A_205 = arith.constant 0 : i32
        %dma_wait3A_206 = arith.constant 0 : i32
        %dma_wait3A_207 = arith.constant 0 : i32
        %dma_wait3A_208 = tpu.memref_slice %arg8[%dma_wait3A_205, %dma_wait3A_206, %dma_wait3A_207] : memref<4x1x80xi32, #tpu.memory_space<vmem>> -> memref<1x1x80xi32, #tpu.memory_space<vmem>>
        %dma_wait3A_209 = tpu.memref_squeeze %dma_wait3A_208 : memref<1x1x80xi32, #tpu.memory_space<vmem>> -> memref<1x80xi32, #tpu.memory_space<vmem>>
        %dma_wait3A_210 = arith.constant 0 : i32
        %dma_wait3A_211 = arith.constant 0 : i32
        %dma_wait3A_212 = tpu.memref_slice %arg3[%add3A, %dma_wait3A_204, %dma_wait3A_210, %dma_wait3A_211] : memref<32x250x1x80xi32, #tpu.memory_space<hbm>> -> memref<1x1x1x80xi32, #tpu.memory_space<hbm>>
        %dma_wait3A_213 = tpu.memref_squeeze %dma_wait3A_212 : memref<1x1x1x80xi32, #tpu.memory_space<hbm>> -> memref<1x80xi32, #tpu.memory_space<hbm>>
        %dma_wait3A_214 = arith.constant 0 : i32
        %dma_wait3A_215 = arith.constant 0 : i32
        %dma_wait3A_216 = tpu.memref_slice %arg8[%dma_wait3A_205, %dma_wait3A_214, %dma_wait3A_215] : memref<4x1x80xi32, #tpu.memory_space<vmem>> -> memref<1x1x80xi32, #tpu.memory_space<vmem>>
        %dma_wait3A_217 = tpu.memref_squeeze %dma_wait3A_216 : memref<1x1x80xi32, #tpu.memory_space<vmem>> -> memref<1x80xi32, #tpu.memory_space<vmem>>
        %dma_wait3A_218 = arith.constant 0 : i32
        %dma_wait3A_219 = arith.constant 0 : i32
        %dma_wait3A_220 = tpu.memref_slice %arg3[%add3A, %dma_wait3A_204, %dma_wait3A_218, %dma_wait3A_219] : memref<32x250x1x80xi32, #tpu.memory_space<hbm>> -> memref<1x1x1x80xi32, #tpu.memory_space<hbm>>
        %dma_wait3A_221 = tpu.memref_squeeze %dma_wait3A_220 : memref<1x1x1x80xi32, #tpu.memory_space<hbm>> -> memref<1x80xi32, #tpu.memory_space<hbm>>
        tpu.wait_dma2 semaphore(%arg18 : memref<!tpu.dma_semaphore, #tpu.memory_space<semaphore_mem>>) src(%dma_wait3A_221 : memref<1x80xi32, #tpu.memory_space<hbm>>) dst(%dma_wait3A_217 : memref<1x80xi32, #tpu.memory_space<vmem>>)
        %dma_wait3A_222 = arith.constant 0 : i32
        %dma_wait3A_223 = arith.constant 0 : i32
        %dma_wait3A_224 = arith.constant 0 : i32
        %dma_wait3A_225 = arith.constant 0 : i32
        %dma_wait3A_226 = tpu.memref_slice %arg9[%dma_wait3A_223, %dma_wait3A_224, %dma_wait3A_225] : memref<4x1x40xi32, #tpu.memory_space<vmem>> -> memref<1x1x40xi32, #tpu.memory_space<vmem>>
        %dma_wait3A_227 = tpu.memref_squeeze %dma_wait3A_226 : memref<1x1x40xi32, #tpu.memory_space<vmem>> -> memref<1x40xi32, #tpu.memory_space<vmem>>
        %dma_wait3A_228 = arith.constant 0 : i32
        %dma_wait3A_229 = arith.constant 0 : i32
        %dma_wait3A_230 = tpu.memref_slice %arg4[%add3A, %dma_wait3A_222, %dma_wait3A_228, %dma_wait3A_229] : memref<32x250x1x40xi32, #tpu.memory_space<hbm>> -> memref<1x1x1x40xi32, #tpu.memory_space<hbm>>
        %dma_wait3A_231 = tpu.memref_squeeze %dma_wait3A_230 : memref<1x1x1x40xi32, #tpu.memory_space<hbm>> -> memref<1x40xi32, #tpu.memory_space<hbm>>
        %dma_wait3A_232 = arith.constant 0 : i32
        %dma_wait3A_233 = arith.constant 0 : i32
        %dma_wait3A_234 = tpu.memref_slice %arg9[%dma_wait3A_223, %dma_wait3A_232, %dma_wait3A_233] : memref<4x1x40xi32, #tpu.memory_space<vmem>> -> memref<1x1x40xi32, #tpu.memory_space<vmem>>
        %dma_wait3A_235 = tpu.memref_squeeze %dma_wait3A_234 : memref<1x1x40xi32, #tpu.memory_space<vmem>> -> memref<1x40xi32, #tpu.memory_space<vmem>>
        %dma_wait3A_236 = arith.constant 0 : i32
        %dma_wait3A_237 = arith.constant 0 : i32
        %dma_wait3A_238 = tpu.memref_slice %arg4[%add3A, %dma_wait3A_222, %dma_wait3A_236, %dma_wait3A_237] : memref<32x250x1x40xi32, #tpu.memory_space<hbm>> -> memref<1x1x1x40xi32, #tpu.memory_space<hbm>>
        %dma_wait3A_239 = tpu.memref_squeeze %dma_wait3A_238 : memref<1x1x1x40xi32, #tpu.memory_space<hbm>> -> memref<1x40xi32, #tpu.memory_space<hbm>>
        tpu.wait_dma2 semaphore(%arg18 : memref<!tpu.dma_semaphore, #tpu.memory_space<semaphore_mem>>) src(%dma_wait3A_239 : memref<1x40xi32, #tpu.memory_space<hbm>>) dst(%dma_wait3A_235 : memref<1x40xi32, #tpu.memory_space<vmem>>)
        %add3A_240 = arith.constant 2 : i32
        %add3A_241 = arith.addi %mul3A_111, %add3A_240 : i32
        %rem3A_242 = arith.constant 4 : i32
        %rem3A_243 = arith.remsi %add3A_241, %rem3A_242 : i32
        %dma_start3A_244 = arith.constant 0 : i32
        %dma_start3A_245 = arith.constant 0 : i32
        %dma_start3A_246 = tpu.memref_slice %arg8[%rem3A_243, %dma_start3A_244, %dma_start3A_245] : memref<4x1x80xi32, #tpu.memory_space<vmem>> -> memref<1x1x80xi32, #tpu.memory_space<vmem>>
        %dma_start3A_247 = tpu.memref_squeeze %dma_start3A_246 : memref<1x1x80xi32, #tpu.memory_space<vmem>> -> memref<80xi32, #tpu.memory_space<vmem>>
        %dma_start3A_248 = arith.constant 0 : i32
        %dma_start3A_249 = arith.constant 0 : i32
        %dma_start3A_250 = tpu.memref_slice %arg2[%dma_start3A_248, %dma_start3A_249] : memref<10000x128xf32, #tpu.memory_space<hbm>> -> memref<10000x128xf32, #tpu.memory_space<hbm>>
        tpu.enqueue_indirect_dma source(%dma_start3A_250 : memref<10000x128xf32, #tpu.memory_space<hbm>>) target(%arg10 : memref<80x128xf32, #tpu.memory_space<vmem>>) offsets(%dma_start3A_247 : memref<80xi32, #tpu.memory_space<vmem>>) semaphore(%arg16 : memref<!tpu.dma_semaphore, #tpu.memory_space<semaphore_mem>>)
        %mul3A_251 = arith.constant 10000 : i32
        %mul3A_252 = arith.muli %add3A, %mul3A_251 : i32
        %mul3A_253 = arith.constant 40 : i32
        %mul3A_254 = arith.muli %add3A_241, %mul3A_253 : i32
        %add3A_255 = arith.addi %mul3A_252, %mul3A_254 : i32
        %dma_start3A_256 = arith.constant 0 : i32
        %dma_start3A_257 = tpu.memref_slice %arg5[%add3A_255, %dma_start3A_256] : memref<320000x128xf32, #tpu.memory_space<hbm>> -> memref<40x128xf32, #tpu.memory_space<hbm>>
        %dma_start3A_258 = arith.constant 0 : i32
        %dma_start3A_259 = tpu.memref_slice %arg5[%add3A_255, %dma_start3A_258] : memref<320000x128xf32, #tpu.memory_space<hbm>> -> memref<40x128xf32, #tpu.memory_space<hbm>>
        tpu.enqueue_dma source(%dma_start3A_259 : memref<40x128xf32, #tpu.memory_space<hbm>>) target(%arg12 : memref<40x128xf32, #tpu.memory_space<vmem>>) target_semaphore(%arg16 : memref<!tpu.dma_semaphore, #tpu.memory_space<semaphore_mem>>)
      } else {
      }
      %add3A_148 = arith.constant 3 : i32
      %add3A_149 = arith.addi %mul3A_111, %add3A_148 : i32
      %lt3A_150 = arith.constant 250 : i32
      %lt3A_151 = arith.cmpi slt, %add3A_149, %lt3A_150 : i32
      %convert_element_type3A_152 = arith.extui %lt3A_151 : i1 to i32
      %cond3A_153 = arith.constant 0 : i32
      %cond3A_154 = arith.cmpi ne, %convert_element_type3A_152, %cond3A_153 : i32
      scf.if %cond3A_154 {
        %add3A_204 = arith.constant 3 : i32
        %add3A_205 = arith.addi %mul3A_111, %add3A_204 : i32
        %rem3A_206 = arith.constant 4 : i32
        %rem3A_207 = arith.remsi %add3A_205, %rem3A_206 : i32
        %dma_start3A_208 = arith.constant 0 : i32
        %dma_start3A_209 = arith.constant 0 : i32
        %dma_start3A_210 = tpu.memref_slice %arg8[%rem3A_207, %dma_start3A_208, %dma_start3A_209] : memref<4x1x80xi32, #tpu.memory_space<vmem>> -> memref<1x1x80xi32, #tpu.memory_space<vmem>>
        %dma_start3A_211 = tpu.memref_squeeze %dma_start3A_210 : memref<1x1x80xi32, #tpu.memory_space<vmem>> -> memref<1x80xi32, #tpu.memory_space<vmem>>
        %dma_start3A_212 = arith.constant 0 : i32
        %dma_start3A_213 = arith.constant 0 : i32
        %dma_start3A_214 = tpu.memref_slice %arg3[%add3A, %add3A_205, %dma_start3A_212, %dma_start3A_213] : memref<32x250x1x80xi32, #tpu.memory_space<hbm>> -> memref<1x1x1x80xi32, #tpu.memory_space<hbm>>
        %dma_start3A_215 = tpu.memref_squeeze %dma_start3A_214 : memref<1x1x1x80xi32, #tpu.memory_space<hbm>> -> memref<1x80xi32, #tpu.memory_space<hbm>>
        %dma_start3A_216 = arith.constant 0 : i32
        %dma_start3A_217 = arith.constant 0 : i32
        %dma_start3A_218 = tpu.memref_slice %arg8[%rem3A_207, %dma_start3A_216, %dma_start3A_217] : memref<4x1x80xi32, #tpu.memory_space<vmem>> -> memref<1x1x80xi32, #tpu.memory_space<vmem>>
        %dma_start3A_219 = tpu.memref_squeeze %dma_start3A_218 : memref<1x1x80xi32, #tpu.memory_space<vmem>> -> memref<1x80xi32, #tpu.memory_space<vmem>>
        %dma_start3A_220 = arith.constant 0 : i32
        %dma_start3A_221 = arith.constant 0 : i32
        %dma_start3A_222 = tpu.memref_slice %arg3[%add3A, %add3A_205, %dma_start3A_220, %dma_start3A_221] : memref<32x250x1x80xi32, #tpu.memory_space<hbm>> -> memref<1x1x1x80xi32, #tpu.memory_space<hbm>>
        %dma_start3A_223 = tpu.memref_squeeze %dma_start3A_222 : memref<1x1x1x80xi32, #tpu.memory_space<hbm>> -> memref<1x80xi32, #tpu.memory_space<hbm>>
        tpu.enqueue_dma source(%dma_start3A_223 : memref<1x80xi32, #tpu.memory_space<hbm>>) target(%dma_start3A_219 : memref<1x80xi32, #tpu.memory_space<vmem>>) target_semaphore(%arg18 : memref<!tpu.dma_semaphore, #tpu.memory_space<semaphore_mem>>)
        %dma_start3A_224 = arith.constant 0 : i32
        %dma_start3A_225 = arith.constant 0 : i32
        %dma_start3A_226 = tpu.memref_slice %arg9[%rem3A_207, %dma_start3A_224, %dma_start3A_225] : memref<4x1x40xi32, #tpu.memory_space<vmem>> -> memref<1x1x40xi32, #tpu.memory_space<vmem>>
        %dma_start3A_227 = tpu.memref_squeeze %dma_start3A_226 : memref<1x1x40xi32, #tpu.memory_space<vmem>> -> memref<1x40xi32, #tpu.memory_space<vmem>>
        %dma_start3A_228 = arith.constant 0 : i32
        %dma_start3A_229 = arith.constant 0 : i32
        %dma_start3A_230 = tpu.memref_slice %arg4[%add3A, %add3A_205, %dma_start3A_228, %dma_start3A_229] : memref<32x250x1x40xi32, #tpu.memory_space<hbm>> -> memref<1x1x1x40xi32, #tpu.memory_space<hbm>>
        %dma_start3A_231 = tpu.memref_squeeze %dma_start3A_230 : memref<1x1x1x40xi32, #tpu.memory_space<hbm>> -> memref<1x40xi32, #tpu.memory_space<hbm>>
        %dma_start3A_232 = arith.constant 0 : i32
        %dma_start3A_233 = arith.constant 0 : i32
        %dma_start3A_234 = tpu.memref_slice %arg9[%rem3A_207, %dma_start3A_232, %dma_start3A_233] : memref<4x1x40xi32, #tpu.memory_space<vmem>> -> memref<1x1x40xi32, #tpu.memory_space<vmem>>
        %dma_start3A_235 = tpu.memref_squeeze %dma_start3A_234 : memref<1x1x40xi32, #tpu.memory_space<vmem>> -> memref<1x40xi32, #tpu.memory_space<vmem>>
        %dma_start3A_236 = arith.constant 0 : i32
        %dma_start3A_237 = arith.constant 0 : i32
        %dma_start3A_238 = tpu.memref_slice %arg4[%add3A, %add3A_205, %dma_start3A_236, %dma_start3A_237] : memref<32x250x1x40xi32, #tpu.memory_space<hbm>> -> memref<1x1x1x40xi32, #tpu.memory_space<hbm>>
        %dma_start3A_239 = tpu.memref_squeeze %dma_start3A_238 : memref<1x1x1x40xi32, #tpu.memory_space<hbm>> -> memref<1x40xi32, #tpu.memory_space<hbm>>
        tpu.enqueue_dma source(%dma_start3A_239 : memref<1x40xi32, #tpu.memory_space<hbm>>) target(%dma_start3A_235 : memref<1x40xi32, #tpu.memory_space<vmem>>) target_semaphore(%arg18 : memref<!tpu.dma_semaphore, #tpu.memory_space<semaphore_mem>>)
      } else {
      }
      %mul3A_155 = arith.constant 2 : i32
      %mul3A_156 = arith.muli %mul3A_155, %add3A_109 : i32
      %add3A_157 = arith.constant 1 : i32
      %add3A_158 = arith.addi %mul3A_156, %add3A_157 : i32
      %dma_wait3A_159 = arith.constant 0 : i32
      %dma_wait3A_160 = arith.constant 0 : i32
      %dma_wait3A_161 = tpu.memref_slice %arg5[%dma_wait3A_159, %dma_wait3A_160] : memref<320000x128xf32, #tpu.memory_space<hbm>> -> memref<80x128xf32, #tpu.memory_space<hbm>>
      %dma_wait3A_162 = arith.constant 0 : i32
      %dma_wait3A_163 = arith.constant 0 : i32
      %dma_wait3A_164 = tpu.memref_slice %arg5[%dma_wait3A_162, %dma_wait3A_163] : memref<320000x128xf32, #tpu.memory_space<hbm>> -> memref<80x128xf32, #tpu.memory_space<hbm>>
      tpu.wait_dma2 semaphore(%arg17 : memref<!tpu.dma_semaphore, #tpu.memory_space<semaphore_mem>>) src(%dma_wait3A_164 : memref<80x128xf32, #tpu.memory_space<hbm>>) dst(%arg11 : memref<80x128xf32, #tpu.memory_space<vmem>>)
      %dma_wait3A_165 = arith.constant 0 : i32
      %dma_wait3A_166 = arith.constant 0 : i32
      %dma_wait3A_167 = tpu.memref_slice %arg5[%dma_wait3A_165, %dma_wait3A_166] : memref<320000x128xf32, #tpu.memory_space<hbm>> -> memref<40x128xf32, #tpu.memory_space<hbm>>
      %dma_wait3A_168 = arith.constant 0 : i32
      %dma_wait3A_169 = arith.constant 0 : i32
      %dma_wait3A_170 = tpu.memref_slice %arg5[%dma_wait3A_168, %dma_wait3A_169] : memref<320000x128xf32, #tpu.memory_space<hbm>> -> memref<40x128xf32, #tpu.memory_space<hbm>>
      tpu.wait_dma2 semaphore(%arg17 : memref<!tpu.dma_semaphore, #tpu.memory_space<semaphore_mem>>) src(%dma_wait3A_170 : memref<40x128xf32, #tpu.memory_space<hbm>>) dst(%arg13 : memref<40x128xf32, #tpu.memory_space<vmem>>)
      %gt3A_171 = arith.constant 0 : i32
      %gt3A_172 = arith.cmpi sgt, %add3A_158, %gt3A_171 : i32
      %convert_element_type3A_173 = arith.extui %gt3A_172 : i1 to i32
      %cond3A_174 = arith.constant 0 : i32
      %cond3A_175 = arith.cmpi ne, %convert_element_type3A_173, %cond3A_174 : i32
      scf.if %cond3A_175 {
        %dma_wait3A_204 = arith.constant 0 : i32
        %dma_wait3A_205 = arith.constant 0 : i32
        %dma_wait3A_206 = tpu.memref_slice %arg15[%dma_wait3A_204, %dma_wait3A_205] : memref<10000x128xf32, #tpu.memory_space<vmem_shared>> -> memref<40x128xf32, #tpu.memory_space<vmem_shared>>
        %dma_wait3A_207 = arith.constant 0 : i32
        %dma_wait3A_208 = arith.constant 0 : i32
        %dma_wait3A_209 = tpu.memref_slice %arg15[%dma_wait3A_207, %dma_wait3A_208] : memref<10000x128xf32, #tpu.memory_space<vmem_shared>> -> memref<40x128xf32, #tpu.memory_space<vmem_shared>>
        tpu.wait_dma2 semaphore(%arg19 : memref<!tpu.dma_semaphore, #tpu.memory_space<semaphore_mem>>) src(%arg14 : memref<40x128xf32, #tpu.memory_space<vmem>>) dst(%dma_wait3A_209 : memref<40x128xf32, #tpu.memory_space<vmem_shared>>)
      } else {
      }
      %scan3A_176 = arith.constant 0 : i32
      %scan3A_177 = arith.constant 20 : i32
      %scan3A_178 = arith.addi %scan3A_176, %scan3A_177 : i32
      %scan3A_179 = arith.constant 1 : i32
      scf.for %scan3A_204 = %scan3A_176 to %scan3A_178 step %scan3A_179  : i32 {
        %mul3A_205 = arith.constant 2 : i32
        %mul3A_206 = arith.muli %scan3A_204, %mul3A_205 : i32
        %add3A_207 = arith.constant 0 : i32
        %add3A_208 = arith.addi %add3A_207, %mul3A_206 : i32
        %add3A_209 = arith.constant 1 : i32
        %add3A_210 = arith.addi %add3A_208, %add3A_209 : i32
        %broadcast_in_dim3A = arith.constant 0.000000e+00 : f32
        %broadcast_in_dim3A_211 = vector.broadcast %broadcast_in_dim3A : f32 to vector<16xf32>
        %broadcast_in_dim3A_212 = arith.constant 0.000000e+00 : f32
        %broadcast_in_dim3A_213 = vector.broadcast %broadcast_in_dim3A_212 : f32 to vector<16xf32>
        %broadcast_in_dim3A_214 = arith.constant 0.000000e+00 : f32
        %broadcast_in_dim3A_215 = vector.broadcast %broadcast_in_dim3A_214 : f32 to vector<16xf32>
        %broadcast_in_dim3A_216 = arith.constant 0.000000e+00 : f32
        %broadcast_in_dim3A_217 = vector.broadcast %broadcast_in_dim3A_216 : f32 to vector<16xf32>
        %get3A = arith.index_cast %add3A_208 : i32 to index
        %get3A_218 = arith.constant 0 : index
        %get3A_219 = tpu.vector_load %arg11[%get3A, %get3A_218] {strides = array<i32>} : memref<80x128xf32, #tpu.memory_space<vmem>>, vector<16xf32>,
        %get3A_220 = arith.index_cast %add3A_208 : i32 to index
        %get3A_221 = arith.constant 0 : index
        %get3A_222 = tpu.vector_load %arg13[%get3A_220, %get3A_221] {strides = array<i32>} : memref<40x128xf32, #tpu.memory_space<vmem>>, vector<16xf32>,
        %add3A_223 = arith.constant 40 : i32
        %add3A_224 = arith.addi %add3A_223, %add3A_208 : i32
        %get3A_225 = arith.index_cast %add3A_224 : i32 to index
        %get3A_226 = arith.constant 0 : index
        %get3A_227 = tpu.vector_load %arg11[%get3A_225, %get3A_226] {strides = array<i32>} : memref<80x128xf32, #tpu.memory_space<vmem>>, vector<16xf32>,
        %add3A_228 = arith.addf %get3A_219, %get3A_222 : vector<16xf32>
        %sub3A = arith.subf %add3A_228, %get3A_227 : vector<16xf32>
        %mul3A_229 = arith.mulf %sub3A, %sub3A : vector<16xf32>
        %add3A_230 = arith.addf %broadcast_in_dim3A_211, %mul3A_229 : vector<16xf32>
        %get3A_231 = arith.index_cast %add3A_208 : i32 to index
        %get3A_232 = arith.constant 16 : index
        %get3A_233 = tpu.vector_load %arg11[%get3A_231, %get3A_232] {strides = array<i32>} : memref<80x128xf32, #tpu.memory_space<vmem>>, vector<16xf32>,
        %get3A_234 = arith.index_cast %add3A_208 : i32 to index
        %get3A_235 = arith.constant 16 : index
        %get3A_236 = tpu.vector_load %arg13[%get3A_234, %get3A_235] {strides = array<i32>} : memref<40x128xf32, #tpu.memory_space<vmem>>, vector<16xf32>,
        %add3A_237 = arith.constant 40 : i32
        %add3A_238 = arith.addi %add3A_237, %add3A_208 : i32
        %get3A_239 = arith.index_cast %add3A_238 : i32 to index
        %get3A_240 = arith.constant 16 : index
        %get3A_241 = tpu.vector_load %arg11[%get3A_239, %get3A_240] {strides = array<i32>} : memref<80x128xf32, #tpu.memory_space<vmem>>, vector<16xf32>,
        %add3A_242 = arith.addf %get3A_233, %get3A_236 : vector<16xf32>
        %sub3A_243 = arith.subf %add3A_242, %get3A_241 : vector<16xf32>
        %mul3A_244 = arith.mulf %sub3A_243, %sub3A_243 : vector<16xf32>
        %add3A_245 = arith.addf %broadcast_in_dim3A_213, %mul3A_244 : vector<16xf32>
        %get3A_246 = arith.index_cast %add3A_208 : i32 to index
        %get3A_247 = arith.constant 32 : index
        %get3A_248 = tpu.vector_load %arg11[%get3A_246, %get3A_247] {strides = array<i32>} : memref<80x128xf32, #tpu.memory_space<vmem>>, vector<16xf32>,
        %get3A_249 = arith.index_cast %add3A_208 : i32 to index
        %get3A_250 = arith.constant 32 : index
        %get3A_251 = tpu.vector_load %arg13[%get3A_249, %get3A_250] {strides = array<i32>} : memref<40x128xf32, #tpu.memory_space<vmem>>, vector<16xf32>,
        %add3A_252 = arith.constant 40 : i32
        %add3A_253 = arith.addi %add3A_252, %add3A_208 : i32
        %get3A_254 = arith.index_cast %add3A_253 : i32 to index
        %get3A_255 = arith.constant 32 : index
        %get3A_256 = tpu.vector_load %arg11[%get3A_254, %get3A_255] {strides = array<i32>} : memref<80x128xf32, #tpu.memory_space<vmem>>, vector<16xf32>,
        %add3A_257 = arith.addf %get3A_248, %get3A_251 : vector<16xf32>
        %sub3A_258 = arith.subf %add3A_257, %get3A_256 : vector<16xf32>
        %mul3A_259 = arith.mulf %sub3A_258, %sub3A_258 : vector<16xf32>
        %add3A_260 = arith.addf %broadcast_in_dim3A_215, %mul3A_259 : vector<16xf32>
        %get3A_261 = arith.index_cast %add3A_208 : i32 to index
        %get3A_262 = arith.constant 48 : index
        %get3A_263 = tpu.vector_load %arg11[%get3A_261, %get3A_262] {strides = array<i32>} : memref<80x128xf32, #tpu.memory_space<vmem>>, vector<16xf32>,
        %get3A_264 = arith.index_cast %add3A_208 : i32 to index
        %get3A_265 = arith.constant 48 : index
        %get3A_266 = tpu.vector_load %arg13[%get3A_264, %get3A_265] {strides = array<i32>} : memref<40x128xf32, #tpu.memory_space<vmem>>, vector<16xf32>,
        %add3A_267 = arith.constant 40 : i32
        %add3A_268 = arith.addi %add3A_267, %add3A_208 : i32
        %get3A_269 = arith.index_cast %add3A_268 : i32 to index
        %get3A_270 = arith.constant 48 : index
        %get3A_271 = tpu.vector_load %arg11[%get3A_269, %get3A_270] {strides = array<i32>} : memref<80x128xf32, #tpu.memory_space<vmem>>, vector<16xf32>,
        %add3A_272 = arith.addf %get3A_263, %get3A_266 : vector<16xf32>
        %sub3A_273 = arith.subf %add3A_272, %get3A_271 : vector<16xf32>
        %mul3A_274 = arith.mulf %sub3A_273, %sub3A_273 : vector<16xf32>
        %add3A_275 = arith.addf %broadcast_in_dim3A_217, %mul3A_274 : vector<16xf32>
        %get3A_276 = arith.index_cast %add3A_208 : i32 to index
        %get3A_277 = arith.constant 64 : index
        %get3A_278 = tpu.vector_load %arg11[%get3A_276, %get3A_277] {strides = array<i32>} : memref<80x128xf32, #tpu.memory_space<vmem>>, vector<16xf32>,
        %get3A_279 = arith.index_cast %add3A_208 : i32 to index
        %get3A_280 = arith.constant 64 : index
        %get3A_281 = tpu.vector_load %arg13[%get3A_279, %get3A_280] {strides = array<i32>} : memref<40x128xf32, #tpu.memory_space<vmem>>, vector<16xf32>,
        %add3A_282 = arith.constant 40 : i32
        %add3A_283 = arith.addi %add3A_282, %add3A_208 : i32
        %get3A_284 = arith.index_cast %add3A_283 : i32 to index
        %get3A_285 = arith.constant 64 : index
        %get3A_286 = tpu.vector_load %arg11[%get3A_284, %get3A_285] {strides = array<i32>} : memref<80x128xf32, #tpu.memory_space<vmem>>, vector<16xf32>,
        %add3A_287 = arith.addf %get3A_278, %get3A_281 : vector<16xf32>
        %sub3A_288 = arith.subf %add3A_287, %get3A_286 : vector<16xf32>
        %mul3A_289 = arith.mulf %sub3A_288, %sub3A_288 : vector<16xf32>
        %add3A_290 = arith.addf %add3A_230, %mul3A_289 : vector<16xf32>
        %get3A_291 = arith.index_cast %add3A_208 : i32 to index
        %get3A_292 = arith.constant 80 : index
        %get3A_293 = tpu.vector_load %arg11[%get3A_291, %get3A_292] {strides = array<i32>} : memref<80x128xf32, #tpu.memory_space<vmem>>, vector<16xf32>,
        %get3A_294 = arith.index_cast %add3A_208 : i32 to index
        %get3A_295 = arith.constant 80 : index
        %get3A_296 = tpu.vector_load %arg13[%get3A_294, %get3A_295] {strides = array<i32>} : memref<40x128xf32, #tpu.memory_space<vmem>>, vector<16xf32>,
        %add3A_297 = arith.constant 40 : i32
        %add3A_298 = arith.addi %add3A_297, %add3A_208 : i32
        %get3A_299 = arith.index_cast %add3A_298 : i32 to index
        %get3A_300 = arith.constant 80 : index
        %get3A_301 = tpu.vector_load %arg11[%get3A_299, %get3A_300] {strides = array<i32>} : memref<80x128xf32, #tpu.memory_space<vmem>>, vector<16xf32>,
        %add3A_302 = arith.addf %get3A_293, %get3A_296 : vector<16xf32>
        %sub3A_303 = arith.subf %add3A_302, %get3A_301 : vector<16xf32>
        %mul3A_304 = arith.mulf %sub3A_303, %sub3A_303 : vector<16xf32>
        %add3A_305 = arith.addf %add3A_245, %mul3A_304 : vector<16xf32>
        %get3A_306 = arith.index_cast %add3A_208 : i32 to index
        %get3A_307 = arith.constant 96 : index
        %get3A_308 = tpu.vector_load %arg11[%get3A_306, %get3A_307] {strides = array<i32>} : memref<80x128xf32, #tpu.memory_space<vmem>>, vector<16xf32>,
        %get3A_309 = arith.index_cast %add3A_208 : i32 to index
        %get3A_310 = arith.constant 96 : index
        %get3A_311 = tpu.vector_load %arg13[%get3A_309, %get3A_310] {strides = array<i32>} : memref<40x128xf32, #tpu.memory_space<vmem>>, vector<16xf32>,
        %add3A_312 = arith.constant 40 : i32
        %add3A_313 = arith.addi %add3A_312, %add3A_208 : i32
        %get3A_314 = arith.index_cast %add3A_313 : i32 to index
        %get3A_315 = arith.constant 96 : index
        %get3A_316 = tpu.vector_load %arg11[%get3A_314, %get3A_315] {strides = array<i32>} : memref<80x128xf32, #tpu.memory_space<vmem>>, vector<16xf32>,
        %add3A_317 = arith.addf %get3A_308, %get3A_311 : vector<16xf32>
        %sub3A_318 = arith.subf %add3A_317, %get3A_316 : vector<16xf32>
        %mul3A_319 = arith.mulf %sub3A_318, %sub3A_318 : vector<16xf32>
        %add3A_320 = arith.addf %add3A_260, %mul3A_319 : vector<16xf32>
        %get3A_321 = arith.index_cast %add3A_208 : i32 to index
        %get3A_322 = arith.constant 112 : index
        %get3A_323 = tpu.vector_load %arg11[%get3A_321, %get3A_322] {strides = array<i32>} : memref<80x128xf32, #tpu.memory_space<vmem>>, vector<16xf32>,
        %get3A_324 = arith.index_cast %add3A_208 : i32 to index
        %get3A_325 = arith.constant 112 : index
        %get3A_326 = tpu.vector_load %arg13[%get3A_324, %get3A_325] {strides = array<i32>} : memref<40x128xf32, #tpu.memory_space<vmem>>, vector<16xf32>,
        %add3A_327 = arith.constant 40 : i32
        %add3A_328 = arith.addi %add3A_327, %add3A_208 : i32
        %get3A_329 = arith.index_cast %add3A_328 : i32 to index
        %get3A_330 = arith.constant 112 : index
        %get3A_331 = tpu.vector_load %arg11[%get3A_329, %get3A_330] {strides = array<i32>} : memref<80x128xf32, #tpu.memory_space<vmem>>, vector<16xf32>,
        %add3A_332 = arith.addf %get3A_323, %get3A_326 : vector<16xf32>
        %sub3A_333 = arith.subf %add3A_332, %get3A_331 : vector<16xf32>
        %mul3A_334 = arith.mulf %sub3A_333, %sub3A_333 : vector<16xf32>
        %add3A_335 = arith.addf %add3A_275, %mul3A_334 : vector<16xf32>
        %add3A_336 = arith.addf %add3A_290, %add3A_305 : vector<16xf32>
        %add3A_337 = arith.addf %add3A_320, %add3A_335 : vector<16xf32>
        %add3A_338 = arith.addf %add3A_336, %add3A_337 : vector<16xf32>
        %reduce_sum3A = arith.constant true
        %reduce_sum3A_339 = vector.broadcast %reduce_sum3A : i1 to vector<16xi1>
        %reduce_sum3A_340 = tpu.scan <sum>, %add3A_338 masked %reduce_sum3A_339 : vector<16xf32>, vector<16xi1> -> vector<16xf32>
        %reduce_sum3A_341 = vector.extract %reduce_sum3A_340[15] : f32 from vector<16xf32>
        %broadcast_in_dim3A_342 = vector.broadcast %reduce_sum3A_341 : f32 to vector<16xf32>
        %bitcast_convert_type3A = tpu.bitcast %broadcast_in_dim3A_342 : vector<16xf32> -> vector<16xi32>
        %broadcast_in_dim3A_343 = arith.constant 1597463007 : i32
        %broadcast_in_dim3A_344 = vector.broadcast %broadcast_in_dim3A_343 : i32 to vector<16xi32>
        %shift_right_arithmetic3A = arith.constant 1 : i32
        %shift_right_arithmetic3A_345 = vector.broadcast %shift_right_arithmetic3A : i32 to vector<16xi32>
        %shift_right_arithmetic3A_346 = arith.shrsi %bitcast_convert_type3A, %shift_right_arithmetic3A_345 : vector<16xi32>
        %sub3A_347 = arith.subi %broadcast_in_dim3A_344, %shift_right_arithmetic3A_346 : vector<16xi32>
        %bitcast_convert_type3A_348 = tpu.bitcast %sub3A_347 : vector<16xi32> -> vector<16xf32>
        %mul3A_349 = arith.constant 5.000000e-01 : f32
        %mul3A_350 = vector.broadcast %mul3A_349 : f32 to vector<16xf32>
        %mul3A_351 = arith.mulf %broadcast_in_dim3A_342, %mul3A_350 : vector<16xf32>
        %mul3A_352 = arith.mulf %mul3A_351, %bitcast_convert_type3A_348 : vector<16xf32>
        %mul3A_353 = arith.mulf %mul3A_352, %bitcast_convert_type3A_348 : vector<16xf32>
        %sub3A_354 = arith.constant 1.500000e+00 : f32
        %sub3A_355 = vector.broadcast %sub3A_354 : f32 to vector<16xf32>
        %sub3A_356 = arith.subf %sub3A_355, %mul3A_353 : vector<16xf32>
        %mul3A_357 = arith.mulf %bitcast_convert_type3A_348, %sub3A_356 : vector<16xf32>
        %mul3A_358 = arith.mulf %mul3A_351, %mul3A_357 : vector<16xf32>
        %mul3A_359 = arith.mulf %mul3A_358, %mul3A_357 : vector<16xf32>
        %sub3A_360 = arith.constant 1.500000e+00 : f32
        %sub3A_361 = vector.broadcast %sub3A_360 : f32 to vector<16xf32>
        %sub3A_362 = arith.subf %sub3A_361, %mul3A_359 : vector<16xf32>
        %mul3A_363 = arith.mulf %mul3A_357, %sub3A_362 : vector<16xf32>
        %mul3A_364 = arith.mulf %broadcast_in_dim3A_342, %mul3A_363 : vector<16xf32>
        %sub3A_365 = arith.constant 1.200000e+01 : f32
        %sub3A_366 = vector.broadcast %sub3A_365 : f32 to vector<16xf32>
        %sub3A_367 = arith.subf %mul3A_364, %sub3A_366 : vector<16xf32>
        %exp3A = math.exp %sub3A_367 : vector<16xf32>
        %add3A_368 = arith.constant 1.000000e+00 : f32
        %add3A_369 = vector.broadcast %add3A_368 : f32 to vector<16xf32>
        %add3A_370 = arith.addf %add3A_369, %exp3A : vector<16xf32>
        %div3A = arith.constant 1.000000e+00 : f32
        %div3A_371 = vector.broadcast %div3A : f32 to vector<16xf32>
        %div3A_372 = arith.divf %div3A_371, %add3A_370 : vector<16xf32>
        %mul3A_373 = arith.mulf %add3A_228, %div3A_372 : vector<16xf32>
        %swap3A = arith.index_cast %add3A_208 : i32 to index
        %swap3A_374 = arith.constant 0 : index
        %swap3A_375 = tpu.vector_load %arg14[%swap3A, %swap3A_374] {strides = array<i32>} : memref<40x128xf32, #tpu.memory_space<vmem>>, vector<16xf32>,
        tpu.vector_store %arg14[%swap3A, %swap3A_374], %mul3A_373 {strides = array<i32>} : memref<40x128xf32, #tpu.memory_space<vmem>>, vector<16xf32>,
        %mul3A_376 = arith.mulf %add3A_242, %div3A_372 : vector<16xf32>
        %swap3A_377 = arith.index_cast %add3A_208 : i32 to index
        %swap3A_378 = arith.constant 16 : index
        %swap3A_379 = tpu.vector_load %arg14[%swap3A_377, %swap3A_378] {strides = array<i32>} : memref<40x128xf32, #tpu.memory_space<vmem>>, vector<16xf32>,
        tpu.vector_store %arg14[%swap3A_377, %swap3A_378], %mul3A_376 {strides = array<i32>} : memref<40x128xf32, #tpu.memory_space<vmem>>, vector<16xf32>,
        %mul3A_380 = arith.mulf %add3A_257, %div3A_372 : vector<16xf32>
        %swap3A_381 = arith.index_cast %add3A_208 : i32 to index
        %swap3A_382 = arith.constant 32 : index
        %swap3A_383 = tpu.vector_load %arg14[%swap3A_381, %swap3A_382] {strides = array<i32>} : memref<40x128xf32, #tpu.memory_space<vmem>>, vector<16xf32>,
        tpu.vector_store %arg14[%swap3A_381, %swap3A_382], %mul3A_380 {strides = array<i32>} : memref<40x128xf32, #tpu.memory_space<vmem>>, vector<16xf32>,
        %mul3A_384 = arith.mulf %add3A_272, %div3A_372 : vector<16xf32>
        %swap3A_385 = arith.index_cast %add3A_208 : i32 to index
        %swap3A_386 = arith.constant 48 : index
        %swap3A_387 = tpu.vector_load %arg14[%swap3A_385, %swap3A_386] {strides = array<i32>} : memref<40x128xf32, #tpu.memory_space<vmem>>, vector<16xf32>,
        tpu.vector_store %arg14[%swap3A_385, %swap3A_386], %mul3A_384 {strides = array<i32>} : memref<40x128xf32, #tpu.memory_space<vmem>>, vector<16xf32>,
        %mul3A_388 = arith.mulf %add3A_287, %div3A_372 : vector<16xf32>
        %swap3A_389 = arith.index_cast %add3A_208 : i32 to index
        %swap3A_390 = arith.constant 64 : index
        %swap3A_391 = tpu.vector_load %arg14[%swap3A_389, %swap3A_390] {strides = array<i32>} : memref<40x128xf32, #tpu.memory_space<vmem>>, vector<16xf32>,
        tpu.vector_store %arg14[%swap3A_389, %swap3A_390], %mul3A_388 {strides = array<i32>} : memref<40x128xf32, #tpu.memory_space<vmem>>, vector<16xf32>,
        %mul3A_392 = arith.mulf %add3A_302, %div3A_372 : vector<16xf32>
        %swap3A_393 = arith.index_cast %add3A_208 : i32 to index
        %swap3A_394 = arith.constant 80 : index
        %swap3A_395 = tpu.vector_load %arg14[%swap3A_393, %swap3A_394] {strides = array<i32>} : memref<40x128xf32, #tpu.memory_space<vmem>>, vector<16xf32>,
        tpu.vector_store %arg14[%swap3A_393, %swap3A_394], %mul3A_392 {strides = array<i32>} : memref<40x128xf32, #tpu.memory_space<vmem>>, vector<16xf32>,
        %mul3A_396 = arith.mulf %add3A_317, %div3A_372 : vector<16xf32>
        %swap3A_397 = arith.index_cast %add3A_208 : i32 to index
        %swap3A_398 = arith.constant 96 : index
        %swap3A_399 = tpu.vector_load %arg14[%swap3A_397, %swap3A_398] {strides = array<i32>} : memref<40x128xf32, #tpu.memory_space<vmem>>, vector<16xf32>,
        tpu.vector_store %arg14[%swap3A_397, %swap3A_398], %mul3A_396 {strides = array<i32>} : memref<40x128xf32, #tpu.memory_space<vmem>>, vector<16xf32>,
        %mul3A_400 = arith.mulf %add3A_332, %div3A_372 : vector<16xf32>
        %swap3A_401 = arith.index_cast %add3A_208 : i32 to index
        %swap3A_402 = arith.constant 112 : index
        %swap3A_403 = tpu.vector_load %arg14[%swap3A_401, %swap3A_402] {strides = array<i32>} : memref<40x128xf32, #tpu.memory_space<vmem>>, vector<16xf32>,
        tpu.vector_store %arg14[%swap3A_401, %swap3A_402], %mul3A_400 {strides = array<i32>} : memref<40x128xf32, #tpu.memory_space<vmem>>, vector<16xf32>,
        %broadcast_in_dim3A_404 = arith.constant 0.000000e+00 : f32
        %broadcast_in_dim3A_405 = vector.broadcast %broadcast_in_dim3A_404 : f32 to vector<16xf32>
        %broadcast_in_dim3A_406 = arith.constant 0.000000e+00 : f32
        %broadcast_in_dim3A_407 = vector.broadcast %broadcast_in_dim3A_406 : f32 to vector<16xf32>
        %broadcast_in_dim3A_408 = arith.constant 0.000000e+00 : f32
        %broadcast_in_dim3A_409 = vector.broadcast %broadcast_in_dim3A_408 : f32 to vector<16xf32>
        %broadcast_in_dim3A_410 = arith.constant 0.000000e+00 : f32
        %broadcast_in_dim3A_411 = vector.broadcast %broadcast_in_dim3A_410 : f32 to vector<16xf32>
        %get3A_412 = arith.index_cast %add3A_210 : i32 to index
        %get3A_413 = arith.constant 0 : index
        %get3A_414 = tpu.vector_load %arg11[%get3A_412, %get3A_413] {strides = array<i32>} : memref<80x128xf32, #tpu.memory_space<vmem>>, vector<16xf32>,
        %get3A_415 = arith.index_cast %add3A_210 : i32 to index
        %get3A_416 = arith.constant 0 : index
        %get3A_417 = tpu.vector_load %arg13[%get3A_415, %get3A_416] {strides = array<i32>} : memref<40x128xf32, #tpu.memory_space<vmem>>, vector<16xf32>,
        %add3A_418 = arith.constant 40 : i32
        %add3A_419 = arith.addi %add3A_418, %add3A_210 : i32
        %get3A_420 = arith.index_cast %add3A_419 : i32 to index
        %get3A_421 = arith.constant 0 : index
        %get3A_422 = tpu.vector_load %arg11[%get3A_420, %get3A_421] {strides = array<i32>} : memref<80x128xf32, #tpu.memory_space<vmem>>, vector<16xf32>,
        %add3A_423 = arith.addf %get3A_414, %get3A_417 : vector<16xf32>
        %sub3A_424 = arith.subf %add3A_423, %get3A_422 : vector<16xf32>
        %mul3A_425 = arith.mulf %sub3A_424, %sub3A_424 : vector<16xf32>
        %add3A_426 = arith.addf %broadcast_in_dim3A_405, %mul3A_425 : vector<16xf32>
        %get3A_427 = arith.index_cast %add3A_210 : i32 to index
        %get3A_428 = arith.constant 16 : index
        %get3A_429 = tpu.vector_load %arg11[%get3A_427, %get3A_428] {strides = array<i32>} : memref<80x128xf32, #tpu.memory_space<vmem>>, vector<16xf32>,
        %get3A_430 = arith.index_cast %add3A_210 : i32 to index
        %get3A_431 = arith.constant 16 : index
        %get3A_432 = tpu.vector_load %arg13[%get3A_430, %get3A_431] {strides = array<i32>} : memref<40x128xf32, #tpu.memory_space<vmem>>, vector<16xf32>,
        %add3A_433 = arith.constant 40 : i32
        %add3A_434 = arith.addi %add3A_433, %add3A_210 : i32
        %get3A_435 = arith.index_cast %add3A_434 : i32 to index
        %get3A_436 = arith.constant 16 : index
        %get3A_437 = tpu.vector_load %arg11[%get3A_435, %get3A_436] {strides = array<i32>} : memref<80x128xf32, #tpu.memory_space<vmem>>, vector<16xf32>,
        %add3A_438 = arith.addf %get3A_429, %get3A_432 : vector<16xf32>
        %sub3A_439 = arith.subf %add3A_438, %get3A_437 : vector<16xf32>
        %mul3A_440 = arith.mulf %sub3A_439, %sub3A_439 : vector<16xf32>
        %add3A_441 = arith.addf %broadcast_in_dim3A_407, %mul3A_440 : vector<16xf32>
        %get3A_442 = arith.index_cast %add3A_210 : i32 to index
        %get3A_443 = arith.constant 32 : index
        %get3A_444 = tpu.vector_load %arg11[%get3A_442, %get3A_443] {strides = array<i32>} : memref<80x128xf32, #tpu.memory_space<vmem>>, vector<16xf32>,
        %get3A_445 = arith.index_cast %add3A_210 : i32 to index
        %get3A_446 = arith.constant 32 : index
        %get3A_447 = tpu.vector_load %arg13[%get3A_445, %get3A_446] {strides = array<i32>} : memref<40x128xf32, #tpu.memory_space<vmem>>, vector<16xf32>,
        %add3A_448 = arith.constant 40 : i32
        %add3A_449 = arith.addi %add3A_448, %add3A_210 : i32
        %get3A_450 = arith.index_cast %add3A_449 : i32 to index
        %get3A_451 = arith.constant 32 : index
        %get3A_452 = tpu.vector_load %arg11[%get3A_450, %get3A_451] {strides = array<i32>} : memref<80x128xf32, #tpu.memory_space<vmem>>, vector<16xf32>,
        %add3A_453 = arith.addf %get3A_444, %get3A_447 : vector<16xf32>
        %sub3A_454 = arith.subf %add3A_453, %get3A_452 : vector<16xf32>
        %mul3A_455 = arith.mulf %sub3A_454, %sub3A_454 : vector<16xf32>
        %add3A_456 = arith.addf %broadcast_in_dim3A_409, %mul3A_455 : vector<16xf32>
        %get3A_457 = arith.index_cast %add3A_210 : i32 to index
        %get3A_458 = arith.constant 48 : index
        %get3A_459 = tpu.vector_load %arg11[%get3A_457, %get3A_458] {strides = array<i32>} : memref<80x128xf32, #tpu.memory_space<vmem>>, vector<16xf32>,
        %get3A_460 = arith.index_cast %add3A_210 : i32 to index
        %get3A_461 = arith.constant 48 : index
        %get3A_462 = tpu.vector_load %arg13[%get3A_460, %get3A_461] {strides = array<i32>} : memref<40x128xf32, #tpu.memory_space<vmem>>, vector<16xf32>,
        %add3A_463 = arith.constant 40 : i32
        %add3A_464 = arith.addi %add3A_463, %add3A_210 : i32
        %get3A_465 = arith.index_cast %add3A_464 : i32 to index
        %get3A_466 = arith.constant 48 : index
        %get3A_467 = tpu.vector_load %arg11[%get3A_465, %get3A_466] {strides = array<i32>} : memref<80x128xf32, #tpu.memory_space<vmem>>, vector<16xf32>,
        %add3A_468 = arith.addf %get3A_459, %get3A_462 : vector<16xf32>
        %sub3A_469 = arith.subf %add3A_468, %get3A_467 : vector<16xf32>
        %mul3A_470 = arith.mulf %sub3A_469, %sub3A_469 : vector<16xf32>
        %add3A_471 = arith.addf %broadcast_in_dim3A_411, %mul3A_470 : vector<16xf32>
        %get3A_472 = arith.index_cast %add3A_210 : i32 to index
        %get3A_473 = arith.constant 64 : index
        %get3A_474 = tpu.vector_load %arg11[%get3A_472, %get3A_473] {strides = array<i32>} : memref<80x128xf32, #tpu.memory_space<vmem>>, vector<16xf32>,
        %get3A_475 = arith.index_cast %add3A_210 : i32 to index
        %get3A_476 = arith.constant 64 : index
        %get3A_477 = tpu.vector_load %arg13[%get3A_475, %get3A_476] {strides = array<i32>} : memref<40x128xf32, #tpu.memory_space<vmem>>, vector<16xf32>,
        %add3A_478 = arith.constant 40 : i32
        %add3A_479 = arith.addi %add3A_478, %add3A_210 : i32
        %get3A_480 = arith.index_cast %add3A_479 : i32 to index
        %get3A_481 = arith.constant 64 : index
        %get3A_482 = tpu.vector_load %arg11[%get3A_480, %get3A_481] {strides = array<i32>} : memref<80x128xf32, #tpu.memory_space<vmem>>, vector<16xf32>,
        %add3A_483 = arith.addf %get3A_474, %get3A_477 : vector<16xf32>
        %sub3A_484 = arith.subf %add3A_483, %get3A_482 : vector<16xf32>
        %mul3A_485 = arith.mulf %sub3A_484, %sub3A_484 : vector<16xf32>
        %add3A_486 = arith.addf %add3A_426, %mul3A_485 : vector<16xf32>
        %get3A_487 = arith.index_cast %add3A_210 : i32 to index
        %get3A_488 = arith.constant 80 : index
        %get3A_489 = tpu.vector_load %arg11[%get3A_487, %get3A_488] {strides = array<i32>} : memref<80x128xf32, #tpu.memory_space<vmem>>, vector<16xf32>,
        %get3A_490 = arith.index_cast %add3A_210 : i32 to index
        %get3A_491 = arith.constant 80 : index
        %get3A_492 = tpu.vector_load %arg13[%get3A_490, %get3A_491] {strides = array<i32>} : memref<40x128xf32, #tpu.memory_space<vmem>>, vector<16xf32>,
        %add3A_493 = arith.constant 40 : i32
        %add3A_494 = arith.addi %add3A_493, %add3A_210 : i32
        %get3A_495 = arith.index_cast %add3A_494 : i32 to index
        %get3A_496 = arith.constant 80 : index
        %get3A_497 = tpu.vector_load %arg11[%get3A_495, %get3A_496] {strides = array<i32>} : memref<80x128xf32, #tpu.memory_space<vmem>>, vector<16xf32>,
        %add3A_498 = arith.addf %get3A_489, %get3A_492 : vector<16xf32>
        %sub3A_499 = arith.subf %add3A_498, %get3A_497 : vector<16xf32>
        %mul3A_500 = arith.mulf %sub3A_499, %sub3A_499 : vector<16xf32>
        %add3A_501 = arith.addf %add3A_441, %mul3A_500 : vector<16xf32>
        %get3A_502 = arith.index_cast %add3A_210 : i32 to index
        %get3A_503 = arith.constant 96 : index
        %get3A_504 = tpu.vector_load %arg11[%get3A_502, %get3A_503] {strides = array<i32>} : memref<80x128xf32, #tpu.memory_space<vmem>>, vector<16xf32>,
        %get3A_505 = arith.index_cast %add3A_210 : i32 to index
        %get3A_506 = arith.constant 96 : index
        %get3A_507 = tpu.vector_load %arg13[%get3A_505, %get3A_506] {strides = array<i32>} : memref<40x128xf32, #tpu.memory_space<vmem>>, vector<16xf32>,
        %add3A_508 = arith.constant 40 : i32
        %add3A_509 = arith.addi %add3A_508, %add3A_210 : i32
        %get3A_510 = arith.index_cast %add3A_509 : i32 to index
        %get3A_511 = arith.constant 96 : index
        %get3A_512 = tpu.vector_load %arg11[%get3A_510, %get3A_511] {strides = array<i32>} : memref<80x128xf32, #tpu.memory_space<vmem>>, vector<16xf32>,
        %add3A_513 = arith.addf %get3A_504, %get3A_507 : vector<16xf32>
        %sub3A_514 = arith.subf %add3A_513, %get3A_512 : vector<16xf32>
        %mul3A_515 = arith.mulf %sub3A_514, %sub3A_514 : vector<16xf32>
        %add3A_516 = arith.addf %add3A_456, %mul3A_515 : vector<16xf32>
        %get3A_517 = arith.index_cast %add3A_210 : i32 to index
        %get3A_518 = arith.constant 112 : index
        %get3A_519 = tpu.vector_load %arg11[%get3A_517, %get3A_518] {strides = array<i32>} : memref<80x128xf32, #tpu.memory_space<vmem>>, vector<16xf32>,
        %get3A_520 = arith.index_cast %add3A_210 : i32 to index
        %get3A_521 = arith.constant 112 : index
        %get3A_522 = tpu.vector_load %arg13[%get3A_520, %get3A_521] {strides = array<i32>} : memref<40x128xf32, #tpu.memory_space<vmem>>, vector<16xf32>,
        %add3A_523 = arith.constant 40 : i32
        %add3A_524 = arith.addi %add3A_523, %add3A_210 : i32
        %get3A_525 = arith.index_cast %add3A_524 : i32 to index
        %get3A_526 = arith.constant 112 : index
        %get3A_527 = tpu.vector_load %arg11[%get3A_525, %get3A_526] {strides = array<i32>} : memref<80x128xf32, #tpu.memory_space<vmem>>, vector<16xf32>,
        %add3A_528 = arith.addf %get3A_519, %get3A_522 : vector<16xf32>
        %sub3A_529 = arith.subf %add3A_528, %get3A_527 : vector<16xf32>
        %mul3A_530 = arith.mulf %sub3A_529, %sub3A_529 : vector<16xf32>
        %add3A_531 = arith.addf %add3A_471, %mul3A_530 : vector<16xf32>
        %add3A_532 = arith.addf %add3A_486, %add3A_501 : vector<16xf32>
        %add3A_533 = arith.addf %add3A_516, %add3A_531 : vector<16xf32>
        %add3A_534 = arith.addf %add3A_532, %add3A_533 : vector<16xf32>
        %reduce_sum3A_535 = arith.constant true
        %reduce_sum3A_536 = vector.broadcast %reduce_sum3A_535 : i1 to vector<16xi1>
        %reduce_sum3A_537 = tpu.scan <sum>, %add3A_534 masked %reduce_sum3A_536 : vector<16xf32>, vector<16xi1> -> vector<16xf32>
        %reduce_sum3A_538 = vector.extract %reduce_sum3A_537[15] : f32 from vector<16xf32>
        %broadcast_in_dim3A_539 = vector.broadcast %reduce_sum3A_538 : f32 to vector<16xf32>
        %bitcast_convert_type3A_540 = tpu.bitcast %broadcast_in_dim3A_539 : vector<16xf32> -> vector<16xi32>
        %broadcast_in_dim3A_541 = arith.constant 1597463007 : i32
        %broadcast_in_dim3A_542 = vector.broadcast %broadcast_in_dim3A_541 : i32 to vector<16xi32>
        %shift_right_arithmetic3A_543 = arith.constant 1 : i32
        %shift_right_arithmetic3A_544 = vector.broadcast %shift_right_arithmetic3A_543 : i32 to vector<16xi32>
        %shift_right_arithmetic3A_545 = arith.shrsi %bitcast_convert_type3A_540, %shift_right_arithmetic3A_544 : vector<16xi32>
        %sub3A_546 = arith.subi %broadcast_in_dim3A_542, %shift_right_arithmetic3A_545 : vector<16xi32>
        %bitcast_convert_type3A_547 = tpu.bitcast %sub3A_546 : vector<16xi32> -> vector<16xf32>
        %mul3A_548 = arith.constant 5.000000e-01 : f32
        %mul3A_549 = vector.broadcast %mul3A_548 : f32 to vector<16xf32>
        %mul3A_550 = arith.mulf %broadcast_in_dim3A_539, %mul3A_549 : vector<16xf32>
        %mul3A_551 = arith.mulf %mul3A_550, %bitcast_convert_type3A_547 : vector<16xf32>
        %mul3A_552 = arith.mulf %mul3A_551, %bitcast_convert_type3A_547 : vector<16xf32>
        %sub3A_553 = arith.constant 1.500000e+00 : f32
        %sub3A_554 = vector.broadcast %sub3A_553 : f32 to vector<16xf32>
        %sub3A_555 = arith.subf %sub3A_554, %mul3A_552 : vector<16xf32>
        %mul3A_556 = arith.mulf %bitcast_convert_type3A_547, %sub3A_555 : vector<16xf32>
        %mul3A_557 = arith.mulf %mul3A_550, %mul3A_556 : vector<16xf32>
        %mul3A_558 = arith.mulf %mul3A_557, %mul3A_556 : vector<16xf32>
        %sub3A_559 = arith.constant 1.500000e+00 : f32
        %sub3A_560 = vector.broadcast %sub3A_559 : f32 to vector<16xf32>
        %sub3A_561 = arith.subf %sub3A_560, %mul3A_558 : vector<16xf32>
        %mul3A_562 = arith.mulf %mul3A_556, %sub3A_561 : vector<16xf32>
        %mul3A_563 = arith.mulf %broadcast_in_dim3A_539, %mul3A_562 : vector<16xf32>
        %sub3A_564 = arith.constant 1.200000e+01 : f32
        %sub3A_565 = vector.broadcast %sub3A_564 : f32 to vector<16xf32>
        %sub3A_566 = arith.subf %mul3A_563, %sub3A_565 : vector<16xf32>
        %exp3A_567 = math.exp %sub3A_566 : vector<16xf32>
        %add3A_568 = arith.constant 1.000000e+00 : f32
        %add3A_569 = vector.broadcast %add3A_568 : f32 to vector<16xf32>
        %add3A_570 = arith.addf %add3A_569, %exp3A_567 : vector<16xf32>
        %div3A_571 = arith.constant 1.000000e+00 : f32
        %div3A_572 = vector.broadcast %div3A_571 : f32 to vector<16xf32>
        %div3A_573 = arith.divf %div3A_572, %add3A_570 : vector<16xf32>
        %mul3A_574 = arith.mulf %add3A_423, %div3A_573 : vector<16xf32>
        %swap3A_575 = arith.index_cast %add3A_210 : i32 to index
        %swap3A_576 = arith.constant 0 : index
        %swap3A_577 = tpu.vector_load %arg14[%swap3A_575, %swap3A_576] {strides = array<i32>} : memref<40x128xf32, #tpu.memory_space<vmem>>, vector<16xf32>,
        tpu.vector_store %arg14[%swap3A_575, %swap3A_576], %mul3A_574 {strides = array<i32>} : memref<40x128xf32, #tpu.memory_space<vmem>>, vector<16xf32>,
        %mul3A_578 = arith.mulf %add3A_438, %div3A_573 : vector<16xf32>
        %swap3A_579 = arith.index_cast %add3A_210 : i32 to index
        %swap3A_580 = arith.constant 16 : index
        %swap3A_581 = tpu.vector_load %arg14[%swap3A_579, %swap3A_580] {strides = array<i32>} : memref<40x128xf32, #tpu.memory_space<vmem>>, vector<16xf32>,
        tpu.vector_store %arg14[%swap3A_579, %swap3A_580], %mul3A_578 {strides = array<i32>} : memref<40x128xf32, #tpu.memory_space<vmem>>, vector<16xf32>,
        %mul3A_582 = arith.mulf %add3A_453, %div3A_573 : vector<16xf32>
        %swap3A_583 = arith.index_cast %add3A_210 : i32 to index
        %swap3A_584 = arith.constant 32 : index
        %swap3A_585 = tpu.vector_load %arg14[%swap3A_583, %swap3A_584] {strides = array<i32>} : memref<40x128xf32, #tpu.memory_space<vmem>>, vector<16xf32>,
        tpu.vector_store %arg14[%swap3A_583, %swap3A_584], %mul3A_582 {strides = array<i32>} : memref<40x128xf32, #tpu.memory_space<vmem>>, vector<16xf32>,
        %mul3A_586 = arith.mulf %add3A_468, %div3A_573 : vector<16xf32>
        %swap3A_587 = arith.index_cast %add3A_210 : i32 to index
        %swap3A_588 = arith.constant 48 : index
        %swap3A_589 = tpu.vector_load %arg14[%swap3A_587, %swap3A_588] {strides = array<i32>} : memref<40x128xf32, #tpu.memory_space<vmem>>, vector<16xf32>,
        tpu.vector_store %arg14[%swap3A_587, %swap3A_588], %mul3A_586 {strides = array<i32>} : memref<40x128xf32, #tpu.memory_space<vmem>>, vector<16xf32>,
        %mul3A_590 = arith.mulf %add3A_483, %div3A_573 : vector<16xf32>
        %swap3A_591 = arith.index_cast %add3A_210 : i32 to index
        %swap3A_592 = arith.constant 64 : index
        %swap3A_593 = tpu.vector_load %arg14[%swap3A_591, %swap3A_592] {strides = array<i32>} : memref<40x128xf32, #tpu.memory_space<vmem>>, vector<16xf32>,
        tpu.vector_store %arg14[%swap3A_591, %swap3A_592], %mul3A_590 {strides = array<i32>} : memref<40x128xf32, #tpu.memory_space<vmem>>, vector<16xf32>,
        %mul3A_594 = arith.mulf %add3A_498, %div3A_573 : vector<16xf32>
        %swap3A_595 = arith.index_cast %add3A_210 : i32 to index
        %swap3A_596 = arith.constant 80 : index
        %swap3A_597 = tpu.vector_load %arg14[%swap3A_595, %swap3A_596] {strides = array<i32>} : memref<40x128xf32, #tpu.memory_space<vmem>>, vector<16xf32>,
        tpu.vector_store %arg14[%swap3A_595, %swap3A_596], %mul3A_594 {strides = array<i32>} : memref<40x128xf32, #tpu.memory_space<vmem>>, vector<16xf32>,
        %mul3A_598 = arith.mulf %add3A_513, %div3A_573 : vector<16xf32>
        %swap3A_599 = arith.index_cast %add3A_210 : i32 to index
        %swap3A_600 = arith.constant 96 : index
        %swap3A_601 = tpu.vector_load %arg14[%swap3A_599, %swap3A_600] {strides = array<i32>} : memref<40x128xf32, #tpu.memory_space<vmem>>, vector<16xf32>,
        tpu.vector_store %arg14[%swap3A_599, %swap3A_600], %mul3A_598 {strides = array<i32>} : memref<40x128xf32, #tpu.memory_space<vmem>>, vector<16xf32>,
        %mul3A_602 = arith.mulf %add3A_528, %div3A_573 : vector<16xf32>
        %swap3A_603 = arith.index_cast %add3A_210 : i32 to index
        %swap3A_604 = arith.constant 112 : index
        %swap3A_605 = tpu.vector_load %arg14[%swap3A_603, %swap3A_604] {strides = array<i32>} : memref<40x128xf32, #tpu.memory_space<vmem>>, vector<16xf32>,
        tpu.vector_store %arg14[%swap3A_603, %swap3A_604], %mul3A_602 {strides = array<i32>} : memref<40x128xf32, #tpu.memory_space<vmem>>, vector<16xf32>,
      }
      %scan3A_180 = arith.constant 20 : i32
      %rem3A_181 = arith.constant 4 : i32
      %rem3A_182 = arith.remsi %add3A_158, %rem3A_181 : i32
      %dma_start3A_183 = arith.constant 0 : i32
      %dma_start3A_184 = arith.constant 0 : i32
      %dma_start3A_185 = tpu.memref_slice %arg9[%rem3A_182, %dma_start3A_183, %dma_start3A_184] : memref<4x1x40xi32, #tpu.memory_space<vmem>> -> memref<1x1x40xi32, #tpu.memory_space<vmem>>
      %dma_start3A_186 = tpu.memref_squeeze %dma_start3A_185 : memref<1x1x40xi32, #tpu.memory_space<vmem>> -> memref<40xi32, #tpu.memory_space<vmem>>
      %dma_start3A_187 = arith.constant 0 : i32
      %dma_start3A_188 = arith.constant 0 : i32
      %dma_start3A_189 = tpu.memref_slice %arg15[%dma_start3A_187, %dma_start3A_188] : memref<10000x128xf32, #tpu.memory_space<vmem_shared>> -> memref<10000x128xf32, #tpu.memory_space<vmem_shared>>
      tpu.enqueue_indirect_dma source(%arg14 : memref<40x128xf32, #tpu.memory_space<vmem>>) target(%dma_start3A_189 : memref<10000x128xf32, #tpu.memory_space<vmem_shared>>) offsets(%dma_start3A_186 : memref<40xi32, #tpu.memory_space<vmem>>) semaphore(%arg19 : memref<!tpu.dma_semaphore, #tpu.memory_space<semaphore_mem>>) {add = true}
      %add3A_190 = arith.constant 2 : i32
      %add3A_191 = arith.addi %add3A_158, %add3A_190 : i32
      %lt3A_192 = arith.constant 250 : i32
      %lt3A_193 = arith.cmpi slt, %add3A_191, %lt3A_192 : i32
      %convert_element_type3A_194 = arith.extui %lt3A_193 : i1 to i32
      %cond3A_195 = arith.constant 0 : i32
      %cond3A_196 = arith.cmpi ne, %convert_element_type3A_194, %cond3A_195 : i32
      scf.if %cond3A_196 {
        %dma_wait3A_204 = arith.constant 0 : i32
        %dma_wait3A_205 = arith.constant 0 : i32
        %dma_wait3A_206 = arith.constant 0 : i32
        %dma_wait3A_207 = arith.constant 0 : i32
        %dma_wait3A_208 = tpu.memref_slice %arg8[%dma_wait3A_205, %dma_wait3A_206, %dma_wait3A_207] : memref<4x1x80xi32, #tpu.memory_space<vmem>> -> memref<1x1x80xi32, #tpu.memory_space<vmem>>
        %dma_wait3A_209 = tpu.memref_squeeze %dma_wait3A_208 : memref<1x1x80xi32, #tpu.memory_space<vmem>> -> memref<1x80xi32, #tpu.memory_space<vmem>>
        %dma_wait3A_210 = arith.constant 0 : i32
        %dma_wait3A_211 = arith.constant 0 : i32
        %dma_wait3A_212 = tpu.memref_slice %arg3[%add3A, %dma_wait3A_204, %dma_wait3A_210, %dma_wait3A_211] : memref<32x250x1x80xi32, #tpu.memory_space<hbm>> -> memref<1x1x1x80xi32, #tpu.memory_space<hbm>>
        %dma_wait3A_213 = tpu.memref_squeeze %dma_wait3A_212 : memref<1x1x1x80xi32, #tpu.memory_space<hbm>> -> memref<1x80xi32, #tpu.memory_space<hbm>>
        %dma_wait3A_214 = arith.constant 0 : i32
        %dma_wait3A_215 = arith.constant 0 : i32
        %dma_wait3A_216 = tpu.memref_slice %arg8[%dma_wait3A_205, %dma_wait3A_214, %dma_wait3A_215] : memref<4x1x80xi32, #tpu.memory_space<vmem>> -> memref<1x1x80xi32, #tpu.memory_space<vmem>>
        %dma_wait3A_217 = tpu.memref_squeeze %dma_wait3A_216 : memref<1x1x80xi32, #tpu.memory_space<vmem>> -> memref<1x80xi32, #tpu.memory_space<vmem>>
        %dma_wait3A_218 = arith.constant 0 : i32
        %dma_wait3A_219 = arith.constant 0 : i32
        %dma_wait3A_220 = tpu.memref_slice %arg3[%add3A, %dma_wait3A_204, %dma_wait3A_218, %dma_wait3A_219] : memref<32x250x1x80xi32, #tpu.memory_space<hbm>> -> memref<1x1x1x80xi32, #tpu.memory_space<hbm>>
        %dma_wait3A_221 = tpu.memref_squeeze %dma_wait3A_220 : memref<1x1x1x80xi32, #tpu.memory_space<hbm>> -> memref<1x80xi32, #tpu.memory_space<hbm>>
        tpu.wait_dma2 semaphore(%arg18 : memref<!tpu.dma_semaphore, #tpu.memory_space<semaphore_mem>>) src(%dma_wait3A_221 : memref<1x80xi32, #tpu.memory_space<hbm>>) dst(%dma_wait3A_217 : memref<1x80xi32, #tpu.memory_space<vmem>>)
        %dma_wait3A_222 = arith.constant 0 : i32
        %dma_wait3A_223 = arith.constant 0 : i32
        %dma_wait3A_224 = arith.constant 0 : i32
        %dma_wait3A_225 = arith.constant 0 : i32
        %dma_wait3A_226 = tpu.memref_slice %arg9[%dma_wait3A_223, %dma_wait3A_224, %dma_wait3A_225] : memref<4x1x40xi32, #tpu.memory_space<vmem>> -> memref<1x1x40xi32, #tpu.memory_space<vmem>>
        %dma_wait3A_227 = tpu.memref_squeeze %dma_wait3A_226 : memref<1x1x40xi32, #tpu.memory_space<vmem>> -> memref<1x40xi32, #tpu.memory_space<vmem>>
        %dma_wait3A_228 = arith.constant 0 : i32
        %dma_wait3A_229 = arith.constant 0 : i32
        %dma_wait3A_230 = tpu.memref_slice %arg4[%add3A, %dma_wait3A_222, %dma_wait3A_228, %dma_wait3A_229] : memref<32x250x1x40xi32, #tpu.memory_space<hbm>> -> memref<1x1x1x40xi32, #tpu.memory_space<hbm>>
        %dma_wait3A_231 = tpu.memref_squeeze %dma_wait3A_230 : memref<1x1x1x40xi32, #tpu.memory_space<hbm>> -> memref<1x40xi32, #tpu.memory_space<hbm>>
        %dma_wait3A_232 = arith.constant 0 : i32
        %dma_wait3A_233 = arith.constant 0 : i32
        %dma_wait3A_234 = tpu.memref_slice %arg9[%dma_wait3A_223, %dma_wait3A_232, %dma_wait3A_233] : memref<4x1x40xi32, #tpu.memory_space<vmem>> -> memref<1x1x40xi32, #tpu.memory_space<vmem>>
        %dma_wait3A_235 = tpu.memref_squeeze %dma_wait3A_234 : memref<1x1x40xi32, #tpu.memory_space<vmem>> -> memref<1x40xi32, #tpu.memory_space<vmem>>
        %dma_wait3A_236 = arith.constant 0 : i32
        %dma_wait3A_237 = arith.constant 0 : i32
        %dma_wait3A_238 = tpu.memref_slice %arg4[%add3A, %dma_wait3A_222, %dma_wait3A_236, %dma_wait3A_237] : memref<32x250x1x40xi32, #tpu.memory_space<hbm>> -> memref<1x1x1x40xi32, #tpu.memory_space<hbm>>
        %dma_wait3A_239 = tpu.memref_squeeze %dma_wait3A_238 : memref<1x1x1x40xi32, #tpu.memory_space<hbm>> -> memref<1x40xi32, #tpu.memory_space<hbm>>
        tpu.wait_dma2 semaphore(%arg18 : memref<!tpu.dma_semaphore, #tpu.memory_space<semaphore_mem>>) src(%dma_wait3A_239 : memref<1x40xi32, #tpu.memory_space<hbm>>) dst(%dma_wait3A_235 : memref<1x40xi32, #tpu.memory_space<vmem>>)
        %add3A_240 = arith.constant 2 : i32
        %add3A_241 = arith.addi %add3A_158, %add3A_240 : i32
        %rem3A_242 = arith.constant 4 : i32
        %rem3A_243 = arith.remsi %add3A_241, %rem3A_242 : i32
        %dma_start3A_244 = arith.constant 0 : i32
        %dma_start3A_245 = arith.constant 0 : i32
        %dma_start3A_246 = tpu.memref_slice %arg8[%rem3A_243, %dma_start3A_244, %dma_start3A_245] : memref<4x1x80xi32, #tpu.memory_space<vmem>> -> memref<1x1x80xi32, #tpu.memory_space<vmem>>
        %dma_start3A_247 = tpu.memref_squeeze %dma_start3A_246 : memref<1x1x80xi32, #tpu.memory_space<vmem>> -> memref<80xi32, #tpu.memory_space<vmem>>
        %dma_start3A_248 = arith.constant 0 : i32
        %dma_start3A_249 = arith.constant 0 : i32
        %dma_start3A_250 = tpu.memref_slice %arg2[%dma_start3A_248, %dma_start3A_249] : memref<10000x128xf32, #tpu.memory_space<hbm>> -> memref<10000x128xf32, #tpu.memory_space<hbm>>
        tpu.enqueue_indirect_dma source(%dma_start3A_250 : memref<10000x128xf32, #tpu.memory_space<hbm>>) target(%arg11 : memref<80x128xf32, #tpu.memory_space<vmem>>) offsets(%dma_start3A_247 : memref<80xi32, #tpu.memory_space<vmem>>) semaphore(%arg17 : memref<!tpu.dma_semaphore, #tpu.memory_space<semaphore_mem>>)
        %mul3A_251 = arith.constant 10000 : i32
        %mul3A_252 = arith.muli %add3A, %mul3A_251 : i32
        %mul3A_253 = arith.constant 40 : i32
        %mul3A_254 = arith.muli %add3A_241, %mul3A_253 : i32
        %add3A_255 = arith.addi %mul3A_252, %mul3A_254 : i32
        %dma_start3A_256 = arith.constant 0 : i32
        %dma_start3A_257 = tpu.memref_slice %arg5[%add3A_255, %dma_start3A_256] : memref<320000x128xf32, #tpu.memory_space<hbm>> -> memref<40x128xf32, #tpu.memory_space<hbm>>
        %dma_start3A_258 = arith.constant 0 : i32
        %dma_start3A_259 = tpu.memref_slice %arg5[%add3A_255, %dma_start3A_258] : memref<320000x128xf32, #tpu.memory_space<hbm>> -> memref<40x128xf32, #tpu.memory_space<hbm>>
        tpu.enqueue_dma source(%dma_start3A_259 : memref<40x128xf32, #tpu.memory_space<hbm>>) target(%arg13 : memref<40x128xf32, #tpu.memory_space<vmem>>) target_semaphore(%arg17 : memref<!tpu.dma_semaphore, #tpu.memory_space<semaphore_mem>>)
      } else {
      }
      %add3A_197 = arith.constant 3 : i32
      %add3A_198 = arith.addi %add3A_158, %add3A_197 : i32
      %lt3A_199 = arith.constant 250 : i32
      %lt3A_200 = arith.cmpi slt, %add3A_198, %lt3A_199 : i32
      %convert_element_type3A_201 = arith.extui %lt3A_200 : i1 to i32
      %cond3A_202 = arith.constant 0 : i32
      %cond3A_203 = arith.cmpi ne, %convert_element_type3A_201, %cond3A_202 : i32
      scf.if %cond3A_203 {
        %add3A_204 = arith.constant 3 : i32
        %add3A_205 = arith.addi %add3A_158, %add3A_204 : i32
        %rem3A_206 = arith.constant 4 : i32
        %rem3A_207 = arith.remsi %add3A_205, %rem3A_206 : i32
        %dma_start3A_208 = arith.constant 0 : i32
        %dma_start3A_209 = arith.constant 0 : i32
        %dma_start3A_210 = tpu.memref_slice %arg8[%rem3A_207, %dma_start3A_208, %dma_start3A_209] : memref<4x1x80xi32, #tpu.memory_space<vmem>> -> memref<1x1x80xi32, #tpu.memory_space<vmem>>
        %dma_start3A_211 = tpu.memref_squeeze %dma_start3A_210 : memref<1x1x80xi32, #tpu.memory_space<vmem>> -> memref<1x80xi32, #tpu.memory_space<vmem>>
        %dma_start3A_212 = arith.constant 0 : i32
        %dma_start3A_213 = arith.constant 0 : i32
        %dma_start3A_214 = tpu.memref_slice %arg3[%add3A, %add3A_205, %dma_start3A_212, %dma_start3A_213] : memref<32x250x1x80xi32, #tpu.memory_space<hbm>> -> memref<1x1x1x80xi32, #tpu.memory_space<hbm>>
        %dma_start3A_215 = tpu.memref_squeeze %dma_start3A_214 : memref<1x1x1x80xi32, #tpu.memory_space<hbm>> -> memref<1x80xi32, #tpu.memory_space<hbm>>
        %dma_start3A_216 = arith.constant 0 : i32
        %dma_start3A_217 = arith.constant 0 : i32
        %dma_start3A_218 = tpu.memref_slice %arg8[%rem3A_207, %dma_start3A_216, %dma_start3A_217] : memref<4x1x80xi32, #tpu.memory_space<vmem>> -> memref<1x1x80xi32, #tpu.memory_space<vmem>>
        %dma_start3A_219 = tpu.memref_squeeze %dma_start3A_218 : memref<1x1x80xi32, #tpu.memory_space<vmem>> -> memref<1x80xi32, #tpu.memory_space<vmem>>
        %dma_start3A_220 = arith.constant 0 : i32
        %dma_start3A_221 = arith.constant 0 : i32
        %dma_start3A_222 = tpu.memref_slice %arg3[%add3A, %add3A_205, %dma_start3A_220, %dma_start3A_221] : memref<32x250x1x80xi32, #tpu.memory_space<hbm>> -> memref<1x1x1x80xi32, #tpu.memory_space<hbm>>
        %dma_start3A_223 = tpu.memref_squeeze %dma_start3A_222 : memref<1x1x1x80xi32, #tpu.memory_space<hbm>> -> memref<1x80xi32, #tpu.memory_space<hbm>>
        tpu.enqueue_dma source(%dma_start3A_223 : memref<1x80xi32, #tpu.memory_space<hbm>>) target(%dma_start3A_219 : memref<1x80xi32, #tpu.memory_space<vmem>>) target_semaphore(%arg18 : memref<!tpu.dma_semaphore, #tpu.memory_space<semaphore_mem>>)
        %dma_start3A_224 = arith.constant 0 : i32
        %dma_start3A_225 = arith.constant 0 : i32
        %dma_start3A_226 = tpu.memref_slice %arg9[%rem3A_207, %dma_start3A_224, %dma_start3A_225] : memref<4x1x40xi32, #tpu.memory_space<vmem>> -> memref<1x1x40xi32, #tpu.memory_space<vmem>>
        %dma_start3A_227 = tpu.memref_squeeze %dma_start3A_226 : memref<1x1x40xi32, #tpu.memory_space<vmem>> -> memref<1x40xi32, #tpu.memory_space<vmem>>
        %dma_start3A_228 = arith.constant 0 : i32
        %dma_start3A_229 = arith.constant 0 : i32
        %dma_start3A_230 = tpu.memref_slice %arg4[%add3A, %add3A_205, %dma_start3A_228, %dma_start3A_229] : memref<32x250x1x40xi32, #tpu.memory_space<hbm>> -> memref<1x1x1x40xi32, #tpu.memory_space<hbm>>
        %dma_start3A_231 = tpu.memref_squeeze %dma_start3A_230 : memref<1x1x1x40xi32, #tpu.memory_space<hbm>> -> memref<1x40xi32, #tpu.memory_space<hbm>>
        %dma_start3A_232 = arith.constant 0 : i32
        %dma_start3A_233 = arith.constant 0 : i32
        %dma_start3A_234 = tpu.memref_slice %arg9[%rem3A_207, %dma_start3A_232, %dma_start3A_233] : memref<4x1x40xi32, #tpu.memory_space<vmem>> -> memref<1x1x40xi32, #tpu.memory_space<vmem>>
        %dma_start3A_235 = tpu.memref_squeeze %dma_start3A_234 : memref<1x1x40xi32, #tpu.memory_space<vmem>> -> memref<1x40xi32, #tpu.memory_space<vmem>>
        %dma_start3A_236 = arith.constant 0 : i32
        %dma_start3A_237 = arith.constant 0 : i32
        %dma_start3A_238 = tpu.memref_slice %arg4[%add3A, %add3A_205, %dma_start3A_236, %dma_start3A_237] : memref<32x250x1x40xi32, #tpu.memory_space<hbm>> -> memref<1x1x1x40xi32, #tpu.memory_space<hbm>>
        %dma_start3A_239 = tpu.memref_squeeze %dma_start3A_238 : memref<1x1x1x40xi32, #tpu.memory_space<hbm>> -> memref<1x40xi32, #tpu.memory_space<hbm>>
        tpu.enqueue_dma source(%dma_start3A_239 : memref<1x40xi32, #tpu.memory_space<hbm>>) target(%dma_start3A_235 : memref<1x40xi32, #tpu.memory_space<vmem>>) target_semaphore(%arg18 : memref<!tpu.dma_semaphore, #tpu.memory_space<semaphore_mem>>)
      } else {
      }
    }
    %scan3A_86 = arith.constant 125 : i32
    %dma_wait3A = arith.constant 0 : i32
    %dma_wait3A_87 = arith.constant 0 : i32
    %dma_wait3A_88 = tpu.memref_slice %arg15[%dma_wait3A, %dma_wait3A_87] : memref<10000x128xf32, #tpu.memory_space<vmem_shared>> -> memref<40x128xf32, #tpu.memory_space<vmem_shared>>
    %dma_wait3A_89 = arith.constant 0 : i32
    %dma_wait3A_90 = arith.constant 0 : i32
    %dma_wait3A_91 = tpu.memref_slice %arg15[%dma_wait3A_89, %dma_wait3A_90] : memref<10000x128xf32, #tpu.memory_space<vmem_shared>> -> memref<40x128xf32, #tpu.memory_space<vmem_shared>>
    tpu.wait_dma2 semaphore(%arg19 : memref<!tpu.dma_semaphore, #tpu.memory_space<semaphore_mem>>) src(%arg14 : memref<40x128xf32, #tpu.memory_space<vmem>>) dst(%dma_wait3A_91 : memref<40x128xf32, #tpu.memory_space<vmem_shared>>)
    %barrier3A_92 = arith.constant 0 : index
    tpu.barrier barrier_id(%barrier3A_92)
    %mul3A_93 = arith.constant 624 : i32
    %mul3A_94 = arith.muli %arg1, %mul3A_93 : i32
    %mul3A_95 = arith.constant 10000 : i32
    %mul3A_96 = arith.muli %arg0, %mul3A_95 : i32
    %mul3A_97 = arith.constant 624 : i32
    %mul3A_98 = arith.muli %arg1, %mul3A_97 : i32
    %add3A_99 = arith.addi %mul3A_96, %mul3A_98 : i32
    "tpu.region"() ({
      %run_scoped3A_105 = tpu.sem_alloc : memref<!tpu.dma_semaphore, #tpu.memory_space<semaphore_mem>>
      %dma_start3A_106 = arith.constant 0 : i32
      %dma_start3A_107 = tpu.memref_slice %arg7[%add3A_99, %dma_start3A_106] : memref<20000x128xf32, #tpu.memory_space<hbm>> -> memref<624x128xf32, #tpu.memory_space<hbm>>
      %dma_start3A_108 = arith.constant 0 : i32
      %dma_start3A_109 = tpu.memref_slice %arg15[%mul3A_94, %dma_start3A_108] : memref<10000x128xf32, #tpu.memory_space<vmem_shared>> -> memref<624x128xf32, #tpu.memory_space<vmem_shared>>
      tpu.enqueue_dma source(%dma_start3A_109 : memref<624x128xf32, #tpu.memory_space<vmem_shared>>) target(%dma_start3A_107 : memref<624x128xf32, #tpu.memory_space<hbm>>) target_semaphore(%run_scoped3A_105 : memref<!tpu.dma_semaphore, #tpu.memory_space<semaphore_mem>>)
      %dma_wait3A_110 = arith.constant 0 : i32
      %dma_wait3A_111 = tpu.memref_slice %arg7[%add3A_99, %dma_wait3A_110] : memref<20000x128xf32, #tpu.memory_space<hbm>> -> memref<624x128xf32, #tpu.memory_space<hbm>>
      %dma_wait3A_112 = arith.constant 0 : i32
      %dma_wait3A_113 = tpu.memref_slice %arg15[%mul3A_94, %dma_wait3A_112] : memref<10000x128xf32, #tpu.memory_space<vmem_shared>> -> memref<624x128xf32, #tpu.memory_space<vmem_shared>>
      tpu.wait_dma2 semaphore(%run_scoped3A_105 : memref<!tpu.dma_semaphore, #tpu.memory_space<semaphore_mem>>) src(%dma_wait3A_113 : memref<624x128xf32, #tpu.memory_space<vmem_shared>>) dst(%dma_wait3A_111 : memref<624x128xf32, #tpu.memory_space<hbm>>)
      tpu.yield
    }) : () -> ()
    %eq3A_100 = arith.constant 0 : i32
    %eq3A_101 = arith.cmpi eq, %arg1, %eq3A_100 : i32
    %convert_element_type3A_102 = arith.extui %eq3A_101 : i1 to i32
    %cond3A_103 = arith.constant 0 : i32
    %cond3A_104 = arith.cmpi ne, %convert_element_type3A_102, %cond3A_103 : i32
    scf.if %cond3A_104 {
      %mul3A_105 = arith.constant 10000 : i32
      %mul3A_106 = arith.muli %arg0, %mul3A_105 : i32
      %add3A_107 = arith.constant 9984 : i32
      %add3A_108 = arith.addi %mul3A_106, %add3A_107 : i32
      "tpu.region"() ({
        %run_scoped3A_109 = tpu.sem_alloc : memref<!tpu.dma_semaphore, #tpu.memory_space<semaphore_mem>>
        %dma_start3A_110 = arith.constant 0 : i32
        %dma_start3A_111 = tpu.memref_slice %arg7[%add3A_108, %dma_start3A_110] : memref<20000x128xf32, #tpu.memory_space<hbm>> -> memref<16x128xf32, #tpu.memory_space<hbm>>
        %dma_start3A_112 = arith.constant 9984 : i32
        %dma_start3A_113 = arith.constant 0 : i32
        %dma_start3A_114 = tpu.memref_slice %arg15[%dma_start3A_112, %dma_start3A_113] : memref<10000x128xf32, #tpu.memory_space<vmem_shared>> -> memref<16x128xf32, #tpu.memory_space<vmem_shared>>
        tpu.enqueue_dma source(%dma_start3A_114 : memref<16x128xf32, #tpu.memory_space<vmem_shared>>) target(%dma_start3A_111 : memref<16x128xf32, #tpu.memory_space<hbm>>) target_semaphore(%run_scoped3A_109 : memref<!tpu.dma_semaphore, #tpu.memory_space<semaphore_mem>>)
        %dma_wait3A_115 = arith.constant 0 : i32
        %dma_wait3A_116 = tpu.memref_slice %arg7[%add3A_108, %dma_wait3A_115] : memref<20000x128xf32, #tpu.memory_space<hbm>> -> memref<16x128xf32, #tpu.memory_space<hbm>>
        %dma_wait3A_117 = arith.constant 9984 : i32
        %dma_wait3A_118 = arith.constant 0 : i32
        %dma_wait3A_119 = tpu.memref_slice %arg15[%dma_wait3A_117, %dma_wait3A_118] : memref<10000x128xf32, #tpu.memory_space<vmem_shared>> -> memref<16x128xf32, #tpu.memory_space<vmem_shared>>
        tpu.wait_dma2 semaphore(%run_scoped3A_109 : memref<!tpu.dma_semaphore, #tpu.memory_space<semaphore_mem>>) src(%dma_wait3A_119 : memref<16x128xf32, #tpu.memory_space<vmem_shared>>) dst(%dma_wait3A_116 : memref<16x128xf32, #tpu.memory_space<hbm>>)
        tpu.yield
      }) : () -> ()
    } else {
    }
    return
  }
}

module attributes {stable_mosaic.version = 14 : i64} {
  func.func @add_k(%arg0: i32, %arg1: memref<2x2000x128xf32, #tpu.memory_space<vmem>>, %arg2: memref<2000x128xf32, #tpu.memory_space<vmem>>) attributes {dimension_semantics = [#tpu.dimension_semantics<arbitrary>], iteration_bounds = array<i64: 5>, scalar_prefetch = 0 : i64, scratch_operands = 0 : i64, tpu.core_type = #tpu.core_type<tc>, window_params = [{transform_indices = @transform_0, window_bounds = array<i64: 2, 2000, 128>}, {transform_indices = @transform_1, window_bounds = array<i64: 2000, 128>}]} {
    %get3A = arith.constant 0 : index
    %get3A_0 = arith.constant 0 : index
    %get3A_1 = arith.constant 0 : index
    %get3A_2 = vector.load %arg1[%get3A, %get3A_0, %get3A_1] : memref<2x2000x128xf32, #tpu.memory_space<vmem>>, vector<1x2000x128xf32>
    %get3A_3 = vector.shape_cast %get3A_2 : vector<1x2000x128xf32> to vector<2000x128xf32>
    %get3A_4 = arith.constant 1 : index
    %get3A_5 = arith.constant 0 : index
    %get3A_6 = arith.constant 0 : index
    %get3A_7 = vector.load %arg1[%get3A_4, %get3A_5, %get3A_6] : memref<2x2000x128xf32, #tpu.memory_space<vmem>>, vector<1x2000x128xf32>
    %get3A_8 = vector.shape_cast %get3A_7 : vector<1x2000x128xf32> to vector<2000x128xf32>
    %add3A = arith.addf %get3A_3, %get3A_8 : vector<2000x128xf32>
    %swap3A = arith.constant 0 : index
    %swap3A_9 = arith.constant 0 : index
    %swap3A_10 = vector.load %arg2[%swap3A, %swap3A_9] : memref<2000x128xf32, #tpu.memory_space<vmem>>, vector<2000x128xf32>
    tpu.vector_store %arg2[%swap3A, %swap3A_9], %add3A {strides = array<i32>} : memref<2000x128xf32, #tpu.memory_space<vmem>>, vector<2000x128xf32>,
    return
  }
  func.func @transform_0(%arg0: i32) -> (i32, i32, i32) {
    %c0_i32 = arith.constant 0 : i32
    %c0_i32_0 = arith.constant 0 : i32
    %c0_i32_1 = arith.constant 0 : i32
    return %c0_i32, %arg0, %c0_i32_0 : i32, i32, i32
  }
  func.func @transform_1(%arg0: i32) -> (i32, i32) {
    %c0_i32 = arith.constant 0 : i32
    %c0_i32_0 = arith.constant 0 : i32
    return %arg0, %c0_i32 : i32, i32
  }
}

</mosaic_0001>

<sc_bundles>
// kernel: kernel.4.cloned.1.call-start
scs
__scs_entry_jumppad:
0x0: {  	(pc) =	sbr.rel $0x88, $3  }
0x1: {  	(tag) =	ssettag $0x0;
	lr =	simm.s32 $0x1  }
0x2: {  	[smem:$0x3F9E] =	sst lr;
	_ =	strace $0xD0000000  }
0x3: {  	_ = 	snop  }
0x4: {  	_ = 	snop  }
0x5: {  	_ = 	snop  }
0x6: {  	_ = 	snop  }
0x7: {  	_ = 	snop  }
__scs_overlays_trampoline_lowered:
0x8: {  	[smem:$0x3FAD] =	sst s0  }
0x9: {  	[smem:$0x3FAE] =	sst s1  }
0xa: {  	[smem:$0x3FAF] =	sst s2  }
0xb: {  	[smem:$0x3FB0] =	sst s3  }
0xc: {  	[smem:$0x3FB1] =	sst s4  }
0xd: {  	[smem:$0x3FB2] =	sst s5  }
0xe: {  	[smem:$0x3FB3] =	sst s6  }
0xf: {  	[smem:$0x3FB4] =	sst s7  }
0x10: {  	[smem:$0x3FB5] =	sst s8  }
0x11: {  	[smem:$0x3FB6] =	sst s9;
	s0 =	simm.s32 @!p0 $0x0  }
0x12: {  	s1 =	sld [smem:$0x3F9C];
	s0 =	simm.s32 @p0 $0x1  }
0x13: {  	[smem:$0x3FB7] =	sst s0;
	s0 =	simm.s32 @!p1 $0x0  }
0x14: {  	s2 =	sld [smem:$0x3F9B];
	s0 =	simm.s32 @p1 $0x1  }
0x15: {  	[smem:$0x3FB8] =	sst s0;
	s0 =	simm.s32 @!p2 $0x0  }
0x16: {  	s3 =	sld [smem:$0x3FDB];
	s0 =	simm.s32 @p2 $0x1  }
0x17: {  	s4 =	simm.s32 $0x1BF5;
	[smem:$0x3FBA] =	sst s0  }
0x18: {  	s0 =	sld [smem:$0x3F9D];
	_ =	swait.ge [sflag:s4], $0x0  }
0x19: {  	s7 =	sld [smem:$0x3F9E]  }
0x1a: {  	s8 =	sadd.s32 $0xFFFFE003, lr  }
0x1b: {  	s9 =	sadd.s32 $0xFFFFFEF7, lr;
	s5 =	simm.s32 $0xFFFFFFFF;
	p2 =	slt.u32 s8, $0xFFFFF086  }
0x1c: {  	p1 =	slt.u32 s9, $0xF7A;
	s5 =	simm.s32 @!p2 $0x0  }
0x1d: {  	s5 =	simm.s32 @p1 $0x1;
	p0 =	seq.s32 s7, s2  }
0x1e: {  	s7 =	smul.u32 @!p0 $0xF7A, s2;
	p2 =	seq.s32 @!p0 s5, $0x0  }
0x1f: {  	s9 =	smul.u32 $0xF7A, s1;
	s8 =	simm.s32 @!p0 $0x1BF5;
	p2 =	por !p2, p0  }
0x20: {  	[sflag:s8] =	ssyncset.s32 @!p0 $0xFFFFF086;
	s6 =	sadd.s32 @!p0 s3, s7;
	s7 =	simm.s32 @!p0 $0x108  }
0x21: {  	s3 =	sadd.s32 s3, s9;
	s6 =	sadd.s32 @!p0 $0x88, s6;
	s7 =	simm.s32 @p2 $0x1082  }
0x22: {  	[simem:s7], [sflag:s8] =	dma.local @!p0 [hbm:s6], $0xF7A  }
0x23: {  	s9 =	sor.u32 $0xD0000000, s2;
	s6 =	simm.s32 $0x108;
	_ =	swait.ge @!p0 [sflag:s8], $0x0  }
0x24: {  	s3 =	sadd.s32 $0x88, s3;
	s6 =	simm.s32 @!p1 $0x1082;
	[sflag:s4] =	ssyncset.s32 $0xFFFFF086  }
0x25: {  	[simem:s6], [sflag:s4] =	dma.local [hbm:s3], $0xF7A  }
0x26: {  	[smem:$0x3F9E] =	sst s1;
	(tag) =	ssettag s2;
	_ =	strace s9  }
0x27: {  	s1 =	sld [smem:$0x3FAE]  }
0x28: {  	s2 =	sld [smem:$0x3FAF]  }
0x29: {  	s4 =	sld [smem:$0x3FB1]  }
0x2a: {  	p0 =	seq.s32 s5, $0x0;
	s5 =	sld [smem:$0x3FB2]  }
0x2b: {  	s6 =	sld [smem:$0x3FB3]  }
0x2c: {  	s7 =	sld [smem:$0x3FB4]  }
0x2d: {  	s3 =	simm.s32 $0x108;
	s8 =	sld [smem:$0x3FB5]  }
0x2e: {  	s3 =	simm.s32 @!p0 $0x1082;
	s9 =	sld [smem:$0x3FB6]  }
0x2f: {  	lr =	sadd.s32 s0, s3;
	s0 =	sld [smem:$0x3FAD]  }
0x30: {  	s3 =	sld [smem:$0x3FB0]  }
0x31: {  	[smem:$0x3FB9] =	sst s10  }
0x32: {  	s10 =	sld [smem:$0x3FB7];
	_ =	sdelay $0x3  }
0x33: {  	p0 =	seq.s32 s10, $0x1;
	s10 =	sld [smem:$0x3FB9];
	_ =	sdelay $0x3  }
0x34: {  	[smem:$0x3FB9] =	sst s10  }
0x35: {  	s10 =	sld [smem:$0x3FB8];
	_ =	sdelay $0x3  }
0x36: {  	p1 =	seq.s32 s10, $0x1;
	s10 =	sld [smem:$0x3FB9];
	_ =	sdelay $0x3  }
0x37: {  	[smem:$0x3FB9] =	sst s10  }
0x38: {  	s10 =	sld [smem:$0x3FBA]  }
0x39: {  	_ = 	snop;
	(pc) =	sbr.ind lr, $3  }
0x3a: {  	_ = 	snop  }
0x3b: {  	_ = 	snop  }
0x3c: {  	p2 =	seq.s32 s10, $0x1;
	s10 =	sld [smem:$0x3FB9]  }
0x3d: {  	_ =	shalt  }
0x3e: {  	_ =	shalt  }
0x3f: {  	_ =	shalt  }
0x40: {  	_ =	shalt  }
0x41: {  	_ =	shalt  }
0x42: {  	_ =	shalt  }
0x43: {  	_ =	shalt  }
0x44: {  	_ =	shalt  }
0x45: {  	_ =	shalt  }
0x46: {  	_ =	shalt  }
0x47: {  	_ =	shalt  }
0x48: {  	_ =	shalt  }
0x49: {  	_ =	shalt  }
0x4a: {  	_ =	shalt  }
0x4b: {  	_ =	shalt  }
0x4c: {  	_ =	shalt  }
0x4d: {  	_ =	shalt  }
0x4e: {  	_ =	shalt  }
0x4f: {  	_ =	shalt  }
0x50: {  	_ =	shalt  }
0x51: {  	_ =	shalt  }
0x52: {  	_ =	shalt  }
0x53: {  	_ =	shalt  }
0x54: {  	_ =	shalt  }
0x55: {  	_ =	shalt  }
0x56: {  	_ =	shalt  }
0x57: {  	_ =	shalt  }
0x58: {  	_ =	shalt  }
0x59: {  	_ =	shalt  }
0x5a: {  	_ =	shalt  }
0x5b: {  	_ =	shalt  }
0x5c: {  	_ =	shalt  }
0x5d: {  	_ =	shalt  }
0x5e: {  	_ =	shalt  }
0x5f: {  	_ =	shalt  }
0x60: {  	_ =	shalt  }
0x61: {  	_ =	shalt  }
0x62: {  	_ =	shalt  }
0x63: {  	_ =	shalt  }
0x64: {  	_ =	shalt  }
0x65: {  	_ =	shalt  }
0x66: {  	_ =	shalt  }
0x67: {  	_ =	shalt  }
0x68: {  	_ =	shalt  }
0x69: {  	_ =	shalt  }
0x6a: {  	_ =	shalt  }
0x6b: {  	_ =	shalt  }
0x6c: {  	_ =	shalt  }
0x6d: {  	_ =	shalt  }
0x6e: {  	_ =	shalt  }
0x6f: {  	_ =	shalt  }
0x70: {  	_ =	shalt  }
0x71: {  	_ =	shalt  }
0x72: {  	_ =	shalt  }
0x73: {  	_ =	shalt  }
0x74: {  	_ =	shalt  }
0x75: {  	_ =	shalt  }
0x76: {  	_ =	shalt  }
0x77: {  	_ =	shalt  }
0x78: {  	_ =	shalt  }
0x79: {  	_ =	shalt  }
0x7a: {  	_ =	shalt  }
0x7b: {  	_ =	shalt  }
0x7c: {  	_ =	shalt  }
0x7d: {  	_ =	shalt  }
0x7e: {  	_ =	shalt  }
0x7f: {  	_ =	shalt  }
0x80: {  	_ =	shalt  }
0x81: {  	_ =	shalt  }
0x82: {  	_ =	shalt  }
0x83: {  	_ =	shalt  }
0x84: {  	_ =	shalt  }
0x85: {  	_ =	shalt  }
0x86: {  	_ =	shalt  }
0x87: {  	_ =	shalt  }
.Lfunc_end0:
.L_simem_size_0:
called_computation_lowered:
.L_overlay_start_0:
0x88: {  	s2 =	sld [smem:$0x3FD9]  }
0x89: {  	s3 =	sld [smem:$0x3FFE];
	_ =	sdelay $0x1  }
0x8a: {  	s1 =	srdreg.scid  }
0x8b: {  	s0 =	sand.u32 $0x1, s1  }
0x8c: {  	s17 =	sshll.u32 s0, $0xA;
	s2 =	sadd.s32 s3, s2  }
0x8d: {  	s2 =	sadd.s32 s2, s17  }
0x8e: {  	[smem:$0x3FC5] =	sst s2  }
0x8f: {  	_ = 	snop  }
0x90: {  	s2 =	sld [smem:$0x3FC9]  }
0x91: {  	s18 =	sld [smem:$0x3FC7]  }
0x92: {  	s4 =	sld [smem:$0x3FD0];
	(tm) =	ssettm $0x1  }
0x93: {  	s5 =	sld [smem:$0x3FFB];
	_ =	sdelay $0x3  }
0x94: {  	_ =	strace s5  }
0x95: {  	s5 =	sld [smem:$0x3FFC];
	_ =	sdelay $0x3  }
0x96: {  	_ =	strace s5  }
0x97: {  	s5 =	sld [smem:$0x3FFD];
	_ =	sdelay $0x3  }
0x98: {  	_ =	strace s5  }
0x99: {  	_ =	strace $0x8FFFFFFF  }
0x9a: {  	s19 =	sld [smem:$0x3FDB];
	_ =	sdelay $0x1  }
0x9b: {  	s6 =	simm.s32 $_scs_section_size  }
0x9c: {  	s7 =	simm.s32 $_size__tile_overlayer_lowered;
	s8 =	simm.s32 $_tile_overlayer_lowered  }
0x9d: {  	s22 =	simm.s32 $0x1BFF;
	s21 =	sshll.u32 s8, $0x1;
	s5 =	sadd.s32 s6, s19  }
0x9e: {  	s9 =	simm.s32 $0x0;
	s20 =	sshll.u32 s7, $0x1;
	s7 =	sadd.s32 s21, s5  }
0x9f: {  	[timem:s9], [sflag:s22] =	dma.local [hbm:s7], s20  }
0xa0: {  	_ =	swait.ge [sflag:s22], s20  }
0xa1: {  	s6 =	ssub.s32 $0x0, s20;
	[sflag:s22] =	ssyncset.done $0x0  }
0xa2: {  	[sflag:s22] =	ssyncadd.s32 s6;
	_ =	sdelay $0x1  }
0xa3: {  	s23 =	simm.s32 $0x1B8B  }
0xa4: {  	_ =	swait.ge [sflag:s23], $0x1  }
0xa5: {  	[sflag:s23] =	ssyncset.done $0x0  }
0xa6: {  	s25 =	simm.s32 $0x1B8E;
	s24 =	sld [smem:$0x3FFE];
	[sflag:s23] =	ssyncadd.s32 $0xFFFFFFFF  }
0xa7: {  	s26 =	simm.s32 $execute0_lowered;
	[smem:$0x3FD2] =	sst s25  }
0xa8: {  	s7 =	sshll.u32 s26, $0x1;
	_ =	strace $0x80000046;
	[dreg:$0x1] =	wrdreg $0xFFFFFFFF  }
0xa9: {  	s28 =	simm.s32 $_size_execute0_lowered;
	s5 =	sadd.s32 s5, s7;
	[dreg:$0x0] =	wrdreg $0x0  }
0xaa: {  	s7 =	sshll.u32 s28, $0x1;
	[dreg:$0x2] =	wrdreg s5  }
0xab: {  	[dreg:$0x3] =	wrdreg s7  }
0xac: {  	[dreg:$0x4] =	wrdreg $0xC0  }
0xad: {  	_ =	task [dreg:s9], $0x5FFFF  }
0xae: {  	[dreg:$0x1] =	wrdreg $0xFFFFFFFF  }
0xaf: {  	[dreg:$0x0] =	wrdreg $0x60  }
0xb0: {  	[dreg:$0x2] =	wrdreg s2  }
0xb1: {  	[dreg:$0x3] =	wrdreg s4  }
0xb2: {  	[dreg:$0x4] =	wrdreg s24  }
0xb3: {  	[dreg:$0x5] =	wrdreg s18  }
0xb4: {  	[dreg:$0x6] =	wrdreg $0x90000  }
0xb5: {  	[dreg:$0x7] =	wrdreg $0x9  }
0xb6: {  	_ =	task.clear_ibuf [dreg:s9], $0x8FFFF;
	_ =	strace $0x90000046  }
0xb7: {  	s29 =	simm.s32 $0x9;
	_ =	strace $0x80000048  }
0xb8: {  	_ =	swait.ge [sflag:s29], $0x1  }
0xb9: {  	[sflag:s29] =	ssyncadd.s32 $0xFFFFFFFF  }
0xba: {  	_ =	strace $0x90000048  }
0xbb: {  	_ =	sfence  }
0xbc: {  	s30 =	sld [smem:$0x0];
	_ =	sdelay $0x2  }
0xbd: {  	s31 =	sshll.u32 s1, $0xD;
	s1 =	sshrl.u32 s1, $0x2  }
0xbe: {  	s3 =	sand.u32 $0x4000, s31;
	s1 =	sadd.s32 s1, s30  }
0xbf: {  	s0 =	sor.u32 s3, s0;
	s1 =	sshll.u32 s1, $0x11  }
0xc0: {  	s0 =	sor.u32 s1, s0  }
0xc1: {  	s0 =	sadd.s32 $0x8F2B, s0  }
0xc2: {  	[sflag:s0] =	ssyncadd.remote.s32 $0x1  }
0xc3: {  	_ =	sfence.sel $0xFFFF  }
0xc4: {  	[dreg:$0x0] =	wrdreg $0xFFFFFFFF;
	(pc) =	sbr.abs _section_cstart, $3  }
0xc5: {  	[dreg:$0x1] =	wrdreg $0xFFFFFFFF  }
0xc6: {  	_ =	task.clear_ibuf [dreg:s9], $0x2FFFF;
	_ =	strace $0x9FFFFFFF  }
0xc7: {  	(tm) =	ssettm $0x7FFFFFFF  }
tec
execute0_lowered:
.L_overlay_start_1:
0x0: {  	(tag) =	ssettag $0x1  }
0x1: {  	s1 =	rddreg [dreg:$0x0]  }
0x2: {  	s2 =	rddreg [dreg:$0x1]  }
0x3: {  	s0 =	rddreg [dreg:$0x2]  }
0x4: {  	s3 =	rddreg [dreg:$0x3]  }
0x5: {  	s4 =	rddreg [dreg:$0x4];
	s5 =	simm.s32 $0x0;
	s8 =	srdreg.scid  }
0x6: {  	s9 =	stileid.u32;
	s29 =	simm.s32 $0x28;
	s31 =	simm.s32 $0x7C00  }
0x7: {  	s28 =	simm.s32 $0x0;
	[smem:$0x7FF] =	sst s5;
	s6 =	sadd.s32 $0x600, s0  }
0x8: {  	s7 =	sadd.s32 $0x1FA00, s0;
	s12 =	sand.u32 $0x1, s8;
	s11 =	smul.u32 $0x4E000, s9  }
0x9: {  	s10 =	sshll.u32 s9, $0x1;
	s0 =	sadd.s32 $0x22200, s0;
	s15 =	smul.u32 $0x2700, s9  }
0xa: {  	s21 =	sshll.u32 s9, $0x6;
	s17 =	sadd.s32 $0x138000, s4;
	s25 =	smul.u32 $0x27100, s12  }
0xb: {  	s8 =	ssub.s32 $0x2, s12;
	s14 =	sor.u32 s12, s10;
	s12 =	smul.u32 $0x138800, s12  }
0xc: {  	p0 =	sne.s32 s9, $0x0;
	s20 =	sshrl.u32 s11, $0x2;
	s11 =	smul.u32 $0x2710, s14  }
0xd: {  	s9 =	simm.s32 $0x4;
	s13 =	sshrl.u32 s8, $0x1;
	s23 =	smul.u32 $0x138800, s14  }
0xe: {  	_ =	strace $0x80000047;
	s13 =	ssub.s32 s8, s13;
	s8 =	smul.u32 $0x7D00, s14  }
0xf: {  	[dreg:$0x7] =	wrdreg s17;
	s10 =	sadd.s32 s20, s4;
	s14 =	smul.u32 $0x27100, s14  }
0x10: {  	s15 =	sadd.s32 s15, s25;
	s12 =	sshrl.u32 s12, $0x3;
	s25 =	simm.s32 $0x5  }
0x11: {  	[dreg:$0x6] =	wrdreg s10;
	s10 =	sor.u32 $0x1C05, s21;
	s17 =	sshrl.u32 s23, $0x3  }
0x12: {  	s21 =	sadd.s32 s0, s15;
	s16 =	sshrl.u32 s8, $0x3;
	s14 =	sadd.s32 s3, s14  }
0x13: {  	s0 =	sadd.s32 s0, s12;
	s22 =	sadd.s32 s2, s16;
	[dreg:$0xc] =	wrdreg s14  }
0x14: {  	s17 =	sadd.s32 s3, s17;
	s18 =	sadd.s32 s6, s16;
	[dreg:$0x8] =	wrdreg s22  }
0x15: {  	s24 =	sor.u32 $0x10, s16;
	s26 =	sadd.s32 $0x280, s17;
	[dreg:$0x9] =	wrdreg s18  }
0x16: {  	s23 =	sadd.s32 $0x27000, s0;
	s19 =	sadd.s32 s2, s24;
	[dreg:$0xd] =	wrdreg s26  }
0x17: {  	s30 =	sadd.s32 $0x20, s16;
	s18 =	sadd.s32 s6, s24;
	[dreg:$0xa] =	wrdreg s19  }
0x18: {  	s0 =	simm.s32 $0x2;
	s16 =	sadd.s32 s2, s30;
	[dreg:$0xb] =	wrdreg s18  }
0x19: {  	s14 =	sadd.s32 s6, s30;
	s22 =	sadd.s32 $0x200, s8;
	[dreg:$0xe] =	wrdreg s16  }
0x1a: {  	s24 =	smax.u32 s13, $0x1;
	s26 =	simm.s32 $0x1;
	[dreg:$0xf] =	wrdreg s14  }
.LBB2_1:
0x1b: {  	s12 =	rddreg [dreg:$0x6]  }
0x1c: {  	s12 =	sshrl.u32 s12, $0x3  }
0x1d: {  	[spmem:s12], [sflag:s10] =	dma.local [hbm:s7], $0x2700  }
0x1e: {  	_ =	swait.ge [sflag:s25], $0x2700  }
0x1f: {  	[sflag:s25] =	ssyncset.done $0x0;
	s13 =	rddreg [dreg:$0x7]  }
0x20: {  	[sflag:s25] =	ssyncadd.s32 $0xFFFFD900;
	s30 =	sshrl.u32 @!p0 s13, $0x3;
	s13 =	simm.s32 @!p0 $0x5  }
0x21: {  	[spmem:s30], [sflag:s10] =	dma.local @!p0 [hbm:s7], $0x100  }
0x22: {  	_ =	swait.ge @!p0 [sflag:s13], $0x100  }
0x23: {  	[sflag:s13] =	ssyncset.done @!p0 $0x0  }
0x24: {  	[sflag:s13] =	ssyncadd.s32 @!p0 $0xFFFFFF00  }
0x25: {  	[bflag:$0x0] =	sbarrier.arrive $0xFFFF  }
0x26: {  	s19 =	rddreg [dreg:$0x8]  }
0x27: {  	[tilespmem:s5], [sflag:$0x5] =	stream.linear.gather [hbm4b:s19+s5], $0x80, $0x38;
	[tilespmem:$0x1C880] =	vst v63  }
0x28: {  	_ =	swait.ge [sflag:s25], $0x80  }
0x29: {  	[sflag:s25] =	ssyncset.done $0x0  }
0x2a: {  	s14 =	simm.s32 $0x200;
	s20 =	rddreg [dreg:$0x9];
	[sflag:s25] =	ssyncadd.s32 $0xFFFFFF80  }
0x2b: {  	[tilespmem:s14], [sflag:$0x5] =	stream.linear.gather [hbm4b:s20+s5], $0x80, $0x38;
	[tilespmem:$0x1C880] =	vst v63  }
0x2c: {  	_ =	swait.ge [sflag:s25], $0x80  }
0x2d: {  	[sflag:s25] =	ssyncset.done $0x0  }
0x2e: {  	s14 =	simm.s32 $0x80;
	s15 =	rddreg [dreg:$0xa];
	[sflag:s25] =	ssyncadd.s32 $0xFFFFFF80  }
0x2f: {  	[tilespmem:s14], [sflag:$0x5] =	stream.linear.gather [hbm4b:s15+s5], $0x80, $0x38;
	[tilespmem:$0x1C880] =	vst v63  }
0x30: {  	_ =	swait.ge [sflag:s25], $0x80  }
0x31: {  	[sflag:s25] =	ssyncset.done $0x0  }
0x32: {  	s15 =	simm.s32 $0x280;
	s16 =	rddreg [dreg:$0xb];
	[sflag:s25] =	ssyncadd.s32 $0xFFFFFF80  }
0x33: {  	[tilespmem:s15], [sflag:$0x5] =	stream.linear.gather [hbm4b:s16+s5], $0x80, $0x38;
	[tilespmem:$0x1C880] =	vst v63  }
0x34: {  	_ =	swait.ge [sflag:s25], $0x80  }
0x35: {  	[sflag:s25] =	ssyncset.done $0x0  }
0x36: {  	s17 =	simm.s32 $0x50;
	s18 =	simm.s32 $0x400;
	[sflag:s25] =	ssyncadd.s32 $0xFFFFFF80  }
0x37: {  	[tilespmem:s18], [sflag:$0x1] =	stream.indirect.gather [hbm4b:s1+s17], $0x80, s5, s17, $0xb8;
	[tilespmem:$0x1C880] =	vst v63  }
0x38: {  	s16 =	simm.s32 $0x5400;
	s19 =	rddreg [dreg:$0xc]  }
0x39: {  	[tilespmem:s16], [sflag:$0x1] =	stream.linear.gather [hbm4b:s19+s5], $0x1400, $0x38;
	[tilespmem:$0x1C880] =	vst v63  }
0x3a: {  	s20 =	simm.s32 $0x2C00  }
0x3b: {  	[tilespmem:s20], [sflag:$0x2] =	stream.indirect.gather [hbm4b:s1+s17], $0x80, s14, s17, $0xb8;
	[tilespmem:$0x1C880] =	vst v63  }
0x3c: {  	s15 =	rddreg [dreg:$0xd];
	s16 =	simm.s32 $0x6800  }
0x3d: {  	[tilespmem:s16], [sflag:$0x2] =	stream.linear.gather [hbm4b:s15+s5], $0x1400, $0x38;
	[tilespmem:$0x1C880] =	vst v63  }
0x3e: {  	s18 =	simm.s32 $0x100;
	s17 =	rddreg [dreg:$0xe]  }
0x3f: {  	[tilespmem:s18], [sflag:$0x3] =	stream.linear.gather [hbm4b:s17+s5], $0x80, $0x38;
	[tilespmem:$0x1C880] =	vst v63  }
0x40: {  	s13 =	simm.s32 $0x0;
	s19 =	rddreg [dreg:$0xf];
	s20 =	simm.s32 $0x300  }
0x41: {  	[tilespmem:s20], [sflag:$0x3] =	stream.linear.gather [hbm4b:s19+s5], $0x80, $0x38;
	[tilespmem:$0x1C880] =	vst v63  }
.LBB2_2:
0x42: {  	_ =	swait.ge [sflag:s26], $0x2800  }
0x43: {  	[sflag:s26] =	ssyncset.done $0x0  }
0x44: {  	[sflag:s26] =	ssyncadd.s32 $0xFFFFD800  }
0x45: {  	_ =	swait.ge [sflag:s26], $0x1400  }
0x46: {  	p1 =	seq.s32 s13, $0x0;
	[sflag:s26] =	ssyncset.done $0x0  }
0x47: {  	s14 =	simm.s32 @!p1 $0x4;
	[sflag:s26] =	ssyncadd.s32 $0xFFFFEC00  }
0x48: {  	_ =	swait.ge @!p1 [sflag:s14], $0x1400  }
0x49: {  	[sflag:s14] =	ssyncset.done @!p1 $0x0  }
0x4a: {  	[sflag:s14] =	ssyncadd.s32 @!p1 $0xFFFFEC00;
	s14 =	simm.s32 $0x0  }
0x4b: {  	v0 =	vld [tilespmem:s14+$0x1880]  }
0x4c: {  	v1 =	vld [tilespmem:s14+$0x1890]  }
0x4d: {  	v2 =	vld [tilespmem:s14+$0x480]  }
0x4e: {  	v3 =	vld [tilespmem:s14+$0x5480]  }
0x4f: {  	v4 =	vld [tilespmem:s14+$0x490]  }
0x50: {  	v5 =	vld [tilespmem:s14+$0x5490]  }
0x51: {  	v6 =	vld [tilespmem:s14+$0x4A0]  }
0x52: {  	v7 =	vld [tilespmem:s14+$0x54A0]  }
0x53: {  	v8 =	vld [tilespmem:s14+$0x4B0]  }
0x54: {  	v9 =	vld [tilespmem:s14+$0x54B0]  }
0x55: {  	v10 =	vld [tilespmem:s14+$0x4C0]  }
0x56: {  	v11 =	vld [tilespmem:s14+$0x54C0]  }
0x57: {  	v12 =	vld [tilespmem:s14+$0x4D0]  }
0x58: {  	v13 =	vld [tilespmem:s14+$0x54D0]  }
0x59: {  	v14 =	vld [tilespmem:s14+$0x4E0]  }
0x5a: {  	v15 =	vld [tilespmem:s14+$0x54E0]  }
0x5b: {  	v16 =	vld [tilespmem:s14+$0x4F0]  }
0x5c: {  	v17 =	vld [tilespmem:s14+$0x54F0]  }
0x5d: {  	v18 =	vld [tilespmem:s14+$0x18A0]  }
0x5e: {  	v19 =	vld [tilespmem:s14+$0x18B0]  }
0x5f: {  	v20 =	vld [tilespmem:s14+$0x18C0]  }
0x60: {  	v21 =	vld [tilespmem:s14+$0x18D0];
	v33 =	vadd.f32 v3, v2  }
0x61: {  	v22 =	vld [tilespmem:s14+$0x1800];
	v29 =	vadd.f32 v5, v4;
	v28 =	vadd.f32 v7, v6  }
0x62: {  	v2 =	vld [tilespmem:s14+$0x18E0];
	v27 =	vadd.f32 v9, v8;
	v26 =	vadd.f32 v11, v10  }
0x63: {  	v3 =	vld [tilespmem:s14+$0x18F0];
	v25 =	vadd.f32 v13, v12;
	v24 =	vadd.f32 v15, v14  }
0x64: {  	v23 =	vld [tilespmem:s14+$0x1810];
	v16 =	vadd.f32 v17, v16;
	v0 =	vsub.f32 v33, v0  }
0x65: {  	v30 =	vld [tilespmem:s14+$0x1820];
	v1 =	vsub.f32 v29, v1;
	v7 =	vsub.f32 v28, v18  }
0x66: {  	v31 =	vld [tilespmem:s14+$0x1830];
	v9 =	vsub.f32 v27, v19;
	v10 =	vsub.f32 v26, v20;
	v0 =	vmul.f32 v0, v0  }
0x67: {  	v32 =	vld [tilespmem:s14+$0x1840];
	v12 =	vsub.f32 v25, v21;
	v1 =	vmul.f32 v1, v1;
	v7 =	vmul.f32 v7, v7  }
0x68: {  	v34 =	vld [tilespmem:s14+$0x1850];
	v9 =	vmul.f32 v9, v9;
	v2 =	vsub.f32 v24, v2;
	v3 =	vsub.f32 v16, v3  }
0x69: {  	v35 =	vld [tilespmem:s14+$0x1860];
	v10 =	vmul.f32 v10, v10;
	v12 =	vmul.f32 v12, v12  }
0x6a: {  	s15 =	simm.s32 $0x100;
	v36 =	vld [tilespmem:s14+$0x1870];
	v2 =	vmul.f32 v2, v2;
	v3 =	vmul.f32 v3, v3  }
0x6b: {  	v37 =	vld [tilespmem:s15+$0x1880];
	v0 =	vadd.f32 v10, v0;
	v1 =	vadd.f32 v12, v1  }
0x6c: {  	v38 =	vld [tilespmem:s15+$0x1890];
	v2 =	vadd.f32 v2, v7;
	v3 =	vadd.f32 v3, v9  }
0x6d: {  	v39 =	vld [tilespmem:s15+$0x480]  }
0x6e: {  	v41 =	vld [tilespmem:s15+$0x5480];
	v0 =	vadd.f32 v1, v0;
	v1 =	vadd.f32 v3, v2  }
0x6f: {  	v42 =	vld [tilespmem:s15+$0x490]  }
0x70: {  	v44 =	vld [tilespmem:s15+$0x5490];
	v0 =	vadd.f32 v1, v0  }
0x71: {  	v46 =	vld [tilespmem:s15+$0x4A0]  }
0x72: {  	v47 =	vld [tilespmem:s15+$0x54A0];
	(xrf2) =	vadd.scan.msk.f32 $0xffff, v0  }
0x73: {  	v48 =	vld [tilespmem:s15+$0x4B0]  }
0x74: {  	v49 =	vld [tilespmem:s15+$0x54B0]  }
0x75: {  	v56 =	vld [tilespmem:s15+$0x18A0]  }
0x76: {  	v57 =	vld [tilespmem:s15+$0x18B0]  }
0x77: {  	v4 =	vld [tilespmem:s14+$0x400]  }
0x78: {  	v5 =	vld [tilespmem:s14+$0x5400]  }
0x79: {  	v6 =	vld [tilespmem:s14+$0x410]  }
0x7a: {  	v8 =	vld [tilespmem:s14+$0x5410]  }
0x7b: {  	v11 =	vld [tilespmem:s14+$0x420]  }
0x7c: {  	v13 =	vld [tilespmem:s14+$0x5420];
	v0, _, _ =	vpop (xrf2)  }
0x7d: {  	v14 =	vld [tilespmem:s14+$0x430];
	v40 =	vbroadcast v0, $0xF  }
0x7e: {  	v15 =	vld [tilespmem:s14+$0x5430]  }
0x7f: {  	v17 =	vld [tilespmem:s14+$0x440];
	v0 =	vshra.s32 v40, $0x1;
	v43 =	vmul.f32 $5.000000000e-01, v40  }
0x80: {  	v18 =	vld [tilespmem:s14+$0x460];
	v45 =	vsub.s32 $0x5F3759DF, v0  }
0x81: {  	v12 =	vld [tilespmem:s14+$0x5450];
	v0 =	vmul.f32 v45, v43  }
0x82: {  	v9 =	vld [tilespmem:s14+$0x450]  }
0x83: {  	v19 =	vld [tilespmem:s14+$0x5460];
	v0 =	vmul.f32 v45, v0  }
0x84: {  	v11 =	vadd.f32 v13, v11;
	v10 =	vld [tilespmem:s14+$0x5440]  }
0x85: {  	v20 =	vld [tilespmem:s14+$0x470];
	v2 =	vadd.f32 v5, v4;
	v5 =	vsub.f32 $1.500000000e+00, v0  }
0x86: {  	v21 =	vld [tilespmem:s14+$0x5470];
	v13 =	vsub.f32 v11, v30;
	v3 =	vadd.f32 v8, v6  }
0x87: {  	v58 =	vld [tilespmem:s15+$0x18C0];
	v7 =	vadd.f32 v15, v14;
	v1 =	vadd.f32 v12, v9;
	v9 =	vmul.f32 v45, v5  }
0x88: {  	v50 =	vld [tilespmem:s15+$0x1820];
	v13 =	vmul.f32 v13, v13;
	v8 =	vsub.f32 v2, v22;
	v12 =	vsub.f32 v3, v23  }
0x89: {  	v51 =	vld [tilespmem:s15+$0x1830];
	v4 =	vadd.f32 v19, v18;
	v0 =	vadd.f32 v10, v17;
	v14 =	vmul.f32 v9, v43  }
0x8a: {  	v52 =	vld [tilespmem:s15+$0x1840];
	v8 =	vmul.f32 v8, v8;
	v12 =	vmul.f32 v12, v12;
	v23 =	vsub.f32 v1, v34  }
0x8b: {  	v30 =	vld [tilespmem:s15+$0x54F0];
	v5 =	vadd.f32 v21, v20;
	v22 =	vsub.f32 v0, v32;
	v14 =	vmul.f32 v14, v9  }
0x8c: {  	v23 =	vmul.f32 v23, v23;
	v10 =	vld [tilespmem:s15+$0x4D0];
	v20 =	vsub.f32 v7, v31;
	v31 =	vsub.f32 v4, v35  }
0x8d: {  	v17 =	vld [tilespmem:s15+$0x54D0];
	v55 =	vsub.f32 v5, v36;
	v22 =	vmul.f32 v22, v22;
	v14 =	vsub.f32 $1.500000000e+00, v14  }
0x8e: {  	v15 =	vld [tilespmem:s15+$0x54C0];
	v20 =	vmul.f32 v20, v20;
	v31 =	vmul.f32 v31, v31  }
0x8f: {  	v32 =	vmul.f32 v55, v55;
	v8 =	vadd.f32 v22, v8;
	v22 =	vld [tilespmem:s15+$0x18D0];
	v9 =	vmul.f32 v14, v9  }
0x90: {  	v6 =	vld [tilespmem:s15+$0x4C0];
	v12 =	vadd.f32 v23, v12  }
0x91: {  	v18 =	vld [tilespmem:s15+$0x4E0];
	v13 =	vadd.f32 v31, v13;
	v14 =	vadd.f32 v32, v20;
	v9 =	vmul.f32 v9, v40  }
0x92: {  	v19 =	vld [tilespmem:s15+$0x54E0];
	v10 =	vadd.f32 v17, v10;
	v8 =	vadd.f32 v12, v8  }
0x93: {  	v21 =	vld [tilespmem:s15+$0x4F0];
	v12 =	vadd.f32 v14, v13;
	v9 =	vadd.f32 $-1.200000000e+01, v9  }
0x94: {  	v53 =	vld [tilespmem:s15+$0x1850];
	v22 =	vsub.f32 v10, v22  }
0x95: {  	v23 =	vld [tilespmem:s15+$0x18F0];
	v14 =	vadd.f32 v41, v39;
	v31 =	vadd.f32 v12, v8;
	v59 =	vmul.f32 $1.442695020e+00, v9  }
0x96: {  	v54 =	vld [tilespmem:s15+$0x1860];
	v13 =	vadd.f32 v47, v46;
	v12 =	vadd.f32 v44, v42  }
0x97: {  	v20 =	vld [tilespmem:s15+$0x18E0];
	v8 =	vadd.f32 v49, v48;
	v9 =	vadd.f32 v15, v6;
	(xrf2) =	vadd.scan.msk.f32 $0xffff, v31;
	(erf) = vpow2.f32 v59  }
0x98: {  	v34 =	vld [tilespmem:s15+$0x5430];
	v6 =	vadd.f32 v19, v18;
	v15 =	vadd.f32 v30, v21  }
0x99: {  	v35 =	vld [tilespmem:s15+$0x440];
	v18 =	vsub.f32 v14, v37;
	v19 =	vsub.f32 v12, v38  }
0x9a: {  	v45 =	vld [tilespmem:s15+$0x470];
	v22 =	vmul.f32 v22, v22;
	v21 =	vsub.f32 v13, v56;
	v23 =	vsub.f32 v15, v23  }
0x9b: {  	v43 =	vld [tilespmem:s15+$0x5400];
	v31 =	vsub.f32 v8, v57;
	v60 =	vsub.f32 v9, v58;
	v18 =	vmul.f32 v18, v18  }
0x9c: {  	v36 =	vld [tilespmem:s15+$0x5440];
	v19 =	vmul.f32 v19, v19;
	v20 =	vsub.f32 v6, v20;
	v23 =	vmul.f32 v23, v23  }
0x9d: {  	v17 =	vld [tilespmem:s15+$0x5420];
	v31 =	vmul.f32 v31, v31;
	v32 =	vmul.f32 v60, v60  }
0x9e: {  	v55 =	vld [tilespmem:s15+$0x1870];
	v21 =	vmul.f32 v21, v21;
	v20 =	vmul.f32 v20, v20  }
0x9f: {  	v40 =	vld [tilespmem:s15+$0x400];
	v19 =	vadd.f32 v22, v19;
	v18 =	vadd.f32 v32, v18  }
0xa0: {  	v39 =	vld [tilespmem:s15+$0x410];
	v20 =	vadd.f32 v20, v21;
	v21 =	vadd.f32 v23, v31;
	v23 =	vpop (erf)  }
0xa1: {  	v41 =	vld [tilespmem:s15+$0x5410];
	v31, _, _ =	vpop (xrf2);
	v23 =	vadd.f32 $1.000000000e+00, v23  }
0xa2: {  	v46 =	vld [tilespmem:s15+$0x5470];
	v18 =	vadd.f32 v19, v18;
	v19 =	vadd.f32 v21, v20;
	v48 =	vbroadcast v31, $0xF  }
0xa3: {  	v47 =	vld [tilespmem:s15+$0x1800];
	(erf) = vrcp.f32 v23  }
0xa4: {  	v42 =	vld [tilespmem:s15+$0x420];
	v18 =	vadd.f32 v19, v18;
	v19 =	vshra.s32 v48, $0x1;
	v20 =	vmul.f32 $5.000000000e-01, v48  }
0xa5: {  	v44 =	vld [tilespmem:s15+$0x460];
	v19 =	vsub.s32 $0x5F3759DF, v19  }
0xa6: {  	v49 =	vld [tilespmem:s15+$0x1810];
	(xrf2) =	vadd.scan.msk.f32 $0xffff, v18;
	v18 =	vmul.f32 v19, v20  }
0xa7: {  	v30 =	vld [tilespmem:s15+$0x430]  }
0xa8: {  	v37 =	vld [tilespmem:s15+$0x450];
	v18 =	vmul.f32 v19, v18  }
0xa9: {  	s16 =	simm.s32 $0x200;
	v38 =	vld [tilespmem:s15+$0x5450]  }
0xaa: {  	v57 =	vld [tilespmem:s16+$0x480];
	v18 =	vsub.f32 $1.500000000e+00, v18  }
0xab: {  	v59 =	vld [tilespmem:s16+$0x5480]  }
0xac: {  	v22 =	vld [tilespmem:s15+$0x5460];
	v58 =	vmul.f32 v19, v18;
	v56 =	vpop (erf)  }
0xad: {  	v60 =	vld [tilespmem:s16+$0x490];
	v16 =	vmul.f32 v56, v16  }
0xae: {  	v32 =	vld [tilespmem:s16+$0x1890];
	v21 =	vadd.f32 v17, v42;
	v61 =	vmul.f32 v58, v20  }
0xaf: {  	v17 =	vadd.f32 v38, v37;
	v31 =	vld [tilespmem:s16+$0x1880];
	v19 =	vadd.f32 v43, v40;
	[tilespmem:s14+$0x7CF0] =	vst v16  }
0xb0: {  	v23 =	vadd.f32 v41, v39;
	v18 =	vadd.f32 v34, v30;
	v62 =	vmul.f32 v61, v58;
	v34 =	vld [tilespmem:s16+$0x5490]  }
0xb1: {  	v20 =	vadd.f32 v36, v35;
	v63 =	vsub.f32 v19, v47;
	v33 =	vmul.f32 v56, v33;
	v42 =	vld [tilespmem:s16+$0x4A0];
	v16, _, _ =	vpop (xrf2)  }
0xb2: {  	v29 =	vmul.f32 v56, v29;
	v43 =	vld [tilespmem:s16+$0x54A0];
	v35 =	vsub.f32 $1.500000000e+00, v62;
	v30 =	vbroadcast v16, $0xF  }
0xb3: {  	v41 =	vmul.f32 v63, v63;
	v63 =	vsub.f32 v18, v51;
	v47 =	vld [tilespmem:s16+$0x54B0];
	v16 =	vadd.f32 v22, v44  }
0xb4: {  	v51 =	vld [tilespmem:s16+$0x54D0];
	v35 =	vmul.f32 v35, v58;
	v22 =	vshra.s32 v30, $0x1;
	v38 =	vmul.f32 $5.000000000e-01, v30  }
0xb5: {  	v28 =	vmul.f32 v56, v28;
	v62 =	vsub.f32 v21, v50;
	v44 =	vld [tilespmem:s16+$0x4B0];
	v39 =	vsub.s32 $0x5F3759DF, v22  }
0xb6: {  	v49 =	vsub.f32 v23, v49;
	v35 =	vmul.f32 v35, v48;
	v48 =	vld [tilespmem:s16+$0x4D0];
	v61 =	vmul.f32 v39, v38  }
0xb7: {  	v50 =	vmul.f32 v62, v62;
	v58 =	vsub.f32 v20, v52;
	v22 =	vadd.f32 v46, v45;
	v45 =	vld [tilespmem:s16+$0x4C0]  }
0xb8: {  	v46 =	vmul.f32 v49, v49;
	v49 =	vld [tilespmem:s16+$0x54C0];
	v40 =	vmul.f32 v39, v61;
	v61 =	vadd.f32 $-1.200000000e+01, v35  }
0xb9: {  	v52 =	vmul.f32 v63, v63;
	v62 =	vsub.f32 v17, v53;
	v54 =	vsub.f32 v16, v54;
	v35 =	vld [tilespmem:s16+$0x4E0];
	[tilespmem:s14+$0x7C80] =	vst v33  }
0xba: {  	v63 =	vmul.f32 v58, v58;
	v36 =	vld [tilespmem:s16+$0x54E0];
	[tilespmem:s14+$0x7C90] =	vst v29;
	v29 =	vsub.f32 v22, v55;
	v37 =	vmul.f32 $1.442695020e+00, v61  }
0xbb: {  	v33 =	vmul.f32 v62, v62;
	v61 =	vmul.f32 v54, v54  }
0xbc: {  	(erf) = vpow2.f32 v37;
	v37 =	vld [tilespmem:s16+$0x4F0];
	[tilespmem:s14+$0x7CA0] =	vst v28;
	v28 =	vmul.f32 v29, v29  }
0xbd: {  	v62 =	vadd.f32 v63, v41;
	v29 =	vadd.f32 v33, v46  }
0xbe: {  	v63 =	vadd.f32 v61, v50;
	v28 =	vadd.f32 v28, v52  }
0xbf: {  	v40 =	vsub.f32 $1.500000000e+00, v40  }
0xc0: {  	v29 =	vadd.f32 v29, v62;
	v28 =	vadd.f32 v28, v63;
	_ =	sdelay $0x1  }
0xc1: {  	v27 =	vmul.f32 v56, v27;
	v58 =	vmul.f32 v39, v40;
	v33 =	vadd.f32 v28, v29;
	_ =	sdelay $0x1  }
0xc2: {  	v39 =	vld [tilespmem:s16+$0x54F0];
	[tilespmem:s14+$0x7CB0] =	vst v27;
	v27 =	vmul.f32 v58, v38;
	(xrf2) =	vadd.scan.msk.f32 $0xffff, v33;
	_ =	sdelay $0x1  }
0xc3: {  	v26 =	vmul.f32 v56, v26;
	v27 =	vmul.f32 v27, v58  }
0xc4: {  	v25 =	vmul.f32 v56, v25  }
0xc5: {  	v24 =	vmul.f32 v56, v24;
	v38 =	vld [tilespmem:s16+$0x18A0];
	[tilespmem:s14+$0x7CC0] =	vst v26;
	v27 =	vsub.f32 $1.500000000e+00, v27  }
0xc6: {  	v26 =	vadd.f32 v43, v42;
	v40 =	vld [tilespmem:s16+$0x18B0];
	[tilespmem:s14+$0x7CD0] =	vst v25;
	v25 =	vadd.f32 v47, v44  }
0xc7: {  	v41 =	vld [tilespmem:s16+$0x18C0];
	[tilespmem:s14+$0x7CE0] =	vst v24;
	v24 =	vadd.f32 v51, v48;
	v29 =	vadd.f32 v59, v57;
	v42 =	vmul.f32 v27, v58  }
0xc8: {  	s17 =	sshll.u32 s13, $0x1;
	s18 =	simm.s32 $0xC00;
	v43 =	vld [tilespmem:s16+$0x18D0];
	v28 =	vadd.f32 v34, v60;
	v27 =	vadd.f32 v49, v45;
	v34 =	vpop (erf)  }
.LBB2_3:
0xc9: {  	p1 =	sne.s32 s18, $0x4C00;
	v44 =	vld [tilespmem:s16+$0x18E0];
	v33 =	vadd.f32 v36, v35;
	v35 =	vadd.f32 v39, v37;
	v30 =	vmul.f32 v42, v30  }
0xca: {  	v31 =	vsub.f32 v29, v31;
	v32 =	vsub.f32 v28, v32;
	v36 =	vld [tilespmem:s16+$0x18F0]  }
0xcb: {  	v38 =	vsub.f32 v26, v38;
	v37 =	vld [tilespmem:s16+$0x400];
	v30 =	vadd.f32 $-1.200000000e+01, v30;
	v39, _, _ =	vpop (xrf2)  }
0xcc: {  	v40 =	vsub.f32 v25, v40;
	v42 =	vld [tilespmem:s16+$0x5400];
	v41 =	vsub.f32 v27, v41;
	v39 =	vbroadcast v39, $0xF  }
0xcd: {  	v31 =	vmul.f32 v31, v31;
	v45 =	vld [tilespmem:s16+$0x410];
	v43 =	vsub.f32 v24, v43;
	v30 =	vmul.f32 $1.442695020e+00, v30  }
0xce: {  	v32 =	vmul.f32 v32, v32;
	v38 =	vmul.f32 v38, v38;
	v46 =	vld [tilespmem:s16+$0x5410];
	v44 =	vsub.f32 v33, v44  }
0xcf: {  	v40 =	vmul.f32 v40, v40;
	v47 =	vld [tilespmem:s16+$0x420];
	v36 =	vsub.f32 v35, v36;
	(erf) = vpow2.f32 v30  }
0xd0: {  	v41 =	vmul.f32 v41, v41;
	v48 =	vshra.s32 v39, $0x1;
	v43 =	vmul.f32 v43, v43;
	v30 =	vld [tilespmem:s16+$0x5420]  }
0xd1: {  	v44 =	vmul.f32 v44, v44;
	v37 =	vadd.f32 v42, v37;
	v42 =	vld [tilespmem:s16+$0x430];
	v36 =	vmul.f32 v36, v36  }
0xd2: {  	v31 =	vadd.f32 v41, v31;
	v41 =	vmul.f32 $5.000000000e-01, v39;
	v32 =	vadd.f32 v43, v32;
	v49 =	vld [tilespmem:s16+$0x5430]  }
0xd3: {  	v38 =	vadd.f32 v44, v38;
	v43 =	vld [tilespmem:s16+$0x440];
	v36 =	vadd.f32 v36, v40;
	v40 =	vsub.s32 $0x5F3759DF, v48  }
0xd4: {  	v34 =	vadd.f32 $1.000000000e+00, v34;
	v44 =	vadd.f32 v46, v45;
	v45 =	vld [tilespmem:s16+$0x5440];
	v46 =	vmul.f32 v40, v41  }
0xd5: {  	v31 =	vadd.f32 v32, v31;
	v48 =	vld [tilespmem:s16+$0x450];
	v32 =	vadd.f32 v36, v38  }
0xd6: {  	v36 =	vadd.f32 v30, v47;
	v30 =	vld [tilespmem:s16+$0x5450];
	v38 =	vmul.f32 v40, v46;
	(erf) = vrcp.f32 v34  }
0xd7: {  	v34 =	vadd.f32 v49, v42;
	v42 =	vld [tilespmem:s16+$0x460];
	v31 =	vadd.f32 v32, v31  }
0xd8: {  	v32 =	vld [tilespmem:s16+$0x5460];
	v38 =	vsub.f32 $1.500000000e+00, v38;
	v46 =	vpop (erf)  }
0xd9: {  	v43 =	vadd.f32 v45, v43;
	v45 =	vld [tilespmem:s16+$0x470];
	(xrf2) =	vadd.scan.msk.f32 $0xffff, v31;
	v31 =	vadd.f32 $1.000000000e+00, v46  }
0xda: {  	v46 =	vld [tilespmem:s16+$0x5470];
	v38 =	vmul.f32 v40, v38  }
0xdb: {  	v40 =	vld [tilespmem:s16+$0x1800];
	v47 =	vadd.f32 v30, v48;
	(erf) = vrcp.f32 v31  }
0xdc: {  	v30 =	vld [tilespmem:s16+$0x1810];
	v31 =	vmul.f32 v38, v41  }
0xdd: {  	v41 =	vld [tilespmem:s16+$0x1820];
	v42 =	vadd.f32 v32, v42  }
0xde: {  	v32 =	vld [tilespmem:s16+$0x1830];
	v31 =	vmul.f32 v31, v38  }
0xdf: {  	v48 =	vld [tilespmem:s16+$0x1840];
	v45 =	vadd.f32 v46, v45;
	v46 =	vpop (erf)  }
0xe0: {  	v40 =	vsub.f32 v37, v40;
	v49 =	vld [tilespmem:s16+$0x1850];
	v31 =	vsub.f32 $1.500000000e+00, v31;
	v50 =	vmul.f32 v46, v2;
	v2 =	vmovc v19;
	v19 =	vmovc v37  }
0xe1: {  	v51 =	vmul.f32 v46, v3;
	v11 =	vmul.f32 v46, v11;
	v3 =	vmovc v23;
	v53 =	vsub.f32 v44, v30;
	v37 =	vld [tilespmem:s16+$0x1860]  }
0xe2: {  	s19 =	sshra.s32 s18, $0x2;
	v40 =	vmul.f32 v40, v40;
	v23 =	vsub.f32 v36, v41;
	v41 =	vld [tilespmem:s16+$0x1870];
	v38 =	vmul.f32 v31, v38;
	[tilespmem:s14+$0x7C00] =	vst v50  }
0xe3: {  	v7 =	vmul.f32 v46, v7;
	v31 =	vld [tilespmem:s19+$0x1880];
	v50 =	vmul.f32 v53, v53;
	v52 =	vsub.f32 v34, v32;
	v30, _, _ =	vpop (xrf2);
	[tilespmem:s14+$0x7C10] =	vst v51  }
0xe4: {  	v32 =	vld [tilespmem:s19+$0x1890];
	v51 =	vmul.f32 v23, v23;
	v54 =	vsub.f32 v43, v48;
	v38 =	vmul.f32 v38, v39;
	v39 =	vpop (erf);
	[tilespmem:s14+$0x7C20] =	vst v11  }
0xe5: {  	v30 =	vbroadcast v30, $0xF;
	v48 =	vld [tilespmem:s19+$0x480];
	v49 =	vsub.f32 v47, v49;
	v55 =	vmul.f32 v39, v15;
	[tilespmem:s14+$0x7C30] =	vst v7;
	v15 =	vmovc v35  }
0xe6: {  	v35 =	vmul.f32 v52, v52;
	v53 =	vld [tilespmem:s19+$0x5480];
	v52 =	vmul.f32 v54, v54;
	v56 =	vsub.f32 v42, v37;
	v23 =	vmovc v44  }
0xe7: {  	v11 =	vmovc v21;
	v21 =	vmovc v36;
	v54 =	vmul.f32 $5.000000000e-01, v30;
	v44 =	vld [tilespmem:s19+$0x490];
	v37 =	vsub.f32 v45, v41;
	v41 =	vshra.s32 v30, $0x1;
	[tilespmem:s15+$0x7CF0] =	vst v55  }
0xe8: {  	v7 =	vmovc v18;
	v18 =	vmovc v34;
	v36 =	vmul.f32 v49, v49;
	v55 =	vld [tilespmem:s19+$0x5490];
	v49 =	vmul.f32 v56, v56;
	v41 =	vsub.s32 $0x5F3759DF, v41  }
0xe9: {  	v40 =	vadd.f32 v52, v40;
	v34 =	vld [tilespmem:s19+$0x4A0];
	v37 =	vmul.f32 v37, v37;
	v52 =	vmul.f32 v41, v54  }
0xea: {  	v36 =	vadd.f32 v36, v50;
	v50 =	vmul.f32 v46, v0;
	v0 =	vmovc v20;
	v56 =	vld [tilespmem:s19+$0x54A0];
	v49 =	vadd.f32 v49, v51  }
0xeb: {  	v38 =	vadd.f32 $-1.200000000e+01, v38;
	v20 =	vmovc v43;
	v51 =	vld [tilespmem:s19+$0x4B0];
	v35 =	vadd.f32 v37, v35;
	v37 =	vmul.f32 v41, v52  }
0xec: {  	v36 =	vadd.f32 v36, v40;
	v40 =	vmul.f32 v46, v1;
	v43 =	vld [tilespmem:s19+$0x54B0];
	[tilespmem:s14+$0x7C40] =	vst v50;
	v50 =	vmul.f32 v46, v4  }
0xed: {  	v38 =	vmul.f32 $1.442695020e+00, v38;
	v1 =	vmovc v17;
	v17 =	vmovc v47;
	v52 =	vld [tilespmem:s19+$0x4C0];
	v35 =	vadd.f32 v35, v49;
	v37 =	vsub.f32 $1.500000000e+00, v37  }
0xee: {  	v4 =	vmovc v16;
	v16 =	vmov v42;
	v49 =	vmul.f32 v39, v14;
	v47 =	vld [tilespmem:s19+$0x54C0];
	[tilespmem:s14+$0x7C50] =	vst v40;
	v40 =	vmul.f32 v46, v5  }
0xef: {  	v5 =	vmovc v22;
	v46 =	vld [tilespmem:s19+$0x4D0];
	v36 =	vadd.f32 v35, v36;
	v42 =	vmul.f32 v41, v37;
	(erf) = vpow2.f32 v38;
	[tilespmem:s14+$0x7C60] =	vst v50  }
0xf0: {  	v14 =	vmovc v29;
	v22 =	vmov v45;
	v37 =	vmul.f32 v39, v12;
	v38 =	vmul.f32 v39, v13;
	v50 =	vld [tilespmem:s19+$0x54D0];
	[tilespmem:s14+$0x7C70] =	vst v40;
	s14 =	smov.u32 s15;
	s15 =	smov.u32 s16;
	s16 =	smov.u32 s19  }
0xf1: {  	v12 =	vmovc v28;
	v40 =	vmul.f32 v39, v8;
	v35 =	vld [tilespmem:s16+$0x4E0];
	v29 =	vmul.f32 v42, v54;
	(xrf2) =	vadd.scan.msk.f32 $0xffff, v36;
	[tilespmem:s14+$0x7C80] =	vst v49  }
0xf2: {  	v28 =	vmul.f32 v39, v9;
	v41 =	vmul.f32 v39, v10;
	v13 =	vmovc v26;
	v8 =	vmov v25;
	v36 =	vld [tilespmem:s16+$0x54E0];
	[tilespmem:s14+$0x7C90] =	vst v37  }
0xf3: {  	v45 =	vmul.f32 v39, v6;
	v6 =	vmovc v33;
	v9 =	vmov v27;
	v37 =	vld [tilespmem:s16+$0x4F0];
	v25 =	vmul.f32 v29, v42;
	[tilespmem:s14+$0x7CA0] =	vst v38  }
.Ltmp0:
0xf4: {  	v10 =	vmov v24;
	v39 =	vld [tilespmem:s16+$0x54F0];
	[tilespmem:s14+$0x7CB0] =	vst v40;
	(pc) =	sbr.rel @p1 .LBB2_3-.Ltmp0, $4  }
0xf5: {  	v38 =	vld [tilespmem:s16+$0x18A0];
	v24 =	vsub.f32 $1.500000000e+00, v25;
	[tilespmem:s14+$0x7CC0] =	vst v28  }
0xf6: {  	v29 =	vadd.f32 v53, v48;
	v28 =	vadd.f32 v55, v44;
	v40 =	vld [tilespmem:s16+$0x18B0];
	[tilespmem:s14+$0x7CD0] =	vst v41  }
0xf7: {  	v26 =	vadd.f32 v56, v34;
	v25 =	vadd.f32 v43, v51;
	v41 =	vld [tilespmem:s16+$0x18C0];
	v42 =	vmul.f32 v24, v42;
	[tilespmem:s14+$0x7CE0] =	vst v45  }
0xf8: {  	s18 =	sadd.s32 $0x400, s18;
	v27 =	vadd.f32 v47, v52;
	v24 =	vadd.f32 v50, v46;
	v43 =	vld [tilespmem:s16+$0x18D0];
	v34 =	vpop (erf)  }
0xf9: {  	v44 =	vld [tilespmem:s16+$0x18E0]  }
0xfa: {  	v45 =	vld [tilespmem:s16+$0x18F0]  }
0xfb: {  	v46 =	vld [tilespmem:s16+$0x400]  }
0xfc: {  	v47 =	vld [tilespmem:s16+$0x5400]  }
0xfd: {  	v48 =	vld [tilespmem:s16+$0x410]  }
0xfe: {  	v49 =	vld [tilespmem:s16+$0x5410]  }
0xff: {  	v50 =	vld [tilespmem:s16+$0x420]  }
0x100: {  	v51 =	vld [tilespmem:s16+$0x5420]  }
0x101: {  	v52 =	vld [tilespmem:s16+$0x430]  }
0x102: {  	v53 =	vld [tilespmem:s16+$0x5430]  }
0x103: {  	v54 =	vld [tilespmem:s16+$0x440]  }
0x104: {  	v55 =	vld [tilespmem:s16+$0x5440]  }
0x105: {  	v33 =	vadd.f32 v36, v35;
	v35 =	vadd.f32 v39, v37;
	v37 =	vld [tilespmem:s16+$0x450]  }
0x106: {  	v31 =	vsub.f32 v29, v31;
	v39 =	vld [tilespmem:s16+$0x5450]  }
0x107: {  	v32 =	vsub.f32 v28, v32;
	v56 =	vld [tilespmem:s16+$0x5460];
	v62 =	vsub.f32 v26, v38  }
0x108: {  	v57 =	vld [tilespmem:s16+$0x470];
	v63 =	vsub.f32 v25, v40;
	v31 =	vmul.f32 v31, v31;
	v60 =	vsub.f32 v27, v41  }
0x109: {  	v58 =	vld [tilespmem:s16+$0x5470];
	v32 =	vmul.f32 v32, v32;
	v36 =	vmul.f32 v62, v62;
	v43 =	vsub.f32 v24, v43  }
0x10a: {  	v41 =	vld [tilespmem:s16+$0x460];
	v44 =	vsub.f32 v33, v44;
	v45 =	vsub.f32 v35, v45;
	v40 =	vmul.f32 v60, v60  }
0x10b: {  	v59 =	vld [tilespmem:s16+$0x1800];
	v38 =	vmul.f32 v63, v63;
	v39 =	vadd.f32 v39, v37;
	v43 =	vmul.f32 v43, v43  }
0x10c: {  	v62 =	vld [tilespmem:s16+$0x1850];
	v44 =	vmul.f32 v44, v44;
	v45 =	vmul.f32 v45, v45;
	v40 =	vadd.f32 v40, v31  }
0x10d: {  	v61 =	vld [tilespmem:s16+$0x1840];
	v31 =	vadd.f32 v49, v48;
	v43 =	vadd.f32 v43, v32  }
0x10e: {  	v60 =	vld [tilespmem:s16+$0x1810];
	v36 =	vadd.f32 v44, v36;
	v38 =	vadd.f32 v45, v38  }
0x10f: {  	v63 =	vld [tilespmem:s16+$0x1860];
	v32 =	vadd.f32 v47, v46;
	v37 =	vadd.f32 v56, v41  }
0x110: {  	v44 =	vld [tilespmem:s16+$0x1820];
	v43 =	vadd.f32 v43, v40;
	v38 =	vadd.f32 v38, v36  }
0x111: {  	v41 =	vadd.f32 v58, v57;
	v47 =	vsub.f32 v39, v62;
	v45 =	vld [tilespmem:s16+$0x1830]  }
0x112: {  	v43 =	vadd.f32 v38, v43;
	v38 =	vadd.f32 v55, v54;
	v54 =	vld [tilespmem:s16+$0x1870]  }
0x113: {  	v40 =	vadd.f32 v51, v50;
	v56 =	vsub.f32 v31, v60  }
0x114: {  	v48 =	vsub.f32 v37, v63;
	v36 =	vadd.f32 v53, v52;
	(xrf2) =	vadd.scan.msk.f32 $0xffff, v43  }
0x115: {  	v47 =	vmul.f32 v47, v47;
	v60 =	vmul.f32 v56, v56;
	v55 =	vsub.f32 v32, v59  }
0x116: {  	v48 =	vmul.f32 v48, v48;
	v58 =	vsub.f32 v40, v44;
	v45 =	vsub.f32 v36, v45  }
0x117: {  	v59 =	vmul.f32 v55, v55;
	v46 =	vsub.f32 v38, v61;
	v49 =	vsub.f32 v41, v54  }
0x118: {  	v43 =	vmul.f32 v58, v58;
	v45 =	vmul.f32 v45, v45  }
0x119: {  	v62, _, _ =	vpop (xrf2);
	v46 =	vmul.f32 v46, v46;
	v49 =	vmul.f32 v49, v49  }
0x11a: {  	v61 =	vadd.f32 v47, v60;
	v47 =	vbroadcast v62, $0xF;
	v43 =	vadd.f32 v48, v43  }
0x11b: {  	v44 =	vadd.f32 v46, v59;
	v45 =	vadd.f32 v49, v45  }
0x11c: {  	v63 =	vshra.s32 v47, $0x1;
	v52 =	vmul.f32 $5.000000000e-01, v47  }
0x11d: {  	v44 =	vadd.f32 v61, v44;
	v43 =	vadd.f32 v45, v43;
	v45 =	vsub.s32 $0x5F3759DF, v63  }
0x11e: {  	v53, _, _ =	vpop (xrf2);
	v54 =	vmul.f32 v45, v52  }
0x11f: {  	v48 =	vbroadcast v53, $0xF;
	v43 =	vadd.f32 v43, v44  }
0x120: {  	v57 =	vmul.f32 v45, v54  }
0x121: {  	v30 =	vmul.f32 v42, v30;
	v55 =	vshra.s32 v48, $0x1;
	v56 =	vmul.f32 $5.000000000e-01, v48;
	(xrf2) =	vadd.scan.msk.f32 $0xffff, v43  }
0x122: {  	v58 =	vsub.s32 $0x5F3759DF, v55;
	v43 =	vsub.f32 $1.500000000e+00, v57  }
0x123: {  	v30 =	vadd.f32 $-1.200000000e+01, v30;
	v59 =	vmul.f32 v58, v56  }
0x124: {  	v43 =	vmul.f32 v45, v43  }
0x125: {  	v30 =	vmul.f32 $1.442695020e+00, v30;
	v42 =	vmul.f32 v58, v59  }
0x126: {  	v45 =	vmul.f32 v43, v52  }
0x127: {  	(erf) = vpow2.f32 v30;
	v42 =	vsub.f32 $1.500000000e+00, v42  }
0x128: {  	v60 =	vmul.f32 v45, v43  }
0x129: {  	v30 =	vmul.f32 v58, v42  }
0x12a: {  	v42 =	vsub.f32 $1.500000000e+00, v60  }
0x12b: {  	v34 =	vadd.f32 $1.000000000e+00, v34;
	v44 =	vmul.f32 v30, v56;
	v61, _, _ =	vpop (xrf2)  }
0x12c: {  	v45 =	vbroadcast v61, $0xF;
	v42 =	vmul.f32 v42, v43  }
0x12d: {  	(erf) = vrcp.f32 v34;
	v44 =	vmul.f32 v44, v30  }
0x12e: {  	v62 =	vshra.s32 v45, $0x1;
	v63 =	vmul.f32 $5.000000000e-01, v45;
	v42 =	vmul.f32 v42, v47  }
0x12f: {  	v44 =	vsub.f32 $1.500000000e+00, v44;
	v43 =	vsub.s32 $0x5F3759DF, v62  }
0x130: {  	v50 =	vpop (erf);
	v49 =	vmul.f32 v43, v63;
	v42 =	vadd.f32 $-1.200000000e+01, v42  }
0x131: {  	v34 =	vadd.f32 $1.000000000e+00, v50;
	v30 =	vmul.f32 v44, v30  }
0x132: {  	v51 =	vmul.f32 v43, v49;
	v42 =	vmul.f32 $1.442695020e+00, v42  }
0x133: {  	(erf) = vrcp.f32 v34;
	v30 =	vmul.f32 v30, v48  }
0x134: {  	v44 =	vsub.f32 $1.500000000e+00, v51;
	(erf) = vpow2.f32 v42  }
0x135: {  	v30 =	vadd.f32 $-1.200000000e+01, v30  }
0x136: {  	v52 =	vmul.f32 v43, v44  }
0x137: {  	v54 =	vpop (erf);
	v30 =	vmul.f32 $1.442695020e+00, v30  }
0x138: {  	v2 =	vmul.f32 v54, v2;
	v53 =	vmul.f32 v52, v63  }
0x139: {  	(erf) = vpow2.f32 v30  }
0x13a: {  	v30 =	vmul.f32 v53, v52  }
0x13b: {  	v3 =	vmul.f32 v54, v3  }
0x13c: {  	[tilespmem:s14+$0x7C00] =	vst v2;
	v2 =	vpop (erf);
	v30 =	vsub.f32 $1.500000000e+00, v30  }
0x13d: {  	v11 =	vmul.f32 v54, v11;
	[tilespmem:s14+$0x7C10] =	vst v3;
	v3 =	vmul.f32 v54, v7;
	v7 =	vpop (erf)  }
0x13e: {  	v30 =	vmul.f32 v30, v52;
	v7 =	vadd.f32 $1.000000000e+00, v7  }
0x13f: {  	v0 =	vmul.f32 v54, v0;
	[tilespmem:s14+$0x7C20] =	vst v11;
	v11 =	vmul.f32 v2, v15  }
0x140: {  	[tilespmem:s14+$0x7C30] =	vst v3;
	v15 =	vmul.f32 v30, v45;
	(erf) = vrcp.f32 v7  }
0x141: {  	v1 =	vmul.f32 v54, v1;
	[tilespmem:s15+$0x7CF0] =	vst v11  }
0x142: {  	[tilespmem:s14+$0x7C40] =	vst v0;
	v0 =	vmul.f32 v54, v4;
	v3 =	vpop (erf);
	v7 =	vadd.f32 $-1.200000000e+01, v15  }
0x143: {  	[tilespmem:s14+$0x7C50] =	vst v1;
	v1 =	vmul.f32 v54, v5;
	v3 =	vadd.f32 $1.000000000e+00, v3  }
0x144: {  	[tilespmem:s14+$0x7C60] =	vst v0;
	v0 =	vmul.f32 v2, v12;
	v4 =	vmul.f32 $1.442695020e+00, v7  }
0x145: {  	(erf) = vrcp.f32 v3;
	v3 =	vmul.f32 v2, v8  }
0x146: {  	[tilespmem:s14+$0x7C70] =	vst v1;
	v1 =	vmul.f32 v2, v13;
	(erf) = vpow2.f32 v4  }
0x147: {  	[tilespmem:s15+$0x7C90] =	vst v0  }
0x148: {  	v0 =	vmul.f32 v2, v9;
	[tilespmem:s15+$0x7CA0] =	vst v1  }
0x149: {  	v5 =	vmul.f32 v2, v14;
	[tilespmem:s15+$0x7CB0] =	vst v3;
	v3 =	vpop (erf)  }
0x14a: {  	v1 =	vmul.f32 v2, v10;
	[tilespmem:s15+$0x7CC0] =	vst v0;
	v0 =	vmul.f32 v3, v19  }
0x14b: {  	[tilespmem:s15+$0x7C80] =	vst v5;
	v2 =	vmul.f32 v2, v6  }
0x14c: {  	[tilespmem:s15+$0x7CD0] =	vst v1  }
0x14d: {  	[tilespmem:s15+$0x7CE0] =	vst v2;
	v1 =	vmul.f32 v3, v23  }
0x14e: {  	v2 =	vmul.f32 v3, v21;
	[tilespmem:s15+$0x7C00] =	vst v0;
	v0 =	vpop (erf)  }
0x14f: {  	[tilespmem:s15+$0x7C10] =	vst v1;
	v1 =	vmul.f32 v3, v18;
	v4 =	vpop (erf)  }
0x150: {  	[tilespmem:s15+$0x7C20] =	vst v2;
	v2 =	vmul.f32 v0, v35;
	v4 =	vadd.f32 $1.000000000e+00, v4  }
0x151: {  	[tilespmem:s15+$0x7C30] =	vst v1;
	v1 =	vmul.f32 v3, v20  }
0x152: {  	[tilespmem:s16+$0x7CF0] =	vst v2;
	v2 =	vmul.f32 v3, v17;
	(erf) = vrcp.f32 v4  }
0x153: {  	[tilespmem:s15+$0x7C40] =	vst v1;
	v1 =	vmul.f32 v3, v16  }
0x154: {  	[tilespmem:s15+$0x7C50] =	vst v2;
	v2 =	vmul.f32 v3, v22  }
0x155: {  	[tilespmem:s15+$0x7C60] =	vst v1;
	v1 =	vmul.f32 v0, v28  }
0x156: {  	v3 =	vmul.f32 v0, v29;
	[tilespmem:s15+$0x7C70] =	vst v2  }
0x157: {  	v2 =	vmul.f32 v0, v26;
	[tilespmem:s16+$0x7C90] =	vst v1;
	v1 =	vmul.f32 v0, v27  }
0x158: {  	[tilespmem:s16+$0x7C80] =	vst v3;
	v3 =	vmul.f32 v0, v25  }
0x159: {  	[tilespmem:s16+$0x7CA0] =	vst v2  }
0x15a: {  	v2 =	vmul.f32 v0, v24;
	[tilespmem:s16+$0x7CB0] =	vst v3  }
0x15b: {  	v0 =	vmul.f32 v0, v33;
	[tilespmem:s16+$0x7CC0] =	vst v1;
	v1 =	vpop (erf)  }
0x15c: {  	[tilespmem:s16+$0x7CD0] =	vst v2;
	v2 =	vmul.f32 v1, v32  }
0x15d: {  	[tilespmem:s16+$0x7CE0] =	vst v0;
	v0 =	vmul.f32 v1, v31  }
0x15e: {  	v3 =	vmul.f32 v1, v40;
	[tilespmem:s16+$0x7C00] =	vst v2  }
0x15f: {  	[tilespmem:s16+$0x7C10] =	vst v0;
	v0 =	vmul.f32 v1, v36  }
0x160: {  	[tilespmem:s16+$0x7C20] =	vst v3;
	v2 =	vmul.f32 v1, v38  }
0x161: {  	[tilespmem:s16+$0x7C30] =	vst v0;
	v0 =	vmul.f32 v1, v39  }
0x162: {  	[tilespmem:s16+$0x7C40] =	vst v2;
	v2 =	vmul.f32 v1, v37  }
0x163: {  	s19 =	sshll.u32 s13, $0x8;
	[tilespmem:s16+$0x7C50] =	vst v0;
	v0 =	vmul.f32 v1, v41  }
0x164: {  	p1 =	seq.s32 s13, $0x7C;
	s14 =	sand.u32 $0x100, s19;
	[tilespmem:s16+$0x7C60] =	vst v2  }
0x165: {  	s20 =	sor.u32 $0x200, s14;
	s15 =	simm.s32 @!p1 $0x3;
	[tilespmem:s16+$0x7C70] =	vst v0  }
0x166: {  	[spmem:s4] =	stream.indirect.scatter.add.f32 [tilespmem:s31], [sflag:$0x4], $0x80, s20, s29, $0xb8;
	[tilespmem:$0x1C880] =	vst v63  }
0x167: {  	_ =	swait.ge @!p1 [sflag:s15], $0x80  }
0x168: {  	[sflag:s15] =	ssyncset.done @!p1 $0x0  }
0x169: {  	[sflag:s15] =	ssyncadd.s32 @!p1 $0xFFFFFF80  }
0x16a: {  	s19 =	simm.s32 @!p1 $0x400;
	s16 =	sadd.s32 @!p1 $0x2, s17;
	_ =	swait.ge @!p1 [sflag:s15], $0x80  }
0x16b: {  	s18 =	sshll.u32 @!p1 s16, $0x7;
	s16 =	smul.u32 @!p1 $0x28, s16;
	[sflag:s15] =	ssyncset.done @!p1 $0x0  }
0x16c: {  	[sflag:s15] =	ssyncadd.s32 @!p1 $0xFFFFFF80;
	s15 =	sand.u32 @!p1 $0x100, s18;
	s18 =	simm.s32 @!p1 $0x50  }
0x16d: {  	[tilespmem:s19], [sflag:$0x1] =	stream.indirect.gather @!p1 [hbm4b:s1+s18], $0x80, s15, s18, $0xb8;
	[tilespmem:$0x1C880] =	vst v63  }
0x16e: {  	s15 =	sadd.s32 @!p1 s11, s16  }
0x16f: {  	s15 =	sshll.u32 @!p1 s15, $0x4  }
0x170: {  	s16 =	simm.s32 @!p1 $0x0;
	s18 =	simm.s32 @!p1 $0x5400;
	s15 =	sadd.s32 @!p1 s3, s15  }
0x171: {  	[tilespmem:s18], [sflag:$0x1] =	stream.linear.gather @!p1 [hbm4b:s15+s16], $0x1400, $0x38;
	[tilespmem:$0x1C880] =	vst v63  }
0x172: {  	s15 =	sadd.s32 @!p1 $0x3, s17  }
0x173: {  	s17 =	sshll.u32 @!p1 s15, $0x7  }
0x174: {  	s18 =	sadd.s32 @!p1 s8, s17  }
0x175: {  	s18 =	sshrl.u32 @!p1 s18, $0x3  }
0x176: {  	s17 =	sand.u32 @!p1 $0x180, s17;
	s19 =	sadd.s32 @!p1 s2, s18  }
0x177: {  	[tilespmem:s17], [sflag:$0x3] =	stream.linear.gather @!p1 [hbm4b:s19+s16], $0x80, $0x38;
	[tilespmem:$0x1C880] =	vst v63  }
0x178: {  	s18 =	sadd.s32 @!p1 s6, s18;
	s17 =	sor.u32 @!p1 $0x200, s17  }
0x179: {  	[tilespmem:s17], [sflag:$0x3] =	stream.linear.gather @!p1 [hbm4b:s18+s16], $0x80, $0x38;
	[tilespmem:$0x1C880] =	vst v63  }
0x17a: {  	_ =	swait.ge [sflag:s0], $0x2800  }
0x17b: {  	[sflag:s0] =	ssyncset.done $0x0  }
0x17c: {  	[sflag:s0] =	ssyncadd.s32 $0xFFFFD800  }
0x17d: {  	_ =	swait.ge [sflag:s0], $0x1400  }
0x17e: {  	[sflag:s0] =	ssyncset.done $0x0  }
0x17f: {  	[sflag:s0] =	ssyncadd.s32 $0xFFFFEC00  }
0x180: {  	_ =	swait.ge [sflag:s9], $0x1400  }
0x181: {  	[sflag:s9] =	ssyncset.done $0x0  }
0x182: {  	s16 =	simm.s32 $0x0;
	[sflag:s9] =	ssyncadd.s32 $0xFFFFEC00  }
0x183: {  	v0 =	vld [tilespmem:s16+$0x4080]  }
0x184: {  	v1 =	vld [tilespmem:s16+$0x4090]  }
0x185: {  	v2 =	vld [tilespmem:s16+$0x2C80]  }
0x186: {  	v3 =	vld [tilespmem:s16+$0x6880]  }
0x187: {  	v4 =	vld [tilespmem:s16+$0x2C90]  }
0x188: {  	v5 =	vld [tilespmem:s16+$0x6890]  }
0x189: {  	v6 =	vld [tilespmem:s16+$0x2CA0]  }
0x18a: {  	v7 =	vld [tilespmem:s16+$0x68A0]  }
0x18b: {  	v8 =	vld [tilespmem:s16+$0x2CB0]  }
0x18c: {  	v9 =	vld [tilespmem:s16+$0x68B0]  }
0x18d: {  	v10 =	vld [tilespmem:s16+$0x2CC0]  }
0x18e: {  	v11 =	vld [tilespmem:s16+$0x68C0]  }
0x18f: {  	v12 =	vld [tilespmem:s16+$0x2CD0]  }
0x190: {  	v13 =	vld [tilespmem:s16+$0x68D0]  }
0x191: {  	v14 =	vld [tilespmem:s16+$0x2CE0]  }
0x192: {  	v15 =	vld [tilespmem:s16+$0x68E0]  }
0x193: {  	v16 =	vld [tilespmem:s16+$0x2CF0]  }
0x194: {  	v17 =	vld [tilespmem:s16+$0x68F0]  }
0x195: {  	v18 =	vld [tilespmem:s16+$0x40A0]  }
0x196: {  	v19 =	vld [tilespmem:s16+$0x40B0]  }
0x197: {  	v20 =	vld [tilespmem:s16+$0x40C0]  }
0x198: {  	v21 =	vld [tilespmem:s16+$0x40D0];
	v33 =	vadd.f32 v3, v2  }
0x199: {  	v22 =	vld [tilespmem:s16+$0x4000];
	v29 =	vadd.f32 v5, v4;
	v28 =	vadd.f32 v7, v6  }
0x19a: {  	v2 =	vld [tilespmem:s16+$0x40E0];
	v27 =	vadd.f32 v9, v8;
	v26 =	vadd.f32 v11, v10  }
0x19b: {  	v3 =	vld [tilespmem:s16+$0x40F0];
	v25 =	vadd.f32 v13, v12;
	v24 =	vadd.f32 v15, v14  }
0x19c: {  	v23 =	vld [tilespmem:s16+$0x4010];
	v16 =	vadd.f32 v17, v16;
	v0 =	vsub.f32 v33, v0  }
0x19d: {  	v30 =	vld [tilespmem:s16+$0x4020];
	v1 =	vsub.f32 v29, v1;
	v7 =	vsub.f32 v28, v18  }
0x19e: {  	v31 =	vld [tilespmem:s16+$0x4030];
	v9 =	vsub.f32 v27, v19;
	v10 =	vsub.f32 v26, v20;
	v0 =	vmul.f32 v0, v0  }
0x19f: {  	v55 =	vld [tilespmem:s16+$0x4040];
	v12 =	vsub.f32 v25, v21;
	v1 =	vmul.f32 v1, v1;
	v7 =	vmul.f32 v7, v7  }
0x1a0: {  	v56 =	vld [tilespmem:s16+$0x4050];
	v9 =	vmul.f32 v9, v9;
	v2 =	vsub.f32 v24, v2;
	v3 =	vsub.f32 v16, v3  }
0x1a1: {  	v57 =	vld [tilespmem:s16+$0x4060];
	v10 =	vmul.f32 v10, v10;
	v12 =	vmul.f32 v12, v12  }
0x1a2: {  	s17 =	simm.s32 $0x100;
	v58 =	vld [tilespmem:s16+$0x4070];
	v2 =	vmul.f32 v2, v2;
	v3 =	vmul.f32 v3, v3  }
0x1a3: {  	v37 =	vld [tilespmem:s17+$0x4080];
	v0 =	vadd.f32 v10, v0;
	v1 =	vadd.f32 v12, v1  }
0x1a4: {  	v38 =	vld [tilespmem:s17+$0x4090];
	v2 =	vadd.f32 v2, v7;
	v3 =	vadd.f32 v3, v9  }
0x1a5: {  	v39 =	vld [tilespmem:s17+$0x2C80]  }
0x1a6: {  	v41 =	vld [tilespmem:s17+$0x6880];
	v0 =	vadd.f32 v1, v0;
	v1 =	vadd.f32 v3, v2  }
0x1a7: {  	v59 =	vld [tilespmem:s17+$0x2C90]  }
0x1a8: {  	v61 =	vld [tilespmem:s17+$0x6890];
	v0 =	vadd.f32 v1, v0  }
0x1a9: {  	v63 =	vld [tilespmem:s17+$0x2CA0]  }
0x1aa: {  	v52 =	vld [tilespmem:s17+$0x68A0];
	(xrf2) =	vadd.scan.msk.f32 $0xffff, v0  }
0x1ab: {  	v53 =	vld [tilespmem:s17+$0x2CB0]  }
0x1ac: {  	v54 =	vld [tilespmem:s17+$0x68B0]  }
0x1ad: {  	v43 =	vld [tilespmem:s17+$0x6800]  }
0x1ae: {  	v42 =	vld [tilespmem:s17+$0x2C20]  }
0x1af: {  	v4 =	vld [tilespmem:s16+$0x2C00]  }
0x1b0: {  	v5 =	vld [tilespmem:s16+$0x6800]  }
0x1b1: {  	v6 =	vld [tilespmem:s16+$0x2C10]  }
0x1b2: {  	v8 =	vld [tilespmem:s16+$0x6810]  }
0x1b3: {  	v11 =	vld [tilespmem:s16+$0x2C20]  }
0x1b4: {  	v13 =	vld [tilespmem:s16+$0x6820];
	v0, _, _ =	vpop (xrf2)  }
0x1b5: {  	v14 =	vld [tilespmem:s16+$0x2C30];
	v40 =	vbroadcast v0, $0xF  }
0x1b6: {  	v15 =	vld [tilespmem:s16+$0x6830]  }
0x1b7: {  	v17 =	vld [tilespmem:s16+$0x2C40];
	v0 =	vshra.s32 v40, $0x1;
	v60 =	vmul.f32 $5.000000000e-01, v40  }
0x1b8: {  	v18 =	vld [tilespmem:s16+$0x2C60];
	v62 =	vsub.s32 $0x5F3759DF, v0  }
0x1b9: {  	v12 =	vld [tilespmem:s16+$0x6850];
	v0 =	vmul.f32 v62, v60  }
0x1ba: {  	v9 =	vld [tilespmem:s16+$0x2C50]  }
0x1bb: {  	v19 =	vld [tilespmem:s16+$0x6860];
	v0 =	vmul.f32 v62, v0  }
0x1bc: {  	v11 =	vadd.f32 v13, v11;
	v10 =	vld [tilespmem:s16+$0x6840]  }
0x1bd: {  	v20 =	vld [tilespmem:s16+$0x2C70];
	v2 =	vadd.f32 v5, v4;
	v5 =	vsub.f32 $1.500000000e+00, v0  }
0x1be: {  	v21 =	vld [tilespmem:s16+$0x6870];
	v13 =	vsub.f32 v11, v30;
	v3 =	vadd.f32 v8, v6  }
0x1bf: {  	v34 =	vld [tilespmem:s17+$0x6830];
	v7 =	vadd.f32 v15, v14;
	v1 =	vadd.f32 v12, v9;
	v9 =	vmul.f32 v62, v5  }
0x1c0: {  	v35 =	vld [tilespmem:s17+$0x2C40];
	v13 =	vmul.f32 v13, v13;
	v8 =	vsub.f32 v2, v22;
	v12 =	vsub.f32 v3, v23  }
0x1c1: {  	v36 =	vld [tilespmem:s17+$0x6840];
	v4 =	vadd.f32 v19, v18;
	v0 =	vadd.f32 v10, v17;
	v14 =	vmul.f32 v9, v60  }
0x1c2: {  	v30 =	vld [tilespmem:s17+$0x68F0];
	v8 =	vmul.f32 v8, v8;
	v12 =	vmul.f32 v12, v12;
	v23 =	vsub.f32 v1, v56  }
0x1c3: {  	v15 =	vld [tilespmem:s17+$0x68C0];
	v5 =	vadd.f32 v21, v20;
	v22 =	vsub.f32 v0, v55;
	v14 =	vmul.f32 v14, v9  }
0x1c4: {  	v23 =	vmul.f32 v23, v23;
	v10 =	vld [tilespmem:s17+$0x2CD0];
	v20 =	vsub.f32 v7, v31;
	v31 =	vsub.f32 v4, v57  }
0x1c5: {  	v17 =	vld [tilespmem:s17+$0x68D0];
	v55 =	vsub.f32 v5, v58;
	v22 =	vmul.f32 v22, v22;
	v14 =	vsub.f32 $1.500000000e+00, v14  }
0x1c6: {  	v6 =	vld [tilespmem:s17+$0x2CC0];
	v20 =	vmul.f32 v20, v20;
	v31 =	vmul.f32 v31, v31  }
0x1c7: {  	v32 =	vmul.f32 v55, v55;
	v8 =	vadd.f32 v22, v8;
	v22 =	vld [tilespmem:s17+$0x40D0];
	v9 =	vmul.f32 v14, v9  }
0x1c8: {  	v18 =	vld [tilespmem:s17+$0x2CE0];
	v12 =	vadd.f32 v23, v12  }
0x1c9: {  	v19 =	vld [tilespmem:s17+$0x68E0];
	v13 =	vadd.f32 v31, v13;
	v14 =	vadd.f32 v32, v20;
	v9 =	vmul.f32 v9, v40  }
0x1ca: {  	v56 =	vld [tilespmem:s17+$0x40A0];
	v10 =	vadd.f32 v17, v10;
	v8 =	vadd.f32 v12, v8  }
0x1cb: {  	v21 =	vld [tilespmem:s17+$0x2CF0];
	v12 =	vadd.f32 v14, v13;
	v9 =	vadd.f32 $-1.200000000e+01, v9  }
0x1cc: {  	v23 =	vld [tilespmem:s17+$0x40F0];
	v22 =	vsub.f32 v10, v22  }
0x1cd: {  	v57 =	vld [tilespmem:s17+$0x40B0];
	v31 =	vadd.f32 v12, v8;
	v12 =	vadd.f32 v61, v59;
	v59 =	vmul.f32 $1.442695020e+00, v9  }
0x1ce: {  	v58 =	vld [tilespmem:s17+$0x40C0];
	v14 =	vadd.f32 v41, v39;
	v13 =	vadd.f32 v52, v63  }
0x1cf: {  	v20 =	vld [tilespmem:s17+$0x40E0];
	v8 =	vadd.f32 v54, v53;
	v9 =	vadd.f32 v15, v6;
	(xrf2) =	vadd.scan.msk.f32 $0xffff, v31;
	(erf) = vpow2.f32 v59  }
0x1d0: {  	v44 =	vld [tilespmem:s17+$0x2C60];
	v6 =	vadd.f32 v19, v18;
	v15 =	vadd.f32 v30, v21  }
0x1d1: {  	v45 =	vld [tilespmem:s17+$0x2C70];
	v18 =	vsub.f32 v14, v37;
	v19 =	vsub.f32 v12, v38  }
0x1d2: {  	v46 =	vld [tilespmem:s17+$0x6870];
	v22 =	vmul.f32 v22, v22;
	v21 =	vsub.f32 v13, v56;
	v23 =	vsub.f32 v15, v23  }
0x1d3: {  	v47 =	vld [tilespmem:s17+$0x4000];
	v31 =	vsub.f32 v8, v57;
	v60 =	vsub.f32 v9, v58;
	v18 =	vmul.f32 v18, v18  }
0x1d4: {  	v49 =	vld [tilespmem:s17+$0x4010];
	v19 =	vmul.f32 v19, v19;
	v20 =	vsub.f32 v6, v20;
	v23 =	vmul.f32 v23, v23  }
0x1d5: {  	v50 =	vld [tilespmem:s17+$0x4020];
	v31 =	vmul.f32 v31, v31;
	v32 =	vmul.f32 v60, v60  }
0x1d6: {  	v51 =	vld [tilespmem:s17+$0x4030];
	v21 =	vmul.f32 v21, v21;
	v20 =	vmul.f32 v20, v20  }
0x1d7: {  	v17 =	vld [tilespmem:s17+$0x6820];
	v19 =	vadd.f32 v22, v19;
	v18 =	vadd.f32 v32, v18  }
0x1d8: {  	v55 =	vld [tilespmem:s17+$0x4070];
	v20 =	vadd.f32 v20, v21;
	v21 =	vadd.f32 v23, v31;
	v23 =	vpop (erf)  }
0x1d9: {  	v40 =	vld [tilespmem:s17+$0x2C00];
	v31, _, _ =	vpop (xrf2);
	v23 =	vadd.f32 $1.000000000e+00, v23  }
0x1da: {  	v39 =	vld [tilespmem:s17+$0x2C10];
	v18 =	vadd.f32 v19, v18;
	v19 =	vadd.f32 v21, v20;
	v48 =	vbroadcast v31, $0xF  }
0x1db: {  	v41 =	vld [tilespmem:s17+$0x6810];
	(erf) = vrcp.f32 v23  }
0x1dc: {  	v52 =	vld [tilespmem:s17+$0x4040];
	v18 =	vadd.f32 v19, v18;
	v19 =	vshra.s32 v48, $0x1;
	v20 =	vmul.f32 $5.000000000e-01, v48  }
0x1dd: {  	v53 =	vld [tilespmem:s17+$0x4050];
	v19 =	vsub.s32 $0x5F3759DF, v19  }
0x1de: {  	v54 =	vld [tilespmem:s17+$0x4060];
	(xrf2) =	vadd.scan.msk.f32 $0xffff, v18;
	v18 =	vmul.f32 v19, v20  }
0x1df: {  	v30 =	vld [tilespmem:s17+$0x2C30]  }
0x1e0: {  	v37 =	vld [tilespmem:s17+$0x2C50];
	v18 =	vmul.f32 v19, v18  }
0x1e1: {  	s18 =	simm.s32 $0x200;
	v38 =	vld [tilespmem:s17+$0x6850]  }
0x1e2: {  	v57 =	vld [tilespmem:s18+$0x2C80];
	v18 =	vsub.f32 $1.500000000e+00, v18  }
0x1e3: {  	v59 =	vld [tilespmem:s18+$0x6880]  }
0x1e4: {  	v22 =	vld [tilespmem:s17+$0x6860];
	v58 =	vmul.f32 v19, v18;
	v56 =	vpop (erf)  }
0x1e5: {  	v60 =	vld [tilespmem:s18+$0x2C90];
	v16 =	vmul.f32 v56, v16  }
0x1e6: {  	v32 =	vld [tilespmem:s18+$0x4090];
	v21 =	vadd.f32 v17, v42;
	v61 =	vmul.f32 v58, v20  }
0x1e7: {  	v17 =	vadd.f32 v38, v37;
	v31 =	vld [tilespmem:s18+$0x4080];
	v19 =	vadd.f32 v43, v40;
	[tilespmem:s16+$0x7CF0] =	vst v16  }
0x1e8: {  	v23 =	vadd.f32 v41, v39;
	v18 =	vadd.f32 v34, v30;
	v62 =	vmul.f32 v61, v58;
	v34 =	vld [tilespmem:s18+$0x6890]  }
0x1e9: {  	v20 =	vadd.f32 v36, v35;
	v63 =	vsub.f32 v19, v47;
	v33 =	vmul.f32 v56, v33;
	v42 =	vld [tilespmem:s18+$0x2CA0];
	v16, _, _ =	vpop (xrf2)  }
0x1ea: {  	v29 =	vmul.f32 v56, v29;
	v43 =	vld [tilespmem:s18+$0x68A0];
	v35 =	vsub.f32 $1.500000000e+00, v62;
	v30 =	vbroadcast v16, $0xF  }
0x1eb: {  	v41 =	vmul.f32 v63, v63;
	v63 =	vsub.f32 v18, v51;
	v47 =	vld [tilespmem:s18+$0x68B0];
	v16 =	vadd.f32 v22, v44  }
0x1ec: {  	v51 =	vld [tilespmem:s18+$0x68D0];
	v35 =	vmul.f32 v35, v58;
	v22 =	vshra.s32 v30, $0x1;
	v38 =	vmul.f32 $5.000000000e-01, v30  }
0x1ed: {  	v28 =	vmul.f32 v56, v28;
	v62 =	vsub.f32 v21, v50;
	v44 =	vld [tilespmem:s18+$0x2CB0];
	v39 =	vsub.s32 $0x5F3759DF, v22  }
0x1ee: {  	v49 =	vsub.f32 v23, v49;
	v35 =	vmul.f32 v35, v48;
	v48 =	vld [tilespmem:s18+$0x2CD0];
	v61 =	vmul.f32 v39, v38  }
0x1ef: {  	v50 =	vmul.f32 v62, v62;
	v58 =	vsub.f32 v20, v52;
	v22 =	vadd.f32 v46, v45;
	v45 =	vld [tilespmem:s18+$0x2CC0]  }
0x1f0: {  	v46 =	vmul.f32 v49, v49;
	v49 =	vld [tilespmem:s18+$0x68C0];
	v40 =	vmul.f32 v39, v61;
	v61 =	vadd.f32 $-1.200000000e+01, v35  }
0x1f1: {  	v52 =	vmul.f32 v63, v63;
	v62 =	vsub.f32 v17, v53;
	v54 =	vsub.f32 v16, v54;
	v35 =	vld [tilespmem:s18+$0x2CE0];
	[tilespmem:s16+$0x7C80] =	vst v33  }
0x1f2: {  	v63 =	vmul.f32 v58, v58;
	v36 =	vld [tilespmem:s18+$0x68E0];
	[tilespmem:s16+$0x7C90] =	vst v29;
	v29 =	vsub.f32 v22, v55;
	v37 =	vmul.f32 $1.442695020e+00, v61  }
0x1f3: {  	v33 =	vmul.f32 v62, v62;
	v61 =	vmul.f32 v54, v54  }
0x1f4: {  	(erf) = vpow2.f32 v37;
	v37 =	vld [tilespmem:s18+$0x2CF0];
	[tilespmem:s16+$0x7CA0] =	vst v28;
	v28 =	vmul.f32 v29, v29  }
0x1f5: {  	v62 =	vadd.f32 v63, v41;
	v29 =	vadd.f32 v33, v46  }
0x1f6: {  	v63 =	vadd.f32 v61, v50;
	v28 =	vadd.f32 v28, v52  }
0x1f7: {  	v40 =	vsub.f32 $1.500000000e+00, v40  }
0x1f8: {  	v29 =	vadd.f32 v29, v62;
	v28 =	vadd.f32 v28, v63;
	_ =	sdelay $0x1  }
0x1f9: {  	v27 =	vmul.f32 v56, v27;
	v58 =	vmul.f32 v39, v40;
	v33 =	vadd.f32 v28, v29;
	_ =	sdelay $0x1  }
0x1fa: {  	v39 =	vld [tilespmem:s18+$0x68F0];
	[tilespmem:s16+$0x7CB0] =	vst v27;
	v27 =	vmul.f32 v58, v38;
	(xrf2) =	vadd.scan.msk.f32 $0xffff, v33;
	_ =	sdelay $0x1  }
0x1fb: {  	v26 =	vmul.f32 v56, v26;
	v27 =	vmul.f32 v27, v58  }
0x1fc: {  	v25 =	vmul.f32 v56, v25  }
0x1fd: {  	v24 =	vmul.f32 v56, v24;
	v38 =	vld [tilespmem:s18+$0x40A0];
	[tilespmem:s16+$0x7CC0] =	vst v26;
	v27 =	vsub.f32 $1.500000000e+00, v27  }
0x1fe: {  	v26 =	vadd.f32 v43, v42;
	v40 =	vld [tilespmem:s18+$0x40B0];
	[tilespmem:s16+$0x7CD0] =	vst v25;
	v25 =	vadd.f32 v47, v44  }
0x1ff: {  	v41 =	vld [tilespmem:s18+$0x40C0];
	[tilespmem:s16+$0x7CE0] =	vst v24;
	v24 =	vadd.f32 v51, v48;
	v29 =	vadd.f32 v59, v57;
	v42 =	vmul.f32 v27, v58  }
0x200: {  	s15 =	simm.s32 @p1 $0xFB;
	s19 =	simm.s32 $0xC00;
	v43 =	vld [tilespmem:s18+$0x40D0];
	v28 =	vadd.f32 v34, v60;
	v27 =	vadd.f32 v49, v45;
	v34 =	vpop (erf)  }
.LBB2_5:
0x201: {  	p2 =	sne.s32 s19, $0x4C00;
	v44 =	vld [tilespmem:s18+$0x40E0];
	v33 =	vadd.f32 v36, v35;
	v35 =	vadd.f32 v39, v37;
	v30 =	vmul.f32 v42, v30  }
0x202: {  	v31 =	vsub.f32 v29, v31;
	v32 =	vsub.f32 v28, v32;
	v36 =	vld [tilespmem:s18+$0x40F0]  }
0x203: {  	v38 =	vsub.f32 v26, v38;
	v37 =	vld [tilespmem:s18+$0x2C00];
	v30 =	vadd.f32 $-1.200000000e+01, v30;
	v39, _, _ =	vpop (xrf2)  }
0x204: {  	v40 =	vsub.f32 v25, v40;
	v42 =	vld [tilespmem:s18+$0x6800];
	v41 =	vsub.f32 v27, v41;
	v39 =	vbroadcast v39, $0xF  }
0x205: {  	v31 =	vmul.f32 v31, v31;
	v45 =	vld [tilespmem:s18+$0x2C10];
	v43 =	vsub.f32 v24, v43;
	v30 =	vmul.f32 $1.442695020e+00, v30  }
0x206: {  	v32 =	vmul.f32 v32, v32;
	v38 =	vmul.f32 v38, v38;
	v46 =	vld [tilespmem:s18+$0x6810];
	v44 =	vsub.f32 v33, v44  }
0x207: {  	v40 =	vmul.f32 v40, v40;
	v47 =	vld [tilespmem:s18+$0x2C20];
	v36 =	vsub.f32 v35, v36;
	(erf) = vpow2.f32 v30  }
0x208: {  	v41 =	vmul.f32 v41, v41;
	v48 =	vshra.s32 v39, $0x1;
	v43 =	vmul.f32 v43, v43;
	v30 =	vld [tilespmem:s18+$0x6820]  }
0x209: {  	v44 =	vmul.f32 v44, v44;
	v37 =	vadd.f32 v42, v37;
	v42 =	vld [tilespmem:s18+$0x2C30];
	v36 =	vmul.f32 v36, v36  }
0x20a: {  	v31 =	vadd.f32 v41, v31;
	v41 =	vmul.f32 $5.000000000e-01, v39;
	v32 =	vadd.f32 v43, v32;
	v49 =	vld [tilespmem:s18+$0x6830]  }
0x20b: {  	v38 =	vadd.f32 v44, v38;
	v43 =	vld [tilespmem:s18+$0x2C40];
	v36 =	vadd.f32 v36, v40;
	v40 =	vsub.s32 $0x5F3759DF, v48  }
0x20c: {  	v34 =	vadd.f32 $1.000000000e+00, v34;
	v44 =	vadd.f32 v46, v45;
	v45 =	vld [tilespmem:s18+$0x6840];
	v46 =	vmul.f32 v40, v41  }
0x20d: {  	v31 =	vadd.f32 v32, v31;
	v48 =	vld [tilespmem:s18+$0x2C50];
	v32 =	vadd.f32 v36, v38  }
0x20e: {  	v36 =	vadd.f32 v30, v47;
	v30 =	vld [tilespmem:s18+$0x6850];
	v38 =	vmul.f32 v40, v46;
	(erf) = vrcp.f32 v34  }
0x20f: {  	v34 =	vadd.f32 v49, v42;
	v42 =	vld [tilespmem:s18+$0x2C60];
	v31 =	vadd.f32 v32, v31  }
0x210: {  	v32 =	vld [tilespmem:s18+$0x6860];
	v38 =	vsub.f32 $1.500000000e+00, v38;
	v46 =	vpop (erf)  }
0x211: {  	v43 =	vadd.f32 v45, v43;
	v45 =	vld [tilespmem:s18+$0x2C70];
	(xrf2) =	vadd.scan.msk.f32 $0xffff, v31;
	v31 =	vadd.f32 $1.000000000e+00, v46  }
0x212: {  	v46 =	vld [tilespmem:s18+$0x6870];
	v38 =	vmul.f32 v40, v38  }
0x213: {  	v40 =	vld [tilespmem:s18+$0x4000];
	v47 =	vadd.f32 v30, v48;
	(erf) = vrcp.f32 v31  }
0x214: {  	v30 =	vld [tilespmem:s18+$0x4010];
	v31 =	vmul.f32 v38, v41  }
0x215: {  	v41 =	vld [tilespmem:s18+$0x4020];
	v42 =	vadd.f32 v32, v42  }
0x216: {  	v32 =	vld [tilespmem:s18+$0x4030];
	v31 =	vmul.f32 v31, v38  }
0x217: {  	v48 =	vld [tilespmem:s18+$0x4040];
	v45 =	vadd.f32 v46, v45;
	v46 =	vpop (erf)  }
0x218: {  	v40 =	vsub.f32 v37, v40;
	v49 =	vld [tilespmem:s18+$0x4050];
	v31 =	vsub.f32 $1.500000000e+00, v31;
	v50 =	vmul.f32 v46, v2;
	v2 =	vmovc v19;
	v19 =	vmovc v37  }
0x219: {  	v51 =	vmul.f32 v46, v3;
	v11 =	vmul.f32 v46, v11;
	v3 =	vmovc v23;
	v53 =	vsub.f32 v44, v30;
	v37 =	vld [tilespmem:s18+$0x4060]  }
0x21a: {  	s20 =	sshra.s32 s19, $0x2;
	v40 =	vmul.f32 v40, v40;
	v23 =	vsub.f32 v36, v41;
	v41 =	vld [tilespmem:s18+$0x4070];
	v38 =	vmul.f32 v31, v38;
	[tilespmem:s16+$0x7C00] =	vst v50  }
0x21b: {  	v7 =	vmul.f32 v46, v7;
	v31 =	vld [tilespmem:s20+$0x4080];
	v50 =	vmul.f32 v53, v53;
	v52 =	vsub.f32 v34, v32;
	v30, _, _ =	vpop (xrf2);
	[tilespmem:s16+$0x7C10] =	vst v51  }
0x21c: {  	v32 =	vld [tilespmem:s20+$0x4090];
	v51 =	vmul.f32 v23, v23;
	v54 =	vsub.f32 v43, v48;
	v38 =	vmul.f32 v38, v39;
	v39 =	vpop (erf);
	[tilespmem:s16+$0x7C20] =	vst v11  }
0x21d: {  	v30 =	vbroadcast v30, $0xF;
	v48 =	vld [tilespmem:s20+$0x2C80];
	v49 =	vsub.f32 v47, v49;
	v55 =	vmul.f32 v39, v15;
	[tilespmem:s16+$0x7C30] =	vst v7;
	v15 =	vmovc v35  }
0x21e: {  	v35 =	vmul.f32 v52, v52;
	v53 =	vld [tilespmem:s20+$0x6880];
	v52 =	vmul.f32 v54, v54;
	v56 =	vsub.f32 v42, v37;
	v23 =	vmovc v44  }
0x21f: {  	v11 =	vmovc v21;
	v21 =	vmovc v36;
	v54 =	vmul.f32 $5.000000000e-01, v30;
	v44 =	vld [tilespmem:s20+$0x2C90];
	v37 =	vsub.f32 v45, v41;
	v41 =	vshra.s32 v30, $0x1;
	[tilespmem:s17+$0x7CF0] =	vst v55  }
0x220: {  	v7 =	vmovc v18;
	v18 =	vmovc v34;
	v36 =	vmul.f32 v49, v49;
	v55 =	vld [tilespmem:s20+$0x6890];
	v49 =	vmul.f32 v56, v56;
	v41 =	vsub.s32 $0x5F3759DF, v41  }
0x221: {  	v40 =	vadd.f32 v52, v40;
	v34 =	vld [tilespmem:s20+$0x2CA0];
	v37 =	vmul.f32 v37, v37;
	v52 =	vmul.f32 v41, v54  }
0x222: {  	v36 =	vadd.f32 v36, v50;
	v50 =	vmul.f32 v46, v0;
	v0 =	vmovc v20;
	v56 =	vld [tilespmem:s20+$0x68A0];
	v49 =	vadd.f32 v49, v51  }
0x223: {  	v38 =	vadd.f32 $-1.200000000e+01, v38;
	v20 =	vmovc v43;
	v51 =	vld [tilespmem:s20+$0x2CB0];
	v35 =	vadd.f32 v37, v35;
	v37 =	vmul.f32 v41, v52  }
0x224: {  	v36 =	vadd.f32 v36, v40;
	v40 =	vmul.f32 v46, v1;
	v43 =	vld [tilespmem:s20+$0x68B0];
	[tilespmem:s16+$0x7C40] =	vst v50;
	v50 =	vmul.f32 v46, v4  }
0x225: {  	v38 =	vmul.f32 $1.442695020e+00, v38;
	v1 =	vmovc v17;
	v17 =	vmovc v47;
	v52 =	vld [tilespmem:s20+$0x2CC0];
	v35 =	vadd.f32 v35, v49;
	v37 =	vsub.f32 $1.500000000e+00, v37  }
0x226: {  	v4 =	vmovc v16;
	v16 =	vmov v42;
	v49 =	vmul.f32 v39, v14;
	v47 =	vld [tilespmem:s20+$0x68C0];
	[tilespmem:s16+$0x7C50] =	vst v40;
	v40 =	vmul.f32 v46, v5  }
0x227: {  	v5 =	vmovc v22;
	v46 =	vld [tilespmem:s20+$0x2CD0];
	v36 =	vadd.f32 v35, v36;
	v42 =	vmul.f32 v41, v37;
	(erf) = vpow2.f32 v38;
	[tilespmem:s16+$0x7C60] =	vst v50  }
0x228: {  	v14 =	vmovc v29;
	v22 =	vmov v45;
	v37 =	vmul.f32 v39, v12;
	v38 =	vmul.f32 v39, v13;
	v50 =	vld [tilespmem:s20+$0x68D0];
	[tilespmem:s16+$0x7C70] =	vst v40;
	s16 =	smov.u32 s17;
	s17 =	smov.u32 s18;
	s18 =	smov.u32 s20  }
0x229: {  	v12 =	vmovc v28;
	v40 =	vmul.f32 v39, v8;
	v35 =	vld [tilespmem:s18+$0x2CE0];
	v29 =	vmul.f32 v42, v54;
	(xrf2) =	vadd.scan.msk.f32 $0xffff, v36;
	[tilespmem:s16+$0x7C80] =	vst v49  }
0x22a: {  	v28 =	vmul.f32 v39, v9;
	v41 =	vmul.f32 v39, v10;
	v13 =	vmovc v26;
	v8 =	vmov v25;
	v36 =	vld [tilespmem:s18+$0x68E0];
	[tilespmem:s16+$0x7C90] =	vst v37  }
0x22b: {  	v45 =	vmul.f32 v39, v6;
	v6 =	vmovc v33;
	v9 =	vmov v27;
	v37 =	vld [tilespmem:s18+$0x2CF0];
	v25 =	vmul.f32 v29, v42;
	[tilespmem:s16+$0x7CA0] =	vst v38  }
.Ltmp1:
0x22c: {  	v10 =	vmov v24;
	v39 =	vld [tilespmem:s18+$0x68F0];
	[tilespmem:s16+$0x7CB0] =	vst v40;
	(pc) =	sbr.rel @p2 .LBB2_5-.Ltmp1, $4  }
0x22d: {  	v38 =	vld [tilespmem:s18+$0x40A0];
	v24 =	vsub.f32 $1.500000000e+00, v25;
	[tilespmem:s16+$0x7CC0] =	vst v28  }
0x22e: {  	v29 =	vadd.f32 v53, v48;
	v28 =	vadd.f32 v55, v44;
	v40 =	vld [tilespmem:s18+$0x40B0];
	[tilespmem:s16+$0x7CD0] =	vst v41  }
0x22f: {  	v26 =	vadd.f32 v56, v34;
	v25 =	vadd.f32 v43, v51;
	v41 =	vld [tilespmem:s18+$0x40C0];
	v42 =	vmul.f32 v24, v42;
	[tilespmem:s16+$0x7CE0] =	vst v45  }
0x230: {  	s19 =	sadd.s32 $0x400, s19;
	v27 =	vadd.f32 v47, v52;
	v24 =	vadd.f32 v50, v46;
	v43 =	vld [tilespmem:s18+$0x40D0];
	v34 =	vpop (erf)  }
0x231: {  	v44 =	vld [tilespmem:s18+$0x40E0]  }
0x232: {  	v45 =	vld [tilespmem:s18+$0x40F0]  }
0x233: {  	v46 =	vld [tilespmem:s18+$0x2C00]  }
0x234: {  	v47 =	vld [tilespmem:s18+$0x6800]  }
0x235: {  	v48 =	vld [tilespmem:s18+$0x2C10]  }
0x236: {  	v49 =	vld [tilespmem:s18+$0x6810]  }
0x237: {  	v50 =	vld [tilespmem:s18+$0x2C20]  }
0x238: {  	v51 =	vld [tilespmem:s18+$0x6820]  }
0x239: {  	v52 =	vld [tilespmem:s18+$0x2C30]  }
0x23a: {  	v53 =	vld [tilespmem:s18+$0x6830]  }
0x23b: {  	v54 =	vld [tilespmem:s18+$0x2C40]  }
0x23c: {  	v55 =	vld [tilespmem:s18+$0x6840]  }
0x23d: {  	v33 =	vadd.f32 v36, v35;
	v35 =	vadd.f32 v39, v37;
	v37 =	vld [tilespmem:s18+$0x2C50]  }
0x23e: {  	v31 =	vsub.f32 v29, v31;
	v39 =	vld [tilespmem:s18+$0x6850]  }
0x23f: {  	v32 =	vsub.f32 v28, v32;
	v56 =	vld [tilespmem:s18+$0x6860];
	v62 =	vsub.f32 v26, v38  }
0x240: {  	v57 =	vld [tilespmem:s18+$0x2C70];
	v63 =	vsub.f32 v25, v40;
	v31 =	vmul.f32 v31, v31;
	v60 =	vsub.f32 v27, v41  }
0x241: {  	v58 =	vld [tilespmem:s18+$0x6870];
	v32 =	vmul.f32 v32, v32;
	v36 =	vmul.f32 v62, v62;
	v43 =	vsub.f32 v24, v43  }
0x242: {  	v59 =	vld [tilespmem:s18+$0x4000];
	v44 =	vsub.f32 v33, v44;
	v45 =	vsub.f32 v35, v45;
	v40 =	vmul.f32 v60, v60  }
0x243: {  	v61 =	vld [tilespmem:s18+$0x4070];
	v38 =	vmul.f32 v63, v63;
	v43 =	vmul.f32 v43, v43  }
0x244: {  	v41 =	vld [tilespmem:s18+$0x2C60];
	v44 =	vmul.f32 v44, v44;
	v45 =	vmul.f32 v45, v45;
	v40 =	vadd.f32 v40, v31  }
0x245: {  	v60 =	vld [tilespmem:s18+$0x4010];
	v31 =	vadd.f32 v49, v48;
	v43 =	vadd.f32 v43, v32  }
0x246: {  	v48 =	vld [tilespmem:s18+$0x4060];
	v36 =	vadd.f32 v44, v36;
	v38 =	vadd.f32 v45, v38  }
0x247: {  	v39 =	vadd.f32 v39, v37;
	v32 =	vadd.f32 v47, v46;
	v46 =	vld [tilespmem:s18+$0x4040]  }
0x248: {  	v47 =	vld [tilespmem:s18+$0x4050];
	v43 =	vadd.f32 v43, v40;
	v38 =	vadd.f32 v38, v36  }
0x249: {  	v37 =	vadd.f32 v56, v41;
	v41 =	vadd.f32 v58, v57;
	v44 =	vld [tilespmem:s18+$0x4020]  }
0x24a: {  	v45 =	vld [tilespmem:s18+$0x4030];
	v63 =	vsub.f32 v31, v60;
	v43 =	vadd.f32 v38, v43  }
0x24b: {  	v40 =	vadd.f32 v51, v50;
	v49 =	vsub.f32 v41, v61  }
0x24c: {  	v62 =	vsub.f32 v32, v59;
	v36 =	vadd.f32 v53, v52;
	v56 =	vmul.f32 v63, v63;
	(xrf2) =	vadd.scan.msk.f32 $0xffff, v43  }
0x24d: {  	v48 =	vsub.f32 v37, v48;
	v49 =	vmul.f32 v49, v49;
	v38 =	vadd.f32 v55, v54  }
0x24e: {  	v55 =	vmul.f32 v62, v62;
	v47 =	vsub.f32 v39, v47;
	v54 =	vsub.f32 v40, v44  }
0x24f: {  	v45 =	vsub.f32 v36, v45;
	v48 =	vmul.f32 v48, v48;
	v46 =	vsub.f32 v38, v46  }
0x250: {  	v47 =	vmul.f32 v47, v47;
	v43 =	vmul.f32 v54, v54  }
0x251: {  	v45 =	vmul.f32 v45, v45;
	v46 =	vmul.f32 v46, v46  }
0x252: {  	v57 =	vadd.f32 v47, v56;
	v43 =	vadd.f32 v48, v43  }
0x253: {  	v58, _, _ =	vpop (xrf2);
	v45 =	vadd.f32 v49, v45;
	v44 =	vadd.f32 v46, v55  }
0x254: {  	v47 =	vbroadcast v58, $0xF  }
0x255: {  	v43 =	vadd.f32 v45, v43;
	v44 =	vadd.f32 v57, v44  }
0x256: {  	v59 =	vshra.s32 v47, $0x1;
	v60 =	vmul.f32 $5.000000000e-01, v47;
	v61, _, _ =	vpop (xrf2)  }
0x257: {  	v45 =	vsub.s32 $0x5F3759DF, v59;
	v43 =	vadd.f32 v43, v44;
	v48 =	vbroadcast v61, $0xF  }
0x258: {  	v62 =	vmul.f32 v45, v60  }
0x259: {  	(xrf2) =	vadd.scan.msk.f32 $0xffff, v43;
	v63 =	vshra.s32 v48, $0x1;
	v52 =	vmul.f32 $5.000000000e-01, v48  }
0x25a: {  	v53 =	vmul.f32 v45, v62;
	v54 =	vsub.s32 $0x5F3759DF, v63  }
0x25b: {  	v30 =	vmul.f32 v42, v30;
	v55 =	vmul.f32 v54, v52  }
0x25c: {  	v43 =	vsub.f32 $1.500000000e+00, v53  }
0x25d: {  	v30 =	vadd.f32 $-1.200000000e+01, v30;
	v42 =	vmul.f32 v54, v55  }
0x25e: {  	v43 =	vmul.f32 v45, v43  }
0x25f: {  	v30 =	vmul.f32 $1.442695020e+00, v30;
	v42 =	vsub.f32 $1.500000000e+00, v42  }
0x260: {  	v45 =	vmul.f32 v43, v60  }
0x261: {  	(erf) = vpow2.f32 v30;
	v56 =	vmul.f32 v54, v42  }
0x262: {  	v57 =	vmul.f32 v45, v43  }
0x263: {  	v58, _, _ =	vpop (xrf2);
	v44 =	vmul.f32 v56, v52  }
0x264: {  	v42 =	vsub.f32 $1.500000000e+00, v57;
	v45 =	vbroadcast v58, $0xF  }
0x265: {  	v44 =	vmul.f32 v44, v56  }
0x266: {  	v42 =	vmul.f32 v42, v43;
	v59 =	vshra.s32 v45, $0x1;
	v60 =	vmul.f32 $5.000000000e-01, v45  }
0x267: {  	v43 =	vsub.s32 $0x5F3759DF, v59;
	v44 =	vsub.f32 $1.500000000e+00, v44  }
0x268: {  	v34 =	vadd.f32 $1.000000000e+00, v34;
	v42 =	vmul.f32 v42, v47;
	v61 =	vmul.f32 v43, v60  }
0x269: {  	v30 =	vmul.f32 v44, v56  }
0x26a: {  	(erf) = vrcp.f32 v34;
	v62 =	vpop (erf);
	v42 =	vadd.f32 $-1.200000000e+01, v42;
	v63 =	vmul.f32 v43, v61  }
0x26b: {  	v34 =	vadd.f32 $1.000000000e+00, v62;
	v30 =	vmul.f32 v30, v48  }
0x26c: {  	v42 =	vmul.f32 $1.442695020e+00, v42;
	v44 =	vsub.f32 $1.500000000e+00, v63  }
0x26d: {  	(erf) = vrcp.f32 v34;
	v30 =	vadd.f32 $-1.200000000e+01, v30  }
0x26e: {  	(erf) = vpow2.f32 v42;
	v49 =	vmul.f32 v43, v44  }
0x26f: {  	v30 =	vmul.f32 $1.442695020e+00, v30  }
0x270: {  	v50 =	vmul.f32 v49, v60  }
0x271: {  	(erf) = vpow2.f32 v30  }
0x272: {  	v51 =	vmul.f32 v50, v49  }
0x273: {  	v52 =	vpop (erf)  }
0x274: {  	v2 =	vmul.f32 v52, v2;
	v30 =	vsub.f32 $1.500000000e+00, v51  }
0x275: {  	v3 =	vmul.f32 v52, v3  }
0x276: {  	v11 =	vmul.f32 v52, v11;
	v53 =	vpop (erf);
	[tilespmem:s16+$0x7C00] =	vst v2;
	v30 =	vmul.f32 v30, v49  }
0x277: {  	v54 =	vmul.f32 v52, v7;
	[tilespmem:s16+$0x7C10] =	vst v3;
	v55 =	vpop (erf)  }
0x278: {  	[tilespmem:s16+$0x7C20] =	vst v11;
	v56 =	vmul.f32 v53, v15;
	v7 =	vadd.f32 $1.000000000e+00, v55;
	v57 =	vmul.f32 v30, v45  }
0x279: {  	v0 =	vmul.f32 v52, v0;
	[tilespmem:s16+$0x7C30] =	vst v54  }
0x27a: {  	v1 =	vmul.f32 v52, v1;
	[tilespmem:s17+$0x7CF0] =	vst v56;
	(erf) = vrcp.f32 v7;
	v59 =	vadd.f32 $-1.200000000e+01, v57;
	v58 =	vpop (erf)  }
0x27b: {  	v61 =	vmul.f32 v52, v5;
	[tilespmem:s16+$0x7C40] =	vst v0;
	v3 =	vadd.f32 $1.000000000e+00, v58  }
0x27c: {  	[tilespmem:s16+$0x7C50] =	vst v1;
	v60 =	vmul.f32 v52, v4;
	v62 =	vmul.f32 $1.442695020e+00, v59  }
0x27d: {  	v63 =	vmul.f32 v53, v14;
	[tilespmem:s16+$0x7C70] =	vst v61;
	(erf) = vrcp.f32 v3  }
0x27e: {  	v11 =	vmul.f32 v53, v13;
	[tilespmem:s16+$0x7C60] =	vst v60;
	(erf) = vpow2.f32 v62  }
0x27f: {  	v13 =	vmul.f32 v53, v9;
	[tilespmem:s17+$0x7C80] =	vst v63  }
0x280: {  	v14 =	vmul.f32 v53, v10;
	[tilespmem:s17+$0x7CA0] =	vst v11  }
0x281: {  	v2 =	vmul.f32 v53, v6;
	[tilespmem:s17+$0x7CC0] =	vst v13  }
0x282: {  	[tilespmem:s17+$0x7CD0] =	vst v14;
	v7 =	vmul.f32 v53, v12  }
0x283: {  	[tilespmem:s17+$0x7CE0] =	vst v2;
	v12 =	vmul.f32 v53, v8;
	v15 =	vpop (erf)  }
0x284: {  	[tilespmem:s17+$0x7C90] =	vst v7;
	v19 =	vmul.f32 v15, v19  }
0x285: {  	[tilespmem:s17+$0x7CB0] =	vst v12;
	v30 =	vmul.f32 v15, v23  }
0x286: {  	v34 =	vmul.f32 v15, v21;
	[tilespmem:s17+$0x7C00] =	vst v19;
	v42 =	vpop (erf)  }
0x287: {  	v43 =	vmul.f32 v15, v18;
	[tilespmem:s17+$0x7C10] =	vst v30;
	v4 =	vpop (erf)  }
0x288: {  	[tilespmem:s17+$0x7C20] =	vst v34;
	v44 =	vmul.f32 v42, v35;
	v4 =	vadd.f32 $1.000000000e+00, v4  }
0x289: {  	v45 =	vmul.f32 v15, v20;
	[tilespmem:s17+$0x7C30] =	vst v43  }
0x28a: {  	v46 =	vmul.f32 v15, v17;
	[tilespmem:s18+$0x7CF0] =	vst v44;
	(erf) = vrcp.f32 v4  }
0x28b: {  	v47 =	vmul.f32 v15, v16;
	[tilespmem:s17+$0x7C40] =	vst v45  }
0x28c: {  	v48 =	vmul.f32 v15, v22;
	[tilespmem:s17+$0x7C50] =	vst v46  }
0x28d: {  	v49 =	vmul.f32 v42, v29;
	[tilespmem:s17+$0x7C60] =	vst v47  }
0x28e: {  	v50 =	vmul.f32 v42, v28;
	[tilespmem:s17+$0x7C70] =	vst v48  }
0x28f: {  	v51 =	vmul.f32 v42, v26;
	[tilespmem:s18+$0x7C80] =	vst v49  }
0x290: {  	v52 =	vmul.f32 v42, v25;
	[tilespmem:s18+$0x7C90] =	vst v50  }
0x291: {  	v53 =	vmul.f32 v42, v27;
	[tilespmem:s18+$0x7CA0] =	vst v51  }
0x292: {  	v54 =	vmul.f32 v42, v24;
	[tilespmem:s18+$0x7CB0] =	vst v52  }
0x293: {  	v0 =	vmul.f32 v42, v33;
	[tilespmem:s18+$0x7CC0] =	vst v53;
	v55 =	vpop (erf)  }
0x294: {  	[tilespmem:s18+$0x7CD0] =	vst v54;
	v56 =	vmul.f32 v55, v32  }
0x295: {  	[tilespmem:s18+$0x7CE0] =	vst v0;
	v57 =	vmul.f32 v55, v31  }
0x296: {  	v58 =	vmul.f32 v55, v40;
	[tilespmem:s18+$0x7C00] =	vst v56  }
0x297: {  	v59 =	vmul.f32 v55, v36;
	[tilespmem:s18+$0x7C10] =	vst v57  }
0x298: {  	v60 =	vmul.f32 v55, v38;
	[tilespmem:s18+$0x7C20] =	vst v58  }
0x299: {  	v61 =	vmul.f32 v55, v39;
	[tilespmem:s18+$0x7C30] =	vst v59  }
0x29a: {  	v62 =	vmul.f32 v55, v37;
	[tilespmem:s18+$0x7C40] =	vst v60  }
0x29b: {  	v63 =	vmul.f32 v55, v41;
	[tilespmem:s18+$0x7C50] =	vst v61  }
0x29c: {  	[tilespmem:s18+$0x7C60] =	vst v62  }
0x29d: {  	s14 =	sadd.s32 $0x280, s14;
	[tilespmem:s18+$0x7C70] =	vst v63  }
0x29e: {  	[spmem:s4] =	stream.indirect.scatter.add.f32 [tilespmem:s31], [sflag:$0x4], $0x80, s14, s29, $0xb8;
	[tilespmem:$0x1C880] =	vst v63  }
0x29f: {  	s14 =	simm.s32 @!p1 $0x3  }
0x2a0: {  	_ =	swait.ge @!p1 [sflag:s14], $0x80  }
0x2a1: {  	[sflag:s14] =	ssyncset.done @!p1 $0x0  }
0x2a2: {  	[sflag:s14] =	ssyncadd.s32 @!p1 $0xFFFFFF80  }
0x2a3: {  	s16 =	sshll.u32 @!p1 s15, $0x7;
	_ =	swait.ge @!p1 [sflag:s14], $0x80  }
0x2a4: {  	s15 =	smul.u32 @!p1 $0x28, s15;
	s17 =	simm.s32 @!p1 $0x2C00;
	[sflag:s14] =	ssyncset.done @!p1 $0x0  }
0x2a5: {  	[sflag:s14] =	ssyncadd.s32 @!p1 $0xFFFFFF80;
	s14 =	sand.u32 @!p1 $0x180, s16;
	s16 =	simm.s32 @!p1 $0x50  }
0x2a6: {  	[tilespmem:s17], [sflag:$0x2] =	stream.indirect.gather @!p1 [hbm4b:s1+s16], $0x80, s14, s16, $0xb8;
	[tilespmem:$0x1C880] =	vst v63  }
0x2a7: {  	p2 =	sgt.u32 @!p1 s13, $0x7A;
	s14 =	sadd.s32 @!p1 s11, s15  }
0x2a8: {  	p2 =	por p2, p1;
	s14 =	sshll.u32 @!p1 s14, $0x4  }
0x2a9: {  	s15 =	simm.s32 @!p1 $0x0;
	s16 =	simm.s32 @!p1 $0x6800;
	s14 =	sadd.s32 @!p1 s3, s14  }
0x2aa: {  	[tilespmem:s16], [sflag:$0x2] =	stream.linear.gather @!p1 [hbm4b:s14+s15], $0x1400, $0x38;
	[tilespmem:$0x1C880] =	vst v63  }
0x2ab: {  	s14 =	sshll.u32 @!p2 s13, $0x8  }
0x2ac: {  	s15 =	sadd.s32 @!p2 s14, s22  }
0x2ad: {  	s15 =	sshrl.u32 @!p2 s15, $0x3  }
0x2ae: {  	s17 =	simm.s32 @!p2 $0x0;
	s14 =	sand.u32 @!p2 $0x100, s14;
	s16 =	sadd.s32 @!p2 s2, s15  }
0x2af: {  	[tilespmem:s14], [sflag:$0x3] =	stream.linear.gather @!p2 [hbm4b:s16+s17], $0x80, $0x38;
	[tilespmem:$0x1C880] =	vst v63  }
0x2b0: {  	s13 =	sadd.s32 @!p1 $0x1, s13;
	s15 =	sadd.s32 @!p2 s6, s15;
	s14 =	sor.u32 @!p2 $0x200, s14  }
0x2b1: {  	[tilespmem:s14], [sflag:$0x3] =	stream.linear.gather @!p2 [hbm4b:s15+s17], $0x80, $0x38;
	[tilespmem:$0x1C880] =	vst v63  }
0x2b2: {  	p2 =	sne.s32 @!p1 s13, $0x7D  }
0x2b3: {  	p1 =	por p1, !p2  }
.Ltmp2:
0x2b4: {  	_ = 	snop;
	(pc) =	sbr.rel @!p1 .LBB2_2-.Ltmp2, $1  }
0x2b5: {  	_ =	sdelay $0x3  }
0x2b6: {  	_ =	swait.ge [sflag:s9], $0x1400  }
0x2b7: {  	[sflag:s9] =	ssyncset.done $0x0  }
0x2b8: {  	[sflag:s9] =	ssyncadd.s32 $0xFFFFEC00  }
0x2b9: {  	[bflag:$0x0] =	sbarrier.arrive $0xFFFF  }
0x2ba: {  	[hbm:s21], [sflag:s10] =	dma.local [spmem:s12], $0x2700  }
0x2bb: {  	s28 =	sadd.s32 $0x1, s28;
	_ =	swait.ge [sflag:s25], $0x2700  }
0x2bc: {  	p1 =	sne.s32 s28, s24;
	[sflag:s25] =	ssyncset.done $0x0  }
.Ltmp3:
0x2bd: {  	s12 =	simm.s32 @!p0 $0x5;
	[sflag:s25] =	ssyncadd.s32 $0xFFFFD900;
	(pc) =	sbr.rel @p1 .LBB2_1-.Ltmp3, $4  }
0x2be: {  	[hbm:s23], [sflag:s10] =	dma.local @!p0 [spmem:s30], $0x100  }
0x2bf: {  	_ =	swait.ge @!p0 [sflag:s12], $0x100  }
0x2c0: {  	[sflag:s12] =	ssyncset.done @!p0 $0x0  }
0x2c1: {  	[sflag:s12] =	ssyncadd.s32 @!p0 $0xFFFFFF00  }
0x2c2: {  	_ =	sfence.sel $0x180000  }
0x2c3: {  	[bflag:$0x0] =	sbarrier.arrive $0xFFFF  }
0x2c4: {  	_ =	strace $0x90000047  }
0x2c5: {  	[bflag:$0x2] =	sbarrier.arrive $0xFFFF  }
0x2c6: {  	s0 =	rddreg [dreg:$0x5]  }
0x2c7: {  	s0 =	sadd.s32 @!p0 $0x100000, s0  }
0x2c8: {  	[sflag:s0] =	ssyncadd.tile.s32 @!p0 $0x1;
	_ =	shalt  }
.Lfunc_end2:
_tile_overlayer_lowered:
.L_overlay_start_2:
0x2c9: {  	(tag) =	ssettag $0x2  }
0x2ca: {  	s0 =	rddreg [dreg:$0x0];
	s2 =	stileid.u32  }
0x2cb: {  	s1 =	rddreg [dreg:$0x1];
	p0 =	sne.s32 s2, $0x0  }
0x2cc: {  	s3 =	rddreg [dreg:$0x2];
	[bflag:$0x3] =	sbarrier.arrive $0xFFFF;
	s2 =	simm.s32 @!p0 $0x1C05  }
0x2cd: {  	[timem:s3], [sflag:s2] =	dma.local @!p0 [hbm:s0], s1  }
0x2ce: {  	s0 =	simm.s32 @!p0 $0x5  }
0x2cf: {  	_ =	swait.ge @!p0 [sflag:s0], s1  }
0x2d0: {  	s1 =	ssub.s32 @!p0 $0x0, s1;
	[sflag:s0] =	ssyncset.done @!p0 $0x0  }
0x2d1: {  	[sflag:s0] =	ssyncadd.s32 @!p0 s1  }
0x2d2: {  	[bflag:$0x3] =	sbarrier.arrive $0xFFFF  }
0x2d3: {  	_ =	shalt  }

</sc_bundles>
